<compile_context>
chip_gen: v7x
topology: tpu7x:2x2x1
jax: 0.10.2.dev20260603
libtpu: 0.0.44.dev20260713+nightly
codegen_flags: <defaults>
</compile_context>

<pallas_src>
import functools

import jax
import jax.numpy as jnp
from jax import lax
from jax.experimental import pallas as pl
from jax.experimental.pallas import tpu as pltpu
from jax.experimental.pallas import tpu_sc as plsc

NC = 2
NS = 16
NW = NC * NS
K = 128


def _sc_agg_body(nch, rpt, h_hbm, src_hbm, dst_hbm, zeros_hbm, agg_hbm,
                 src_v, dst_v, rows_a, rows_b, acc_sh, sem_a, sem_b):
    c = lax.axis_index("c")
    s = lax.axis_index("s")
    wid = c * NS + s
    nwin = nch // 2
    pltpu.sync_copy(zeros_hbm, acc_sh.at[pl.ds(s * rpt, rpt)])
    plsc.subcore_barrier()

    def do_window(w):
        pltpu.sync_copy(src_hbm.at[wid, pl.ds(w * nwin, nwin)], src_v)
        pltpu.async_copy(h_hbm.at[src_v.at[0]], rows_a, sem_a)
        pltpu.async_copy(h_hbm.at[src_v.at[1]], rows_b, sem_b)
        pltpu.sync_copy(dst_hbm.at[wid, pl.ds(w * nwin, nwin)], dst_v)

        def chunk2(i, _):
            j = 2 * i
            pltpu.make_async_copy(h_hbm.at[src_v.at[j]], rows_a, sem_a).wait()
            pltpu.sync_copy(rows_a, acc_sh.at[dst_v.at[j]], add=True)

            @pl.when(j + 2 < nwin)
            def _next_a():
                pltpu.async_copy(h_hbm.at[src_v.at[j + 2]], rows_a, sem_a)

            pltpu.make_async_copy(h_hbm.at[src_v.at[j + 1]], rows_b, sem_b).wait()
            pltpu.sync_copy(rows_b, acc_sh.at[dst_v.at[j + 1]], add=True)

            @pl.when(j + 3 < nwin)
            def _next_b():
                pltpu.async_copy(h_hbm.at[src_v.at[j + 3]], rows_b, sem_b)

            return _

        lax.fori_loop(0, nwin // 2, chunk2, 0)

    do_window(0)
    do_window(1)
    plsc.subcore_barrier()
    pltpu.sync_copy(acc_sh.at[pl.ds(s * rpt, rpt)], agg_hbm.at[c, pl.ds(s * rpt, rpt)])


@functools.lru_cache(maxsize=None)
def _make_sc_agg(n, d, nch):
    nacc = (n // 128 + 1) * 128
    rpt = nacc // NS
    mesh = plsc.VectorSubcoreMesh(core_axis_name="c", subcore_axis_name="s")
    return pl.kernel(
        functools.partial(_sc_agg_body, nch, rpt),
        out_type=jax.ShapeDtypeStruct((NC, nacc, d), jnp.float32),
        mesh=mesh,
        scratch_types=[
            pltpu.VMEM((nch // 2, K), jnp.int32),
            pltpu.VMEM((nch // 2, K), jnp.int32),
            pltpu.VMEM((K, d), jnp.float32),
            pltpu.VMEM((K, d), jnp.float32),
            pltpu.VMEM_SHARED((nacc, d), jnp.float32),
            pltpu.SemaphoreType.DMA,
            pltpu.SemaphoreType.DMA,
        ],
    )


def _dense_body(h_ref, a0_ref, a1_ref, ws_ref, wa_ref, b_ref, o_ref):
    agg = a0_ref[0] + a1_ref[0]
    acc = jnp.dot(h_ref[...], ws_ref[...], preferred_element_type=jnp.float32)
    acc = acc + jnp.dot(agg, wa_ref[...], preferred_element_type=jnp.float32)
    o_ref[...] = jnp.maximum(acc + b_ref[...], 0.0)


@functools.lru_cache(maxsize=None)
def _make_dense(n, d, bl):
    return pl.pallas_call(
        _dense_body,
        grid=(n // bl,),
        in_specs=[
            pl.BlockSpec((bl, d), lambda i: (i, 0)),
            pl.BlockSpec((1, bl, d), lambda i: (0, i, 0)),
            pl.BlockSpec((1, bl, d), lambda i: (1, i, 0)),
            pl.BlockSpec((d, d), lambda i: (0, 0)),
            pl.BlockSpec((d, d), lambda i: (0, 0)),
            pl.BlockSpec((1, d), lambda i: (0, 0)),
        ],
        out_specs=pl.BlockSpec((bl, d), lambda i: (i, 0)),
        out_shape=jax.ShapeDtypeStruct((n, d), jnp.float32),
    )


def kernel(e_nodes, edge_index, x_nodes, W_self, W_agg, b):
    B, n, d = e_nodes.shape
    e = edge_index.shape[1]
    num_layers = W_self.shape[0]

    ept = -(-e // NW)
    nch = -(-ept // K)
    nch += nch % 2
    pad = NW * nch * K - e

    src = edge_index[0]
    dst = edge_index[1]
    nacc = (n // 128 + 1) * 128
    pad_dst = n + jnp.arange(pad, dtype=jnp.int32) % (nacc - n)
    pad_src = jnp.arange(pad, dtype=jnp.int32) % n
    src_p = jnp.concatenate([src, pad_src]).reshape(NW, nch, K)
    dst_p = jnp.concatenate([dst, pad_dst]).reshape(NW, nch, K)
    zeros = jnp.zeros((nacc // NS, d), jnp.float32)

    sc_agg = _make_sc_agg(n, d, nch)
    dense = _make_dense(n, d, 1000)

    h = e_nodes[0]
    for l in range(num_layers):
        agg = sc_agg(h, src_p, dst_p, zeros)
        h = dense(h, agg, agg, W_self[l], W_agg[l], b[l].reshape(1, d))

    out = jnp.concatenate([x_nodes[..., :4], h[None]], axis=2)
    return (out, edge_index)

# --- scband reference (transcript-rebuilt; emitter-appended) ---
"""Pipeline reference for scband-processor-47528108097779 (READ-ONLY COPY).

The authoritative reference and input builder live on the scoring server;
editing this copy changes nothing except your own understanding.
"""

import jax, jax.numpy as jnp
import numpy as np

NUM_LAYERS = 4
EMB = 128
N = 10000
E = 320000
B = 1
CH = (0, 1, 2, 3)


def setup_inputs(seed: int = 0) -> dict:
    key = jax.random.key(seed)
    ks = jax.random.split(key, 6)
    e_nodes = jax.random.normal(ks[0], (B, N, EMB), dtype=jnp.float32)
    edge_index = jax.random.randint(ks[1], (2, E), 0, N, dtype=jnp.int32)
    x_nodes = jax.random.normal(ks[2], (B, N, EMB), dtype=jnp.float32)
    scale = 1.0 / np.sqrt(EMB)
    W_self = jax.random.normal(ks[3], (NUM_LAYERS, EMB, EMB), dtype=jnp.float32) * scale
    W_agg = jax.random.normal(ks[4], (NUM_LAYERS, EMB, EMB), dtype=jnp.float32) * scale
    b = jnp.zeros((NUM_LAYERS, EMB), dtype=jnp.float32)
    return {"e_nodes": e_nodes, "edge_index": edge_index, "x_nodes": x_nodes,
            "W_self": W_self, "W_agg": W_agg, "b": b}


def reference(e_nodes, edge_index, x_nodes, W_self, W_agg, b):
    # MessagePassingGNN: num_layers rounds of gather(src) -> scatter-add(dst) -> dense update + ReLU
    h = e_nodes
    src = edge_index[0]
    dst = edge_index[1]
    for l in range(NUM_LAYERS):
        msgs = jnp.take(h, src, axis=1)                      # gather: [B, E, d]
        agg = jnp.zeros_like(h).at[:, dst, :].add(msgs)      # scatter-add at dst: [B, N, d]
        h = jax.nn.relu(jnp.einsum('bnd,de->bne', h, W_self[l])
                        + jnp.einsum('bnd,de->bne', agg, W_agg[l])
                        + b[l])
    # Processor.forward: concat static channels of raw input x to processor node output (dim=2)
    out_nodes_w_static = jnp.concatenate([x_nodes[..., jnp.array(CH)], h], axis=2)
    return (out_nodes_w_static, edge_index)

if __name__ == "__main__":
    import jax
    _d = setup_inputs()
    print(jax.jit(kernel)(*tuple(_d.values())))

</pallas_src>

<mosaic_0001>
#map = affine_map<(d0, d1) -> (0, 0)>
#map1 = affine_map<(d0, d1) -> (0, 0, 0)>
module attributes {stable_mosaic.version = 14 : i64} {
  func.func @_sc_agg_body(%arg0: i32, %arg1: i32, %arg2: memref<10000x128xf32, #tpu.memory_space<hbm>>, %arg3: memref<32x80x128xi32, #tpu.memory_space<hbm>>, %arg4: memref<32x80x128xi32, #tpu.memory_space<hbm>>, %arg5: memref<632x128xf32, #tpu.memory_space<hbm>>, %arg6: memref<2x10112x128xf32, #tpu.memory_space<hbm>>, %arg7: memref<40x128xi32, #tpu.memory_space<vmem>>, %arg8: memref<40x128xi32, #tpu.memory_space<vmem>>, %arg9: memref<128x128xf32, #tpu.memory_space<vmem>>, %arg10: memref<128x128xf32, #tpu.memory_space<vmem>>, %arg11: memref<10112x128xf32, #tpu.memory_space<vmem_shared>>, %arg12: memref<!tpu.dma_semaphore, #tpu.memory_space<semaphore_mem>>, %arg13: memref<!tpu.dma_semaphore, #tpu.memory_space<semaphore_mem>>) attributes {dimension_semantics = [#tpu.dimension_semantics<core_parallel>, #tpu.dimension_semantics<subcore_parallel>], iteration_bounds = array<i64: 2, 16>, scalar_prefetch = 0 : i64, scratch_operands = 7 : i64, tpu.core_type = #tpu.core_type<sc_vector_subcore>, window_params = [{transform_indices = #map}, {transform_indices = #map1}, {transform_indices = #map1}, {transform_indices = #map}, {transform_indices = #map1}]} {
    %mul3A = arith.constant 16 : i32
    %mul3A_0 = arith.muli %arg0, %mul3A : i32
    %add3A = arith.addi %mul3A_0, %arg1 : i32
    %mul3A_1 = arith.constant 632 : i32
    %mul3A_2 = arith.muli %arg1, %mul3A_1 : i32
    "tpu.region"() ({
      %run_scoped3A = tpu.sem_alloc : memref<!tpu.dma_semaphore, #tpu.memory_space<semaphore_mem>>
      %dma_start3A_46 = arith.constant 0 : i32
      %dma_start3A_47 = tpu.memref_slice %arg11[%mul3A_2, %dma_start3A_46] : memref<10112x128xf32, #tpu.memory_space<vmem_shared>> -> memref<632x128xf32, #tpu.memory_space<vmem_shared>>
      tpu.enqueue_dma source(%arg5 : memref<632x128xf32, #tpu.memory_space<hbm>>) target(%dma_start3A_47 : memref<632x128xf32, #tpu.memory_space<vmem_shared>>) target_semaphore(%run_scoped3A : memref<!tpu.dma_semaphore, #tpu.memory_space<semaphore_mem>>)
      %dma_wait3A = arith.constant 0 : i32
      %dma_wait3A_48 = tpu.memref_slice %arg11[%mul3A_2, %dma_wait3A] : memref<10112x128xf32, #tpu.memory_space<vmem_shared>> -> memref<632x128xf32, #tpu.memory_space<vmem_shared>>
      tpu.wait_dma2 semaphore(%run_scoped3A : memref<!tpu.dma_semaphore, #tpu.memory_space<semaphore_mem>>) src(%arg5 : memref<632x128xf32, #tpu.memory_space<hbm>>) dst(%dma_wait3A_48 : memref<632x128xf32, #tpu.memory_space<vmem_shared>>)
      tpu.yield
    }) : () -> ()
    %barrier3A = arith.constant 0 : index
    tpu.barrier barrier_id(%barrier3A)
    "tpu.region"() ({
      %run_scoped3A = tpu.sem_alloc : memref<!tpu.dma_semaphore, #tpu.memory_space<semaphore_mem>>
      %dma_start3A_46 = arith.constant 0 : i32
      %dma_start3A_47 = arith.constant 0 : i32
      %dma_start3A_48 = tpu.memref_slice %arg3[%add3A, %dma_start3A_46, %dma_start3A_47] : memref<32x80x128xi32, #tpu.memory_space<hbm>> -> memref<1x40x128xi32, #tpu.memory_space<hbm>>
      %dma_start3A_49 = tpu.memref_squeeze %dma_start3A_48 : memref<1x40x128xi32, #tpu.memory_space<hbm>> -> memref<40x128xi32, #tpu.memory_space<hbm>>
      %dma_start3A_50 = arith.constant 0 : i32
      %dma_start3A_51 = arith.constant 0 : i32
      %dma_start3A_52 = tpu.memref_slice %arg3[%add3A, %dma_start3A_50, %dma_start3A_51] : memref<32x80x128xi32, #tpu.memory_space<hbm>> -> memref<1x40x128xi32, #tpu.memory_space<hbm>>
      %dma_start3A_53 = tpu.memref_squeeze %dma_start3A_52 : memref<1x40x128xi32, #tpu.memory_space<hbm>> -> memref<40x128xi32, #tpu.memory_space<hbm>>
      tpu.enqueue_dma source(%dma_start3A_53 : memref<40x128xi32, #tpu.memory_space<hbm>>) target(%arg7 : memref<40x128xi32, #tpu.memory_space<vmem>>) target_semaphore(%run_scoped3A : memref<!tpu.dma_semaphore, #tpu.memory_space<semaphore_mem>>)
      %dma_wait3A = arith.constant 0 : i32
      %dma_wait3A_54 = arith.constant 0 : i32
      %dma_wait3A_55 = tpu.memref_slice %arg3[%add3A, %dma_wait3A, %dma_wait3A_54] : memref<32x80x128xi32, #tpu.memory_space<hbm>> -> memref<1x40x128xi32, #tpu.memory_space<hbm>>
      %dma_wait3A_56 = tpu.memref_squeeze %dma_wait3A_55 : memref<1x40x128xi32, #tpu.memory_space<hbm>> -> memref<40x128xi32, #tpu.memory_space<hbm>>
      %dma_wait3A_57 = arith.constant 0 : i32
      %dma_wait3A_58 = arith.constant 0 : i32
      %dma_wait3A_59 = tpu.memref_slice %arg3[%add3A, %dma_wait3A_57, %dma_wait3A_58] : memref<32x80x128xi32, #tpu.memory_space<hbm>> -> memref<1x40x128xi32, #tpu.memory_space<hbm>>
      %dma_wait3A_60 = tpu.memref_squeeze %dma_wait3A_59 : memref<1x40x128xi32, #tpu.memory_space<hbm>> -> memref<40x128xi32, #tpu.memory_space<hbm>>
      tpu.wait_dma2 semaphore(%run_scoped3A : memref<!tpu.dma_semaphore, #tpu.memory_space<semaphore_mem>>) src(%dma_wait3A_60 : memref<40x128xi32, #tpu.memory_space<hbm>>) dst(%arg7 : memref<40x128xi32, #tpu.memory_space<vmem>>)
      tpu.yield
    }) : () -> ()
    %dma_start3A = arith.constant 0 : i32
    %dma_start3A_3 = arith.constant 0 : i32
    %dma_start3A_4 = tpu.memref_slice %arg7[%dma_start3A, %dma_start3A_3] : memref<40x128xi32, #tpu.memory_space<vmem>> -> memref<1x128xi32, #tpu.memory_space<vmem>>
    %dma_start3A_5 = tpu.memref_squeeze %dma_start3A_4 : memref<1x128xi32, #tpu.memory_space<vmem>> -> memref<128xi32, #tpu.memory_space<vmem>>
    %dma_start3A_6 = arith.constant 0 : i32
    %dma_start3A_7 = arith.constant 0 : i32
    %dma_start3A_8 = tpu.memref_slice %arg2[%dma_start3A_6, %dma_start3A_7] : memref<10000x128xf32, #tpu.memory_space<hbm>> -> memref<10000x128xf32, #tpu.memory_space<hbm>>
    tpu.enqueue_indirect_dma source(%dma_start3A_8 : memref<10000x128xf32, #tpu.memory_space<hbm>>) target(%arg9 : memref<128x128xf32, #tpu.memory_space<vmem>>) offsets(%dma_start3A_5 : memref<128xi32, #tpu.memory_space<vmem>>) semaphore(%arg12 : memref<!tpu.dma_semaphore, #tpu.memory_space<semaphore_mem>>)
    %dma_start3A_9 = arith.constant 1 : i32
    %dma_start3A_10 = arith.constant 0 : i32
    %dma_start3A_11 = tpu.memref_slice %arg7[%dma_start3A_9, %dma_start3A_10] : memref<40x128xi32, #tpu.memory_space<vmem>> -> memref<1x128xi32, #tpu.memory_space<vmem>>
    %dma_start3A_12 = tpu.memref_squeeze %dma_start3A_11 : memref<1x128xi32, #tpu.memory_space<vmem>> -> memref<128xi32, #tpu.memory_space<vmem>>
    %dma_start3A_13 = arith.constant 0 : i32
    %dma_start3A_14 = arith.constant 0 : i32
    %dma_start3A_15 = tpu.memref_slice %arg2[%dma_start3A_13, %dma_start3A_14] : memref<10000x128xf32, #tpu.memory_space<hbm>> -> memref<10000x128xf32, #tpu.memory_space<hbm>>
    tpu.enqueue_indirect_dma source(%dma_start3A_15 : memref<10000x128xf32, #tpu.memory_space<hbm>>) target(%arg10 : memref<128x128xf32, #tpu.memory_space<vmem>>) offsets(%dma_start3A_12 : memref<128xi32, #tpu.memory_space<vmem>>) semaphore(%arg13 : memref<!tpu.dma_semaphore, #tpu.memory_space<semaphore_mem>>)
    "tpu.region"() ({
      %run_scoped3A = tpu.sem_alloc : memref<!tpu.dma_semaphore, #tpu.memory_space<semaphore_mem>>
      %dma_start3A_46 = arith.constant 0 : i32
      %dma_start3A_47 = arith.constant 0 : i32
      %dma_start3A_48 = tpu.memref_slice %arg4[%add3A, %dma_start3A_46, %dma_start3A_47] : memref<32x80x128xi32, #tpu.memory_space<hbm>> -> memref<1x40x128xi32, #tpu.memory_space<hbm>>
      %dma_start3A_49 = tpu.memref_squeeze %dma_start3A_48 : memref<1x40x128xi32, #tpu.memory_space<hbm>> -> memref<40x128xi32, #tpu.memory_space<hbm>>
      %dma_start3A_50 = arith.constant 0 : i32
      %dma_start3A_51 = arith.constant 0 : i32
      %dma_start3A_52 = tpu.memref_slice %arg4[%add3A, %dma_start3A_50, %dma_start3A_51] : memref<32x80x128xi32, #tpu.memory_space<hbm>> -> memref<1x40x128xi32, #tpu.memory_space<hbm>>
      %dma_start3A_53 = tpu.memref_squeeze %dma_start3A_52 : memref<1x40x128xi32, #tpu.memory_space<hbm>> -> memref<40x128xi32, #tpu.memory_space<hbm>>
      tpu.enqueue_dma source(%dma_start3A_53 : memref<40x128xi32, #tpu.memory_space<hbm>>) target(%arg8 : memref<40x128xi32, #tpu.memory_space<vmem>>) target_semaphore(%run_scoped3A : memref<!tpu.dma_semaphore, #tpu.memory_space<semaphore_mem>>)
      %dma_wait3A = arith.constant 0 : i32
      %dma_wait3A_54 = arith.constant 0 : i32
      %dma_wait3A_55 = tpu.memref_slice %arg4[%add3A, %dma_wait3A, %dma_wait3A_54] : memref<32x80x128xi32, #tpu.memory_space<hbm>> -> memref<1x40x128xi32, #tpu.memory_space<hbm>>
      %dma_wait3A_56 = tpu.memref_squeeze %dma_wait3A_55 : memref<1x40x128xi32, #tpu.memory_space<hbm>> -> memref<40x128xi32, #tpu.memory_space<hbm>>
      %dma_wait3A_57 = arith.constant 0 : i32
      %dma_wait3A_58 = arith.constant 0 : i32
      %dma_wait3A_59 = tpu.memref_slice %arg4[%add3A, %dma_wait3A_57, %dma_wait3A_58] : memref<32x80x128xi32, #tpu.memory_space<hbm>> -> memref<1x40x128xi32, #tpu.memory_space<hbm>>
      %dma_wait3A_60 = tpu.memref_squeeze %dma_wait3A_59 : memref<1x40x128xi32, #tpu.memory_space<hbm>> -> memref<40x128xi32, #tpu.memory_space<hbm>>
      tpu.wait_dma2 semaphore(%run_scoped3A : memref<!tpu.dma_semaphore, #tpu.memory_space<semaphore_mem>>) src(%dma_wait3A_60 : memref<40x128xi32, #tpu.memory_space<hbm>>) dst(%arg8 : memref<40x128xi32, #tpu.memory_space<vmem>>)
      tpu.yield
    }) : () -> ()
    %scan3A = arith.constant 0 : i32
    %scan3A_16 = arith.constant 0 : i32
    %scan3A_17 = arith.constant 20 : i32
    %scan3A_18 = arith.addi %scan3A_16, %scan3A_17 : i32
    %scan3A_19 = arith.constant 1 : i32
    scf.for %scan3A_46 = %scan3A_16 to %scan3A_18 step %scan3A_19  : i32 {
      %mul3A_47 = arith.constant 2 : i32
      %mul3A_48 = arith.muli %mul3A_47, %scan3A_46 : i32
      %dma_wait3A = arith.constant 0 : i32
      %dma_wait3A_49 = tpu.memref_slice %arg7[%mul3A_48, %dma_wait3A] : memref<40x128xi32, #tpu.memory_space<vmem>> -> memref<1x128xi32, #tpu.memory_space<vmem>>
      %dma_wait3A_50 = tpu.memref_squeeze %dma_wait3A_49 : memref<1x128xi32, #tpu.memory_space<vmem>> -> memref<128xi32, #tpu.memory_space<vmem>>
      %dma_wait3A_51 = arith.constant 0 : i32
      %dma_wait3A_52 = arith.constant 0 : i32
      %dma_wait3A_53 = tpu.memref_slice %arg2[%dma_wait3A_51, %dma_wait3A_52] : memref<10000x128xf32, #tpu.memory_space<hbm>> -> memref<10000x128xf32, #tpu.memory_space<hbm>>
      tpu.wait_indirect_dma semaphore(%arg12 : memref<!tpu.dma_semaphore, #tpu.memory_space<semaphore_mem>>) src(%dma_wait3A_53 : memref<10000x128xf32, #tpu.memory_space<hbm>>) dst(%arg9 : memref<128x128xf32, #tpu.memory_space<vmem>>)
      "tpu.region"() ({
        %run_scoped3A = tpu.sem_alloc : memref<!tpu.dma_semaphore, #tpu.memory_space<semaphore_mem>>
        %dma_start3A_75 = arith.constant 0 : i32
        %dma_start3A_76 = tpu.memref_slice %arg8[%mul3A_48, %dma_start3A_75] : memref<40x128xi32, #tpu.memory_space<vmem>> -> memref<1x128xi32, #tpu.memory_space<vmem>>
        %dma_start3A_77 = tpu.memref_squeeze %dma_start3A_76 : memref<1x128xi32, #tpu.memory_space<vmem>> -> memref<128xi32, #tpu.memory_space<vmem>>
        %dma_start3A_78 = arith.constant 0 : i32
        %dma_start3A_79 = arith.constant 0 : i32
        %dma_start3A_80 = tpu.memref_slice %arg11[%dma_start3A_78, %dma_start3A_79] : memref<10112x128xf32, #tpu.memory_space<vmem_shared>> -> memref<10112x128xf32, #tpu.memory_space<vmem_shared>>
        tpu.enqueue_indirect_dma source(%arg9 : memref<128x128xf32, #tpu.memory_space<vmem>>) target(%dma_start3A_80 : memref<10112x128xf32, #tpu.memory_space<vmem_shared>>) offsets(%dma_start3A_77 : memref<128xi32, #tpu.memory_space<vmem>>) semaphore(%run_scoped3A : memref<!tpu.dma_semaphore, #tpu.memory_space<semaphore_mem>>) {add = true}
        %dma_wait3A_81 = arith.constant 0 : i32
        %dma_wait3A_82 = tpu.memref_slice %arg8[%mul3A_48, %dma_wait3A_81] : memref<40x128xi32, #tpu.memory_space<vmem>> -> memref<1x128xi32, #tpu.memory_space<vmem>>
        %dma_wait3A_83 = tpu.memref_squeeze %dma_wait3A_82 : memref<1x128xi32, #tpu.memory_space<vmem>> -> memref<128xi32, #tpu.memory_space<vmem>>
        %dma_wait3A_84 = arith.constant 0 : i32
        %dma_wait3A_85 = arith.constant 0 : i32
        %dma_wait3A_86 = tpu.memref_slice %arg11[%dma_wait3A_84, %dma_wait3A_85] : memref<10112x128xf32, #tpu.memory_space<vmem_shared>> -> memref<10112x128xf32, #tpu.memory_space<vmem_shared>>
        tpu.wait_indirect_dma semaphore(%run_scoped3A : memref<!tpu.dma_semaphore, #tpu.memory_space<semaphore_mem>>) src(%arg9 : memref<128x128xf32, #tpu.memory_space<vmem>>) dst(%dma_wait3A_86 : memref<10112x128xf32, #tpu.memory_space<vmem_shared>>)
        tpu.yield
      }) : () -> ()
      %add3A_54 = arith.constant 2 : i32
      %add3A_55 = arith.addi %mul3A_48, %add3A_54 : i32
      %lt3A = arith.constant 40 : i32
      %lt3A_56 = arith.cmpi slt, %add3A_55, %lt3A : i32
      %convert_element_type3A = arith.extui %lt3A_56 : i1 to i32
      %cond3A = arith.constant 0 : i32
      %cond3A_57 = arith.cmpi ne, %convert_element_type3A, %cond3A : i32
      scf.if %cond3A_57 {
        %add3A_75 = arith.constant 2 : i32
        %add3A_76 = arith.addi %mul3A_48, %add3A_75 : i32
        %dma_start3A_77 = arith.constant 0 : i32
        %dma_start3A_78 = tpu.memref_slice %arg7[%add3A_76, %dma_start3A_77] : memref<40x128xi32, #tpu.memory_space<vmem>> -> memref<1x128xi32, #tpu.memory_space<vmem>>
        %dma_start3A_79 = tpu.memref_squeeze %dma_start3A_78 : memref<1x128xi32, #tpu.memory_space<vmem>> -> memref<128xi32, #tpu.memory_space<vmem>>
        %dma_start3A_80 = arith.constant 0 : i32
        %dma_start3A_81 = arith.constant 0 : i32
        %dma_start3A_82 = tpu.memref_slice %arg2[%dma_start3A_80, %dma_start3A_81] : memref<10000x128xf32, #tpu.memory_space<hbm>> -> memref<10000x128xf32, #tpu.memory_space<hbm>>
        tpu.enqueue_indirect_dma source(%dma_start3A_82 : memref<10000x128xf32, #tpu.memory_space<hbm>>) target(%arg9 : memref<128x128xf32, #tpu.memory_space<vmem>>) offsets(%dma_start3A_79 : memref<128xi32, #tpu.memory_space<vmem>>) semaphore(%arg12 : memref<!tpu.dma_semaphore, #tpu.memory_space<semaphore_mem>>)
      } else {
      }
      %add3A_58 = arith.constant 1 : i32
      %add3A_59 = arith.addi %mul3A_48, %add3A_58 : i32
      %dma_wait3A_60 = arith.constant 0 : i32
      %dma_wait3A_61 = tpu.memref_slice %arg7[%add3A_59, %dma_wait3A_60] : memref<40x128xi32, #tpu.memory_space<vmem>> -> memref<1x128xi32, #tpu.memory_space<vmem>>
      %dma_wait3A_62 = tpu.memref_squeeze %dma_wait3A_61 : memref<1x128xi32, #tpu.memory_space<vmem>> -> memref<128xi32, #tpu.memory_space<vmem>>
      %dma_wait3A_63 = arith.constant 0 : i32
      %dma_wait3A_64 = arith.constant 0 : i32
      %dma_wait3A_65 = tpu.memref_slice %arg2[%dma_wait3A_63, %dma_wait3A_64] : memref<10000x128xf32, #tpu.memory_space<hbm>> -> memref<10000x128xf32, #tpu.memory_space<hbm>>
      tpu.wait_indirect_dma semaphore(%arg13 : memref<!tpu.dma_semaphore, #tpu.memory_space<semaphore_mem>>) src(%dma_wait3A_65 : memref<10000x128xf32, #tpu.memory_space<hbm>>) dst(%arg10 : memref<128x128xf32, #tpu.memory_space<vmem>>)
      %add3A_66 = arith.constant 1 : i32
      %add3A_67 = arith.addi %mul3A_48, %add3A_66 : i32
      "tpu.region"() ({
        %run_scoped3A = tpu.sem_alloc : memref<!tpu.dma_semaphore, #tpu.memory_space<semaphore_mem>>
        %dma_start3A_75 = arith.constant 0 : i32
        %dma_start3A_76 = tpu.memref_slice %arg8[%add3A_67, %dma_start3A_75] : memref<40x128xi32, #tpu.memory_space<vmem>> -> memref<1x128xi32, #tpu.memory_space<vmem>>
        %dma_start3A_77 = tpu.memref_squeeze %dma_start3A_76 : memref<1x128xi32, #tpu.memory_space<vmem>> -> memref<128xi32, #tpu.memory_space<vmem>>
        %dma_start3A_78 = arith.constant 0 : i32
        %dma_start3A_79 = arith.constant 0 : i32
        %dma_start3A_80 = tpu.memref_slice %arg11[%dma_start3A_78, %dma_start3A_79] : memref<10112x128xf32, #tpu.memory_space<vmem_shared>> -> memref<10112x128xf32, #tpu.memory_space<vmem_shared>>
        tpu.enqueue_indirect_dma source(%arg10 : memref<128x128xf32, #tpu.memory_space<vmem>>) target(%dma_start3A_80 : memref<10112x128xf32, #tpu.memory_space<vmem_shared>>) offsets(%dma_start3A_77 : memref<128xi32, #tpu.memory_space<vmem>>) semaphore(%run_scoped3A : memref<!tpu.dma_semaphore, #tpu.memory_space<semaphore_mem>>) {add = true}
        %dma_wait3A_81 = arith.constant 0 : i32
        %dma_wait3A_82 = tpu.memref_slice %arg8[%add3A_67, %dma_wait3A_81] : memref<40x128xi32, #tpu.memory_space<vmem>> -> memref<1x128xi32, #tpu.memory_space<vmem>>
        %dma_wait3A_83 = tpu.memref_squeeze %dma_wait3A_82 : memref<1x128xi32, #tpu.memory_space<vmem>> -> memref<128xi32, #tpu.memory_space<vmem>>
        %dma_wait3A_84 = arith.constant 0 : i32
        %dma_wait3A_85 = arith.constant 0 : i32
        %dma_wait3A_86 = tpu.memref_slice %arg11[%dma_wait3A_84, %dma_wait3A_85] : memref<10112x128xf32, #tpu.memory_space<vmem_shared>> -> memref<10112x128xf32, #tpu.memory_space<vmem_shared>>
        tpu.wait_indirect_dma semaphore(%run_scoped3A : memref<!tpu.dma_semaphore, #tpu.memory_space<semaphore_mem>>) src(%arg10 : memref<128x128xf32, #tpu.memory_space<vmem>>) dst(%dma_wait3A_86 : memref<10112x128xf32, #tpu.memory_space<vmem_shared>>)
        tpu.yield
      }) : () -> ()
      %add3A_68 = arith.constant 3 : i32
      %add3A_69 = arith.addi %mul3A_48, %add3A_68 : i32
      %lt3A_70 = arith.constant 40 : i32
      %lt3A_71 = arith.cmpi slt, %add3A_69, %lt3A_70 : i32
      %convert_element_type3A_72 = arith.extui %lt3A_71 : i1 to i32
      %cond3A_73 = arith.constant 0 : i32
      %cond3A_74 = arith.cmpi ne, %convert_element_type3A_72, %cond3A_73 : i32
      scf.if %cond3A_74 {
        %add3A_75 = arith.constant 3 : i32
        %add3A_76 = arith.addi %mul3A_48, %add3A_75 : i32
        %dma_start3A_77 = arith.constant 0 : i32
        %dma_start3A_78 = tpu.memref_slice %arg7[%add3A_76, %dma_start3A_77] : memref<40x128xi32, #tpu.memory_space<vmem>> -> memref<1x128xi32, #tpu.memory_space<vmem>>
        %dma_start3A_79 = tpu.memref_squeeze %dma_start3A_78 : memref<1x128xi32, #tpu.memory_space<vmem>> -> memref<128xi32, #tpu.memory_space<vmem>>
        %dma_start3A_80 = arith.constant 0 : i32
        %dma_start3A_81 = arith.constant 0 : i32
        %dma_start3A_82 = tpu.memref_slice %arg2[%dma_start3A_80, %dma_start3A_81] : memref<10000x128xf32, #tpu.memory_space<hbm>> -> memref<10000x128xf32, #tpu.memory_space<hbm>>
        tpu.enqueue_indirect_dma source(%dma_start3A_82 : memref<10000x128xf32, #tpu.memory_space<hbm>>) target(%arg10 : memref<128x128xf32, #tpu.memory_space<vmem>>) offsets(%dma_start3A_79 : memref<128xi32, #tpu.memory_space<vmem>>) semaphore(%arg13 : memref<!tpu.dma_semaphore, #tpu.memory_space<semaphore_mem>>)
      } else {
      }
    }
    %scan3A_20 = arith.constant 20 : i32
    "tpu.region"() ({
      %run_scoped3A = tpu.sem_alloc : memref<!tpu.dma_semaphore, #tpu.memory_space<semaphore_mem>>
      %dma_start3A_46 = arith.constant 40 : i32
      %dma_start3A_47 = arith.constant 0 : i32
      %dma_start3A_48 = tpu.memref_slice %arg3[%add3A, %dma_start3A_46, %dma_start3A_47] : memref<32x80x128xi32, #tpu.memory_space<hbm>> -> memref<1x40x128xi32, #tpu.memory_space<hbm>>
      %dma_start3A_49 = tpu.memref_squeeze %dma_start3A_48 : memref<1x40x128xi32, #tpu.memory_space<hbm>> -> memref<40x128xi32, #tpu.memory_space<hbm>>
      %dma_start3A_50 = arith.constant 40 : i32
      %dma_start3A_51 = arith.constant 0 : i32
      %dma_start3A_52 = tpu.memref_slice %arg3[%add3A, %dma_start3A_50, %dma_start3A_51] : memref<32x80x128xi32, #tpu.memory_space<hbm>> -> memref<1x40x128xi32, #tpu.memory_space<hbm>>
      %dma_start3A_53 = tpu.memref_squeeze %dma_start3A_52 : memref<1x40x128xi32, #tpu.memory_space<hbm>> -> memref<40x128xi32, #tpu.memory_space<hbm>>
      tpu.enqueue_dma source(%dma_start3A_53 : memref<40x128xi32, #tpu.memory_space<hbm>>) target(%arg7 : memref<40x128xi32, #tpu.memory_space<vmem>>) target_semaphore(%run_scoped3A : memref<!tpu.dma_semaphore, #tpu.memory_space<semaphore_mem>>)
      %dma_wait3A = arith.constant 40 : i32
      %dma_wait3A_54 = arith.constant 0 : i32
      %dma_wait3A_55 = tpu.memref_slice %arg3[%add3A, %dma_wait3A, %dma_wait3A_54] : memref<32x80x128xi32, #tpu.memory_space<hbm>> -> memref<1x40x128xi32, #tpu.memory_space<hbm>>
      %dma_wait3A_56 = tpu.memref_squeeze %dma_wait3A_55 : memref<1x40x128xi32, #tpu.memory_space<hbm>> -> memref<40x128xi32, #tpu.memory_space<hbm>>
      %dma_wait3A_57 = arith.constant 40 : i32
      %dma_wait3A_58 = arith.constant 0 : i32
      %dma_wait3A_59 = tpu.memref_slice %arg3[%add3A, %dma_wait3A_57, %dma_wait3A_58] : memref<32x80x128xi32, #tpu.memory_space<hbm>> -> memref<1x40x128xi32, #tpu.memory_space<hbm>>
      %dma_wait3A_60 = tpu.memref_squeeze %dma_wait3A_59 : memref<1x40x128xi32, #tpu.memory_space<hbm>> -> memref<40x128xi32, #tpu.memory_space<hbm>>
      tpu.wait_dma2 semaphore(%run_scoped3A : memref<!tpu.dma_semaphore, #tpu.memory_space<semaphore_mem>>) src(%dma_wait3A_60 : memref<40x128xi32, #tpu.memory_space<hbm>>) dst(%arg7 : memref<40x128xi32, #tpu.memory_space<vmem>>)
      tpu.yield
    }) : () -> ()
    %dma_start3A_21 = arith.constant 0 : i32
    %dma_start3A_22 = arith.constant 0 : i32
    %dma_start3A_23 = tpu.memref_slice %arg7[%dma_start3A_21, %dma_start3A_22] : memref<40x128xi32, #tpu.memory_space<vmem>> -> memref<1x128xi32, #tpu.memory_space<vmem>>
    %dma_start3A_24 = tpu.memref_squeeze %dma_start3A_23 : memref<1x128xi32, #tpu.memory_space<vmem>> -> memref<128xi32, #tpu.memory_space<vmem>>
    %dma_start3A_25 = arith.constant 0 : i32
    %dma_start3A_26 = arith.constant 0 : i32
    %dma_start3A_27 = tpu.memref_slice %arg2[%dma_start3A_25, %dma_start3A_26] : memref<10000x128xf32, #tpu.memory_space<hbm>> -> memref<10000x128xf32, #tpu.memory_space<hbm>>
    tpu.enqueue_indirect_dma source(%dma_start3A_27 : memref<10000x128xf32, #tpu.memory_space<hbm>>) target(%arg9 : memref<128x128xf32, #tpu.memory_space<vmem>>) offsets(%dma_start3A_24 : memref<128xi32, #tpu.memory_space<vmem>>) semaphore(%arg12 : memref<!tpu.dma_semaphore, #tpu.memory_space<semaphore_mem>>)
    %dma_start3A_28 = arith.constant 1 : i32
    %dma_start3A_29 = arith.constant 0 : i32
    %dma_start3A_30 = tpu.memref_slice %arg7[%dma_start3A_28, %dma_start3A_29] : memref<40x128xi32, #tpu.memory_space<vmem>> -> memref<1x128xi32, #tpu.memory_space<vmem>>
    %dma_start3A_31 = tpu.memref_squeeze %dma_start3A_30 : memref<1x128xi32, #tpu.memory_space<vmem>> -> memref<128xi32, #tpu.memory_space<vmem>>
    %dma_start3A_32 = arith.constant 0 : i32
    %dma_start3A_33 = arith.constant 0 : i32
    %dma_start3A_34 = tpu.memref_slice %arg2[%dma_start3A_32, %dma_start3A_33] : memref<10000x128xf32, #tpu.memory_space<hbm>> -> memref<10000x128xf32, #tpu.memory_space<hbm>>
    tpu.enqueue_indirect_dma source(%dma_start3A_34 : memref<10000x128xf32, #tpu.memory_space<hbm>>) target(%arg10 : memref<128x128xf32, #tpu.memory_space<vmem>>) offsets(%dma_start3A_31 : memref<128xi32, #tpu.memory_space<vmem>>) semaphore(%arg13 : memref<!tpu.dma_semaphore, #tpu.memory_space<semaphore_mem>>)
    "tpu.region"() ({
      %run_scoped3A = tpu.sem_alloc : memref<!tpu.dma_semaphore, #tpu.memory_space<semaphore_mem>>
      %dma_start3A_46 = arith.constant 40 : i32
      %dma_start3A_47 = arith.constant 0 : i32
      %dma_start3A_48 = tpu.memref_slice %arg4[%add3A, %dma_start3A_46, %dma_start3A_47] : memref<32x80x128xi32, #tpu.memory_space<hbm>> -> memref<1x40x128xi32, #tpu.memory_space<hbm>>
      %dma_start3A_49 = tpu.memref_squeeze %dma_start3A_48 : memref<1x40x128xi32, #tpu.memory_space<hbm>> -> memref<40x128xi32, #tpu.memory_space<hbm>>
      %dma_start3A_50 = arith.constant 40 : i32
      %dma_start3A_51 = arith.constant 0 : i32
      %dma_start3A_52 = tpu.memref_slice %arg4[%add3A, %dma_start3A_50, %dma_start3A_51] : memref<32x80x128xi32, #tpu.memory_space<hbm>> -> memref<1x40x128xi32, #tpu.memory_space<hbm>>
      %dma_start3A_53 = tpu.memref_squeeze %dma_start3A_52 : memref<1x40x128xi32, #tpu.memory_space<hbm>> -> memref<40x128xi32, #tpu.memory_space<hbm>>
      tpu.enqueue_dma source(%dma_start3A_53 : memref<40x128xi32, #tpu.memory_space<hbm>>) target(%arg8 : memref<40x128xi32, #tpu.memory_space<vmem>>) target_semaphore(%run_scoped3A : memref<!tpu.dma_semaphore, #tpu.memory_space<semaphore_mem>>)
      %dma_wait3A = arith.constant 40 : i32
      %dma_wait3A_54 = arith.constant 0 : i32
      %dma_wait3A_55 = tpu.memref_slice %arg4[%add3A, %dma_wait3A, %dma_wait3A_54] : memref<32x80x128xi32, #tpu.memory_space<hbm>> -> memref<1x40x128xi32, #tpu.memory_space<hbm>>
      %dma_wait3A_56 = tpu.memref_squeeze %dma_wait3A_55 : memref<1x40x128xi32, #tpu.memory_space<hbm>> -> memref<40x128xi32, #tpu.memory_space<hbm>>
      %dma_wait3A_57 = arith.constant 40 : i32
      %dma_wait3A_58 = arith.constant 0 : i32
      %dma_wait3A_59 = tpu.memref_slice %arg4[%add3A, %dma_wait3A_57, %dma_wait3A_58] : memref<32x80x128xi32, #tpu.memory_space<hbm>> -> memref<1x40x128xi32, #tpu.memory_space<hbm>>
      %dma_wait3A_60 = tpu.memref_squeeze %dma_wait3A_59 : memref<1x40x128xi32, #tpu.memory_space<hbm>> -> memref<40x128xi32, #tpu.memory_space<hbm>>
      tpu.wait_dma2 semaphore(%run_scoped3A : memref<!tpu.dma_semaphore, #tpu.memory_space<semaphore_mem>>) src(%dma_wait3A_60 : memref<40x128xi32, #tpu.memory_space<hbm>>) dst(%arg8 : memref<40x128xi32, #tpu.memory_space<vmem>>)
      tpu.yield
    }) : () -> ()
    %scan3A_35 = arith.constant 0 : i32
    %scan3A_36 = arith.constant 0 : i32
    %scan3A_37 = arith.constant 20 : i32
    %scan3A_38 = arith.addi %scan3A_36, %scan3A_37 : i32
    %scan3A_39 = arith.constant 1 : i32
    scf.for %scan3A_46 = %scan3A_36 to %scan3A_38 step %scan3A_39  : i32 {
      %mul3A_47 = arith.constant 2 : i32
      %mul3A_48 = arith.muli %mul3A_47, %scan3A_46 : i32
      %dma_wait3A = arith.constant 0 : i32
      %dma_wait3A_49 = tpu.memref_slice %arg7[%mul3A_48, %dma_wait3A] : memref<40x128xi32, #tpu.memory_space<vmem>> -> memref<1x128xi32, #tpu.memory_space<vmem>>
      %dma_wait3A_50 = tpu.memref_squeeze %dma_wait3A_49 : memref<1x128xi32, #tpu.memory_space<vmem>> -> memref<128xi32, #tpu.memory_space<vmem>>
      %dma_wait3A_51 = arith.constant 0 : i32
      %dma_wait3A_52 = arith.constant 0 : i32
      %dma_wait3A_53 = tpu.memref_slice %arg2[%dma_wait3A_51, %dma_wait3A_52] : memref<10000x128xf32, #tpu.memory_space<hbm>> -> memref<10000x128xf32, #tpu.memory_space<hbm>>
      tpu.wait_indirect_dma semaphore(%arg12 : memref<!tpu.dma_semaphore, #tpu.memory_space<semaphore_mem>>) src(%dma_wait3A_53 : memref<10000x128xf32, #tpu.memory_space<hbm>>) dst(%arg9 : memref<128x128xf32, #tpu.memory_space<vmem>>)
      "tpu.region"() ({
        %run_scoped3A = tpu.sem_alloc : memref<!tpu.dma_semaphore, #tpu.memory_space<semaphore_mem>>
        %dma_start3A_75 = arith.constant 0 : i32
        %dma_start3A_76 = tpu.memref_slice %arg8[%mul3A_48, %dma_start3A_75] : memref<40x128xi32, #tpu.memory_space<vmem>> -> memref<1x128xi32, #tpu.memory_space<vmem>>
        %dma_start3A_77 = tpu.memref_squeeze %dma_start3A_76 : memref<1x128xi32, #tpu.memory_space<vmem>> -> memref<128xi32, #tpu.memory_space<vmem>>
        %dma_start3A_78 = arith.constant 0 : i32
        %dma_start3A_79 = arith.constant 0 : i32
        %dma_start3A_80 = tpu.memref_slice %arg11[%dma_start3A_78, %dma_start3A_79] : memref<10112x128xf32, #tpu.memory_space<vmem_shared>> -> memref<10112x128xf32, #tpu.memory_space<vmem_shared>>
        tpu.enqueue_indirect_dma source(%arg9 : memref<128x128xf32, #tpu.memory_space<vmem>>) target(%dma_start3A_80 : memref<10112x128xf32, #tpu.memory_space<vmem_shared>>) offsets(%dma_start3A_77 : memref<128xi32, #tpu.memory_space<vmem>>) semaphore(%run_scoped3A : memref<!tpu.dma_semaphore, #tpu.memory_space<semaphore_mem>>) {add = true}
        %dma_wait3A_81 = arith.constant 0 : i32
        %dma_wait3A_82 = tpu.memref_slice %arg8[%mul3A_48, %dma_wait3A_81] : memref<40x128xi32, #tpu.memory_space<vmem>> -> memref<1x128xi32, #tpu.memory_space<vmem>>
        %dma_wait3A_83 = tpu.memref_squeeze %dma_wait3A_82 : memref<1x128xi32, #tpu.memory_space<vmem>> -> memref<128xi32, #tpu.memory_space<vmem>>
        %dma_wait3A_84 = arith.constant 0 : i32
        %dma_wait3A_85 = arith.constant 0 : i32
        %dma_wait3A_86 = tpu.memref_slice %arg11[%dma_wait3A_84, %dma_wait3A_85] : memref<10112x128xf32, #tpu.memory_space<vmem_shared>> -> memref<10112x128xf32, #tpu.memory_space<vmem_shared>>
        tpu.wait_indirect_dma semaphore(%run_scoped3A : memref<!tpu.dma_semaphore, #tpu.memory_space<semaphore_mem>>) src(%arg9 : memref<128x128xf32, #tpu.memory_space<vmem>>) dst(%dma_wait3A_86 : memref<10112x128xf32, #tpu.memory_space<vmem_shared>>)
        tpu.yield
      }) : () -> ()
      %add3A_54 = arith.constant 2 : i32
      %add3A_55 = arith.addi %mul3A_48, %add3A_54 : i32
      %lt3A = arith.constant 40 : i32
      %lt3A_56 = arith.cmpi slt, %add3A_55, %lt3A : i32
      %convert_element_type3A = arith.extui %lt3A_56 : i1 to i32
      %cond3A = arith.constant 0 : i32
      %cond3A_57 = arith.cmpi ne, %convert_element_type3A, %cond3A : i32
      scf.if %cond3A_57 {
        %add3A_75 = arith.constant 2 : i32
        %add3A_76 = arith.addi %mul3A_48, %add3A_75 : i32
        %dma_start3A_77 = arith.constant 0 : i32
        %dma_start3A_78 = tpu.memref_slice %arg7[%add3A_76, %dma_start3A_77] : memref<40x128xi32, #tpu.memory_space<vmem>> -> memref<1x128xi32, #tpu.memory_space<vmem>>
        %dma_start3A_79 = tpu.memref_squeeze %dma_start3A_78 : memref<1x128xi32, #tpu.memory_space<vmem>> -> memref<128xi32, #tpu.memory_space<vmem>>
        %dma_start3A_80 = arith.constant 0 : i32
        %dma_start3A_81 = arith.constant 0 : i32
        %dma_start3A_82 = tpu.memref_slice %arg2[%dma_start3A_80, %dma_start3A_81] : memref<10000x128xf32, #tpu.memory_space<hbm>> -> memref<10000x128xf32, #tpu.memory_space<hbm>>
        tpu.enqueue_indirect_dma source(%dma_start3A_82 : memref<10000x128xf32, #tpu.memory_space<hbm>>) target(%arg9 : memref<128x128xf32, #tpu.memory_space<vmem>>) offsets(%dma_start3A_79 : memref<128xi32, #tpu.memory_space<vmem>>) semaphore(%arg12 : memref<!tpu.dma_semaphore, #tpu.memory_space<semaphore_mem>>)
      } else {
      }
      %add3A_58 = arith.constant 1 : i32
      %add3A_59 = arith.addi %mul3A_48, %add3A_58 : i32
      %dma_wait3A_60 = arith.constant 0 : i32
      %dma_wait3A_61 = tpu.memref_slice %arg7[%add3A_59, %dma_wait3A_60] : memref<40x128xi32, #tpu.memory_space<vmem>> -> memref<1x128xi32, #tpu.memory_space<vmem>>
      %dma_wait3A_62 = tpu.memref_squeeze %dma_wait3A_61 : memref<1x128xi32, #tpu.memory_space<vmem>> -> memref<128xi32, #tpu.memory_space<vmem>>
      %dma_wait3A_63 = arith.constant 0 : i32
      %dma_wait3A_64 = arith.constant 0 : i32
      %dma_wait3A_65 = tpu.memref_slice %arg2[%dma_wait3A_63, %dma_wait3A_64] : memref<10000x128xf32, #tpu.memory_space<hbm>> -> memref<10000x128xf32, #tpu.memory_space<hbm>>
      tpu.wait_indirect_dma semaphore(%arg13 : memref<!tpu.dma_semaphore, #tpu.memory_space<semaphore_mem>>) src(%dma_wait3A_65 : memref<10000x128xf32, #tpu.memory_space<hbm>>) dst(%arg10 : memref<128x128xf32, #tpu.memory_space<vmem>>)
      %add3A_66 = arith.constant 1 : i32
      %add3A_67 = arith.addi %mul3A_48, %add3A_66 : i32
      "tpu.region"() ({
        %run_scoped3A = tpu.sem_alloc : memref<!tpu.dma_semaphore, #tpu.memory_space<semaphore_mem>>
        %dma_start3A_75 = arith.constant 0 : i32
        %dma_start3A_76 = tpu.memref_slice %arg8[%add3A_67, %dma_start3A_75] : memref<40x128xi32, #tpu.memory_space<vmem>> -> memref<1x128xi32, #tpu.memory_space<vmem>>
        %dma_start3A_77 = tpu.memref_squeeze %dma_start3A_76 : memref<1x128xi32, #tpu.memory_space<vmem>> -> memref<128xi32, #tpu.memory_space<vmem>>
        %dma_start3A_78 = arith.constant 0 : i32
        %dma_start3A_79 = arith.constant 0 : i32
        %dma_start3A_80 = tpu.memref_slice %arg11[%dma_start3A_78, %dma_start3A_79] : memref<10112x128xf32, #tpu.memory_space<vmem_shared>> -> memref<10112x128xf32, #tpu.memory_space<vmem_shared>>
        tpu.enqueue_indirect_dma source(%arg10 : memref<128x128xf32, #tpu.memory_space<vmem>>) target(%dma_start3A_80 : memref<10112x128xf32, #tpu.memory_space<vmem_shared>>) offsets(%dma_start3A_77 : memref<128xi32, #tpu.memory_space<vmem>>) semaphore(%run_scoped3A : memref<!tpu.dma_semaphore, #tpu.memory_space<semaphore_mem>>) {add = true}
        %dma_wait3A_81 = arith.constant 0 : i32
        %dma_wait3A_82 = tpu.memref_slice %arg8[%add3A_67, %dma_wait3A_81] : memref<40x128xi32, #tpu.memory_space<vmem>> -> memref<1x128xi32, #tpu.memory_space<vmem>>
        %dma_wait3A_83 = tpu.memref_squeeze %dma_wait3A_82 : memref<1x128xi32, #tpu.memory_space<vmem>> -> memref<128xi32, #tpu.memory_space<vmem>>
        %dma_wait3A_84 = arith.constant 0 : i32
        %dma_wait3A_85 = arith.constant 0 : i32
        %dma_wait3A_86 = tpu.memref_slice %arg11[%dma_wait3A_84, %dma_wait3A_85] : memref<10112x128xf32, #tpu.memory_space<vmem_shared>> -> memref<10112x128xf32, #tpu.memory_space<vmem_shared>>
        tpu.wait_indirect_dma semaphore(%run_scoped3A : memref<!tpu.dma_semaphore, #tpu.memory_space<semaphore_mem>>) src(%arg10 : memref<128x128xf32, #tpu.memory_space<vmem>>) dst(%dma_wait3A_86 : memref<10112x128xf32, #tpu.memory_space<vmem_shared>>)
        tpu.yield
      }) : () -> ()
      %add3A_68 = arith.constant 3 : i32
      %add3A_69 = arith.addi %mul3A_48, %add3A_68 : i32
      %lt3A_70 = arith.constant 40 : i32
      %lt3A_71 = arith.cmpi slt, %add3A_69, %lt3A_70 : i32
      %convert_element_type3A_72 = arith.extui %lt3A_71 : i1 to i32
      %cond3A_73 = arith.constant 0 : i32
      %cond3A_74 = arith.cmpi ne, %convert_element_type3A_72, %cond3A_73 : i32
      scf.if %cond3A_74 {
        %add3A_75 = arith.constant 3 : i32
        %add3A_76 = arith.addi %mul3A_48, %add3A_75 : i32
        %dma_start3A_77 = arith.constant 0 : i32
        %dma_start3A_78 = tpu.memref_slice %arg7[%add3A_76, %dma_start3A_77] : memref<40x128xi32, #tpu.memory_space<vmem>> -> memref<1x128xi32, #tpu.memory_space<vmem>>
        %dma_start3A_79 = tpu.memref_squeeze %dma_start3A_78 : memref<1x128xi32, #tpu.memory_space<vmem>> -> memref<128xi32, #tpu.memory_space<vmem>>
        %dma_start3A_80 = arith.constant 0 : i32
        %dma_start3A_81 = arith.constant 0 : i32
        %dma_start3A_82 = tpu.memref_slice %arg2[%dma_start3A_80, %dma_start3A_81] : memref<10000x128xf32, #tpu.memory_space<hbm>> -> memref<10000x128xf32, #tpu.memory_space<hbm>>
        tpu.enqueue_indirect_dma source(%dma_start3A_82 : memref<10000x128xf32, #tpu.memory_space<hbm>>) target(%arg10 : memref<128x128xf32, #tpu.memory_space<vmem>>) offsets(%dma_start3A_79 : memref<128xi32, #tpu.memory_space<vmem>>) semaphore(%arg13 : memref<!tpu.dma_semaphore, #tpu.memory_space<semaphore_mem>>)
      } else {
      }
    }
    %scan3A_40 = arith.constant 20 : i32
    %barrier3A_41 = arith.constant 0 : index
    tpu.barrier barrier_id(%barrier3A_41)
    %mul3A_42 = arith.constant 632 : i32
    %mul3A_43 = arith.muli %arg1, %mul3A_42 : i32
    %mul3A_44 = arith.constant 632 : i32
    %mul3A_45 = arith.muli %arg1, %mul3A_44 : i32
    "tpu.region"() ({
      %run_scoped3A = tpu.sem_alloc : memref<!tpu.dma_semaphore, #tpu.memory_space<semaphore_mem>>
      %dma_start3A_46 = arith.constant 0 : i32
      %dma_start3A_47 = tpu.memref_slice %arg6[%arg0, %mul3A_45, %dma_start3A_46] : memref<2x10112x128xf32, #tpu.memory_space<hbm>> -> memref<1x632x128xf32, #tpu.memory_space<hbm>>
      %dma_start3A_48 = tpu.memref_squeeze %dma_start3A_47 : memref<1x632x128xf32, #tpu.memory_space<hbm>> -> memref<632x128xf32, #tpu.memory_space<hbm>>
      %dma_start3A_49 = arith.constant 0 : i32
      %dma_start3A_50 = tpu.memref_slice %arg11[%mul3A_43, %dma_start3A_49] : memref<10112x128xf32, #tpu.memory_space<vmem_shared>> -> memref<632x128xf32, #tpu.memory_space<vmem_shared>>
      tpu.enqueue_dma source(%dma_start3A_50 : memref<632x128xf32, #tpu.memory_space<vmem_shared>>) target(%dma_start3A_48 : memref<632x128xf32, #tpu.memory_space<hbm>>) target_semaphore(%run_scoped3A : memref<!tpu.dma_semaphore, #tpu.memory_space<semaphore_mem>>)
      %dma_wait3A = arith.constant 0 : i32
      %dma_wait3A_51 = tpu.memref_slice %arg6[%arg0, %mul3A_45, %dma_wait3A] : memref<2x10112x128xf32, #tpu.memory_space<hbm>> -> memref<1x632x128xf32, #tpu.memory_space<hbm>>
      %dma_wait3A_52 = tpu.memref_squeeze %dma_wait3A_51 : memref<1x632x128xf32, #tpu.memory_space<hbm>> -> memref<632x128xf32, #tpu.memory_space<hbm>>
      %dma_wait3A_53 = arith.constant 0 : i32
      %dma_wait3A_54 = tpu.memref_slice %arg11[%mul3A_43, %dma_wait3A_53] : memref<10112x128xf32, #tpu.memory_space<vmem_shared>> -> memref<632x128xf32, #tpu.memory_space<vmem_shared>>
      tpu.wait_dma2 semaphore(%run_scoped3A : memref<!tpu.dma_semaphore, #tpu.memory_space<semaphore_mem>>) src(%dma_wait3A_54 : memref<632x128xf32, #tpu.memory_space<vmem_shared>>) dst(%dma_wait3A_52 : memref<632x128xf32, #tpu.memory_space<hbm>>)
      tpu.yield
    }) : () -> ()
    return
  }
}

#map = affine_map<(d0, d1) -> (0, 0)>
#map1 = affine_map<(d0, d1) -> (0, 0, 0)>
module attributes {stable_mosaic.version = 14 : i64} {
  func.func @_sc_agg_body(%arg0: i32, %arg1: i32, %arg2: memref<10000x128xf32, #tpu.memory_space<hbm>>, %arg3: memref<32x80x128xi32, #tpu.memory_space<hbm>>, %arg4: memref<32x80x128xi32, #tpu.memory_space<hbm>>, %arg5: memref<632x128xf32, #tpu.memory_space<hbm>>, %arg6: memref<2x10112x128xf32, #tpu.memory_space<hbm>>, %arg7: memref<40x128xi32, #tpu.memory_space<vmem>>, %arg8: memref<40x128xi32, #tpu.memory_space<vmem>>, %arg9: memref<128x128xf32, #tpu.memory_space<vmem>>, %arg10: memref<128x128xf32, #tpu.memory_space<vmem>>, %arg11: memref<10112x128xf32, #tpu.memory_space<vmem_shared>>, %arg12: memref<!tpu.dma_semaphore, #tpu.memory_space<semaphore_mem>>, %arg13: memref<!tpu.dma_semaphore, #tpu.memory_space<semaphore_mem>>) attributes {dimension_semantics = [#tpu.dimension_semantics<core_parallel>, #tpu.dimension_semantics<subcore_parallel>], iteration_bounds = array<i64: 2, 16>, scalar_prefetch = 0 : i64, scratch_operands = 7 : i64, tpu.core_type = #tpu.core_type<sc_vector_subcore>, window_params = [{transform_indices = #map}, {transform_indices = #map1}, {transform_indices = #map1}, {transform_indices = #map}, {transform_indices = #map1}]} {
    %mul3A = arith.constant 16 : i32
    %mul3A_0 = arith.muli %arg0, %mul3A : i32
    %add3A = arith.addi %mul3A_0, %arg1 : i32
    %mul3A_1 = arith.constant 632 : i32
    %mul3A_2 = arith.muli %arg1, %mul3A_1 : i32
    "tpu.region"() ({
      %run_scoped3A = tpu.sem_alloc : memref<!tpu.dma_semaphore, #tpu.memory_space<semaphore_mem>>
      %dma_start3A_46 = arith.constant 0 : i32
      %dma_start3A_47 = tpu.memref_slice %arg11[%mul3A_2, %dma_start3A_46] : memref<10112x128xf32, #tpu.memory_space<vmem_shared>> -> memref<632x128xf32, #tpu.memory_space<vmem_shared>>
      tpu.enqueue_dma source(%arg5 : memref<632x128xf32, #tpu.memory_space<hbm>>) target(%dma_start3A_47 : memref<632x128xf32, #tpu.memory_space<vmem_shared>>) target_semaphore(%run_scoped3A : memref<!tpu.dma_semaphore, #tpu.memory_space<semaphore_mem>>)
      %dma_wait3A = arith.constant 0 : i32
      %dma_wait3A_48 = tpu.memref_slice %arg11[%mul3A_2, %dma_wait3A] : memref<10112x128xf32, #tpu.memory_space<vmem_shared>> -> memref<632x128xf32, #tpu.memory_space<vmem_shared>>
      tpu.wait_dma2 semaphore(%run_scoped3A : memref<!tpu.dma_semaphore, #tpu.memory_space<semaphore_mem>>) src(%arg5 : memref<632x128xf32, #tpu.memory_space<hbm>>) dst(%dma_wait3A_48 : memref<632x128xf32, #tpu.memory_space<vmem_shared>>)
      tpu.yield
    }) : () -> ()
    %barrier3A = arith.constant 0 : index
    tpu.barrier barrier_id(%barrier3A)
    "tpu.region"() ({
      %run_scoped3A = tpu.sem_alloc : memref<!tpu.dma_semaphore, #tpu.memory_space<semaphore_mem>>
      %dma_start3A_46 = arith.constant 0 : i32
      %dma_start3A_47 = arith.constant 0 : i32
      %dma_start3A_48 = tpu.memref_slice %arg3[%add3A, %dma_start3A_46, %dma_start3A_47] : memref<32x80x128xi32, #tpu.memory_space<hbm>> -> memref<1x40x128xi32, #tpu.memory_space<hbm>>
      %dma_start3A_49 = tpu.memref_squeeze %dma_start3A_48 : memref<1x40x128xi32, #tpu.memory_space<hbm>> -> memref<40x128xi32, #tpu.memory_space<hbm>>
      %dma_start3A_50 = arith.constant 0 : i32
      %dma_start3A_51 = arith.constant 0 : i32
      %dma_start3A_52 = tpu.memref_slice %arg3[%add3A, %dma_start3A_50, %dma_start3A_51] : memref<32x80x128xi32, #tpu.memory_space<hbm>> -> memref<1x40x128xi32, #tpu.memory_space<hbm>>
      %dma_start3A_53 = tpu.memref_squeeze %dma_start3A_52 : memref<1x40x128xi32, #tpu.memory_space<hbm>> -> memref<40x128xi32, #tpu.memory_space<hbm>>
      tpu.enqueue_dma source(%dma_start3A_53 : memref<40x128xi32, #tpu.memory_space<hbm>>) target(%arg7 : memref<40x128xi32, #tpu.memory_space<vmem>>) target_semaphore(%run_scoped3A : memref<!tpu.dma_semaphore, #tpu.memory_space<semaphore_mem>>)
      %dma_wait3A = arith.constant 0 : i32
      %dma_wait3A_54 = arith.constant 0 : i32
      %dma_wait3A_55 = tpu.memref_slice %arg3[%add3A, %dma_wait3A, %dma_wait3A_54] : memref<32x80x128xi32, #tpu.memory_space<hbm>> -> memref<1x40x128xi32, #tpu.memory_space<hbm>>
      %dma_wait3A_56 = tpu.memref_squeeze %dma_wait3A_55 : memref<1x40x128xi32, #tpu.memory_space<hbm>> -> memref<40x128xi32, #tpu.memory_space<hbm>>
      %dma_wait3A_57 = arith.constant 0 : i32
      %dma_wait3A_58 = arith.constant 0 : i32
      %dma_wait3A_59 = tpu.memref_slice %arg3[%add3A, %dma_wait3A_57, %dma_wait3A_58] : memref<32x80x128xi32, #tpu.memory_space<hbm>> -> memref<1x40x128xi32, #tpu.memory_space<hbm>>
      %dma_wait3A_60 = tpu.memref_squeeze %dma_wait3A_59 : memref<1x40x128xi32, #tpu.memory_space<hbm>> -> memref<40x128xi32, #tpu.memory_space<hbm>>
      tpu.wait_dma2 semaphore(%run_scoped3A : memref<!tpu.dma_semaphore, #tpu.memory_space<semaphore_mem>>) src(%dma_wait3A_60 : memref<40x128xi32, #tpu.memory_space<hbm>>) dst(%arg7 : memref<40x128xi32, #tpu.memory_space<vmem>>)
      tpu.yield
    }) : () -> ()
    %dma_start3A = arith.constant 0 : i32
    %dma_start3A_3 = arith.constant 0 : i32
    %dma_start3A_4 = tpu.memref_slice %arg7[%dma_start3A, %dma_start3A_3] : memref<40x128xi32, #tpu.memory_space<vmem>> -> memref<1x128xi32, #tpu.memory_space<vmem>>
    %dma_start3A_5 = tpu.memref_squeeze %dma_start3A_4 : memref<1x128xi32, #tpu.memory_space<vmem>> -> memref<128xi32, #tpu.memory_space<vmem>>
    %dma_start3A_6 = arith.constant 0 : i32
    %dma_start3A_7 = arith.constant 0 : i32
    %dma_start3A_8 = tpu.memref_slice %arg2[%dma_start3A_6, %dma_start3A_7] : memref<10000x128xf32, #tpu.memory_space<hbm>> -> memref<10000x128xf32, #tpu.memory_space<hbm>>
    tpu.enqueue_indirect_dma source(%dma_start3A_8 : memref<10000x128xf32, #tpu.memory_space<hbm>>) target(%arg9 : memref<128x128xf32, #tpu.memory_space<vmem>>) offsets(%dma_start3A_5 : memref<128xi32, #tpu.memory_space<vmem>>) semaphore(%arg12 : memref<!tpu.dma_semaphore, #tpu.memory_space<semaphore_mem>>)
    %dma_start3A_9 = arith.constant 1 : i32
    %dma_start3A_10 = arith.constant 0 : i32
    %dma_start3A_11 = tpu.memref_slice %arg7[%dma_start3A_9, %dma_start3A_10] : memref<40x128xi32, #tpu.memory_space<vmem>> -> memref<1x128xi32, #tpu.memory_space<vmem>>
    %dma_start3A_12 = tpu.memref_squeeze %dma_start3A_11 : memref<1x128xi32, #tpu.memory_space<vmem>> -> memref<128xi32, #tpu.memory_space<vmem>>
    %dma_start3A_13 = arith.constant 0 : i32
    %dma_start3A_14 = arith.constant 0 : i32
    %dma_start3A_15 = tpu.memref_slice %arg2[%dma_start3A_13, %dma_start3A_14] : memref<10000x128xf32, #tpu.memory_space<hbm>> -> memref<10000x128xf32, #tpu.memory_space<hbm>>
    tpu.enqueue_indirect_dma source(%dma_start3A_15 : memref<10000x128xf32, #tpu.memory_space<hbm>>) target(%arg10 : memref<128x128xf32, #tpu.memory_space<vmem>>) offsets(%dma_start3A_12 : memref<128xi32, #tpu.memory_space<vmem>>) semaphore(%arg13 : memref<!tpu.dma_semaphore, #tpu.memory_space<semaphore_mem>>)
    "tpu.region"() ({
      %run_scoped3A = tpu.sem_alloc : memref<!tpu.dma_semaphore, #tpu.memory_space<semaphore_mem>>
      %dma_start3A_46 = arith.constant 0 : i32
      %dma_start3A_47 = arith.constant 0 : i32
      %dma_start3A_48 = tpu.memref_slice %arg4[%add3A, %dma_start3A_46, %dma_start3A_47] : memref<32x80x128xi32, #tpu.memory_space<hbm>> -> memref<1x40x128xi32, #tpu.memory_space<hbm>>
      %dma_start3A_49 = tpu.memref_squeeze %dma_start3A_48 : memref<1x40x128xi32, #tpu.memory_space<hbm>> -> memref<40x128xi32, #tpu.memory_space<hbm>>
      %dma_start3A_50 = arith.constant 0 : i32
      %dma_start3A_51 = arith.constant 0 : i32
      %dma_start3A_52 = tpu.memref_slice %arg4[%add3A, %dma_start3A_50, %dma_start3A_51] : memref<32x80x128xi32, #tpu.memory_space<hbm>> -> memref<1x40x128xi32, #tpu.memory_space<hbm>>
      %dma_start3A_53 = tpu.memref_squeeze %dma_start3A_52 : memref<1x40x128xi32, #tpu.memory_space<hbm>> -> memref<40x128xi32, #tpu.memory_space<hbm>>
      tpu.enqueue_dma source(%dma_start3A_53 : memref<40x128xi32, #tpu.memory_space<hbm>>) target(%arg8 : memref<40x128xi32, #tpu.memory_space<vmem>>) target_semaphore(%run_scoped3A : memref<!tpu.dma_semaphore, #tpu.memory_space<semaphore_mem>>)
      %dma_wait3A = arith.constant 0 : i32
      %dma_wait3A_54 = arith.constant 0 : i32
      %dma_wait3A_55 = tpu.memref_slice %arg4[%add3A, %dma_wait3A, %dma_wait3A_54] : memref<32x80x128xi32, #tpu.memory_space<hbm>> -> memref<1x40x128xi32, #tpu.memory_space<hbm>>
      %dma_wait3A_56 = tpu.memref_squeeze %dma_wait3A_55 : memref<1x40x128xi32, #tpu.memory_space<hbm>> -> memref<40x128xi32, #tpu.memory_space<hbm>>
      %dma_wait3A_57 = arith.constant 0 : i32
      %dma_wait3A_58 = arith.constant 0 : i32
      %dma_wait3A_59 = tpu.memref_slice %arg4[%add3A, %dma_wait3A_57, %dma_wait3A_58] : memref<32x80x128xi32, #tpu.memory_space<hbm>> -> memref<1x40x128xi32, #tpu.memory_space<hbm>>
      %dma_wait3A_60 = tpu.memref_squeeze %dma_wait3A_59 : memref<1x40x128xi32, #tpu.memory_space<hbm>> -> memref<40x128xi32, #tpu.memory_space<hbm>>
      tpu.wait_dma2 semaphore(%run_scoped3A : memref<!tpu.dma_semaphore, #tpu.memory_space<semaphore_mem>>) src(%dma_wait3A_60 : memref<40x128xi32, #tpu.memory_space<hbm>>) dst(%arg8 : memref<40x128xi32, #tpu.memory_space<vmem>>)
      tpu.yield
    }) : () -> ()
    %scan3A = arith.constant 0 : i32
    %scan3A_16 = arith.constant 0 : i32
    %scan3A_17 = arith.constant 20 : i32
    %scan3A_18 = arith.addi %scan3A_16, %scan3A_17 : i32
    %scan3A_19 = arith.constant 1 : i32
    scf.for %scan3A_46 = %scan3A_16 to %scan3A_18 step %scan3A_19  : i32 {
      %mul3A_47 = arith.constant 2 : i32
      %mul3A_48 = arith.muli %mul3A_47, %scan3A_46 : i32
      %dma_wait3A = arith.constant 0 : i32
      %dma_wait3A_49 = tpu.memref_slice %arg7[%mul3A_48, %dma_wait3A] : memref<40x128xi32, #tpu.memory_space<vmem>> -> memref<1x128xi32, #tpu.memory_space<vmem>>
      %dma_wait3A_50 = tpu.memref_squeeze %dma_wait3A_49 : memref<1x128xi32, #tpu.memory_space<vmem>> -> memref<128xi32, #tpu.memory_space<vmem>>
      %dma_wait3A_51 = arith.constant 0 : i32
      %dma_wait3A_52 = arith.constant 0 : i32
      %dma_wait3A_53 = tpu.memref_slice %arg2[%dma_wait3A_51, %dma_wait3A_52] : memref<10000x128xf32, #tpu.memory_space<hbm>> -> memref<10000x128xf32, #tpu.memory_space<hbm>>
      tpu.wait_indirect_dma semaphore(%arg12 : memref<!tpu.dma_semaphore, #tpu.memory_space<semaphore_mem>>) src(%dma_wait3A_53 : memref<10000x128xf32, #tpu.memory_space<hbm>>) dst(%arg9 : memref<128x128xf32, #tpu.memory_space<vmem>>)
      "tpu.region"() ({
        %run_scoped3A = tpu.sem_alloc : memref<!tpu.dma_semaphore, #tpu.memory_space<semaphore_mem>>
        %dma_start3A_75 = arith.constant 0 : i32
        %dma_start3A_76 = tpu.memref_slice %arg8[%mul3A_48, %dma_start3A_75] : memref<40x128xi32, #tpu.memory_space<vmem>> -> memref<1x128xi32, #tpu.memory_space<vmem>>
        %dma_start3A_77 = tpu.memref_squeeze %dma_start3A_76 : memref<1x128xi32, #tpu.memory_space<vmem>> -> memref<128xi32, #tpu.memory_space<vmem>>
        %dma_start3A_78 = arith.constant 0 : i32
        %dma_start3A_79 = arith.constant 0 : i32
        %dma_start3A_80 = tpu.memref_slice %arg11[%dma_start3A_78, %dma_start3A_79] : memref<10112x128xf32, #tpu.memory_space<vmem_shared>> -> memref<10112x128xf32, #tpu.memory_space<vmem_shared>>
        tpu.enqueue_indirect_dma source(%arg9 : memref<128x128xf32, #tpu.memory_space<vmem>>) target(%dma_start3A_80 : memref<10112x128xf32, #tpu.memory_space<vmem_shared>>) offsets(%dma_start3A_77 : memref<128xi32, #tpu.memory_space<vmem>>) semaphore(%run_scoped3A : memref<!tpu.dma_semaphore, #tpu.memory_space<semaphore_mem>>) {add = true}
        %dma_wait3A_81 = arith.constant 0 : i32
        %dma_wait3A_82 = tpu.memref_slice %arg8[%mul3A_48, %dma_wait3A_81] : memref<40x128xi32, #tpu.memory_space<vmem>> -> memref<1x128xi32, #tpu.memory_space<vmem>>
        %dma_wait3A_83 = tpu.memref_squeeze %dma_wait3A_82 : memref<1x128xi32, #tpu.memory_space<vmem>> -> memref<128xi32, #tpu.memory_space<vmem>>
        %dma_wait3A_84 = arith.constant 0 : i32
        %dma_wait3A_85 = arith.constant 0 : i32
        %dma_wait3A_86 = tpu.memref_slice %arg11[%dma_wait3A_84, %dma_wait3A_85] : memref<10112x128xf32, #tpu.memory_space<vmem_shared>> -> memref<10112x128xf32, #tpu.memory_space<vmem_shared>>
        tpu.wait_indirect_dma semaphore(%run_scoped3A : memref<!tpu.dma_semaphore, #tpu.memory_space<semaphore_mem>>) src(%arg9 : memref<128x128xf32, #tpu.memory_space<vmem>>) dst(%dma_wait3A_86 : memref<10112x128xf32, #tpu.memory_space<vmem_shared>>)
        tpu.yield
      }) : () -> ()
      %add3A_54 = arith.constant 2 : i32
      %add3A_55 = arith.addi %mul3A_48, %add3A_54 : i32
      %lt3A = arith.constant 40 : i32
      %lt3A_56 = arith.cmpi slt, %add3A_55, %lt3A : i32
      %convert_element_type3A = arith.extui %lt3A_56 : i1 to i32
      %cond3A = arith.constant 0 : i32
      %cond3A_57 = arith.cmpi ne, %convert_element_type3A, %cond3A : i32
      scf.if %cond3A_57 {
        %add3A_75 = arith.constant 2 : i32
        %add3A_76 = arith.addi %mul3A_48, %add3A_75 : i32
        %dma_start3A_77 = arith.constant 0 : i32
        %dma_start3A_78 = tpu.memref_slice %arg7[%add3A_76, %dma_start3A_77] : memref<40x128xi32, #tpu.memory_space<vmem>> -> memref<1x128xi32, #tpu.memory_space<vmem>>
        %dma_start3A_79 = tpu.memref_squeeze %dma_start3A_78 : memref<1x128xi32, #tpu.memory_space<vmem>> -> memref<128xi32, #tpu.memory_space<vmem>>
        %dma_start3A_80 = arith.constant 0 : i32
        %dma_start3A_81 = arith.constant 0 : i32
        %dma_start3A_82 = tpu.memref_slice %arg2[%dma_start3A_80, %dma_start3A_81] : memref<10000x128xf32, #tpu.memory_space<hbm>> -> memref<10000x128xf32, #tpu.memory_space<hbm>>
        tpu.enqueue_indirect_dma source(%dma_start3A_82 : memref<10000x128xf32, #tpu.memory_space<hbm>>) target(%arg9 : memref<128x128xf32, #tpu.memory_space<vmem>>) offsets(%dma_start3A_79 : memref<128xi32, #tpu.memory_space<vmem>>) semaphore(%arg12 : memref<!tpu.dma_semaphore, #tpu.memory_space<semaphore_mem>>)
      } else {
      }
      %add3A_58 = arith.constant 1 : i32
      %add3A_59 = arith.addi %mul3A_48, %add3A_58 : i32
      %dma_wait3A_60 = arith.constant 0 : i32
      %dma_wait3A_61 = tpu.memref_slice %arg7[%add3A_59, %dma_wait3A_60] : memref<40x128xi32, #tpu.memory_space<vmem>> -> memref<1x128xi32, #tpu.memory_space<vmem>>
      %dma_wait3A_62 = tpu.memref_squeeze %dma_wait3A_61 : memref<1x128xi32, #tpu.memory_space<vmem>> -> memref<128xi32, #tpu.memory_space<vmem>>
      %dma_wait3A_63 = arith.constant 0 : i32
      %dma_wait3A_64 = arith.constant 0 : i32
      %dma_wait3A_65 = tpu.memref_slice %arg2[%dma_wait3A_63, %dma_wait3A_64] : memref<10000x128xf32, #tpu.memory_space<hbm>> -> memref<10000x128xf32, #tpu.memory_space<hbm>>
      tpu.wait_indirect_dma semaphore(%arg13 : memref<!tpu.dma_semaphore, #tpu.memory_space<semaphore_mem>>) src(%dma_wait3A_65 : memref<10000x128xf32, #tpu.memory_space<hbm>>) dst(%arg10 : memref<128x128xf32, #tpu.memory_space<vmem>>)
      %add3A_66 = arith.constant 1 : i32
      %add3A_67 = arith.addi %mul3A_48, %add3A_66 : i32
      "tpu.region"() ({
        %run_scoped3A = tpu.sem_alloc : memref<!tpu.dma_semaphore, #tpu.memory_space<semaphore_mem>>
        %dma_start3A_75 = arith.constant 0 : i32
        %dma_start3A_76 = tpu.memref_slice %arg8[%add3A_67, %dma_start3A_75] : memref<40x128xi32, #tpu.memory_space<vmem>> -> memref<1x128xi32, #tpu.memory_space<vmem>>
        %dma_start3A_77 = tpu.memref_squeeze %dma_start3A_76 : memref<1x128xi32, #tpu.memory_space<vmem>> -> memref<128xi32, #tpu.memory_space<vmem>>
        %dma_start3A_78 = arith.constant 0 : i32
        %dma_start3A_79 = arith.constant 0 : i32
        %dma_start3A_80 = tpu.memref_slice %arg11[%dma_start3A_78, %dma_start3A_79] : memref<10112x128xf32, #tpu.memory_space<vmem_shared>> -> memref<10112x128xf32, #tpu.memory_space<vmem_shared>>
        tpu.enqueue_indirect_dma source(%arg10 : memref<128x128xf32, #tpu.memory_space<vmem>>) target(%dma_start3A_80 : memref<10112x128xf32, #tpu.memory_space<vmem_shared>>) offsets(%dma_start3A_77 : memref<128xi32, #tpu.memory_space<vmem>>) semaphore(%run_scoped3A : memref<!tpu.dma_semaphore, #tpu.memory_space<semaphore_mem>>) {add = true}
        %dma_wait3A_81 = arith.constant 0 : i32
        %dma_wait3A_82 = tpu.memref_slice %arg8[%add3A_67, %dma_wait3A_81] : memref<40x128xi32, #tpu.memory_space<vmem>> -> memref<1x128xi32, #tpu.memory_space<vmem>>
        %dma_wait3A_83 = tpu.memref_squeeze %dma_wait3A_82 : memref<1x128xi32, #tpu.memory_space<vmem>> -> memref<128xi32, #tpu.memory_space<vmem>>
        %dma_wait3A_84 = arith.constant 0 : i32
        %dma_wait3A_85 = arith.constant 0 : i32
        %dma_wait3A_86 = tpu.memref_slice %arg11[%dma_wait3A_84, %dma_wait3A_85] : memref<10112x128xf32, #tpu.memory_space<vmem_shared>> -> memref<10112x128xf32, #tpu.memory_space<vmem_shared>>
        tpu.wait_indirect_dma semaphore(%run_scoped3A : memref<!tpu.dma_semaphore, #tpu.memory_space<semaphore_mem>>) src(%arg10 : memref<128x128xf32, #tpu.memory_space<vmem>>) dst(%dma_wait3A_86 : memref<10112x128xf32, #tpu.memory_space<vmem_shared>>)
        tpu.yield
      }) : () -> ()
      %add3A_68 = arith.constant 3 : i32
      %add3A_69 = arith.addi %mul3A_48, %add3A_68 : i32
      %lt3A_70 = arith.constant 40 : i32
      %lt3A_71 = arith.cmpi slt, %add3A_69, %lt3A_70 : i32
      %convert_element_type3A_72 = arith.extui %lt3A_71 : i1 to i32
      %cond3A_73 = arith.constant 0 : i32
      %cond3A_74 = arith.cmpi ne, %convert_element_type3A_72, %cond3A_73 : i32
      scf.if %cond3A_74 {
        %add3A_75 = arith.constant 3 : i32
        %add3A_76 = arith.addi %mul3A_48, %add3A_75 : i32
        %dma_start3A_77 = arith.constant 0 : i32
        %dma_start3A_78 = tpu.memref_slice %arg7[%add3A_76, %dma_start3A_77] : memref<40x128xi32, #tpu.memory_space<vmem>> -> memref<1x128xi32, #tpu.memory_space<vmem>>
        %dma_start3A_79 = tpu.memref_squeeze %dma_start3A_78 : memref<1x128xi32, #tpu.memory_space<vmem>> -> memref<128xi32, #tpu.memory_space<vmem>>
        %dma_start3A_80 = arith.constant 0 : i32
        %dma_start3A_81 = arith.constant 0 : i32
        %dma_start3A_82 = tpu.memref_slice %arg2[%dma_start3A_80, %dma_start3A_81] : memref<10000x128xf32, #tpu.memory_space<hbm>> -> memref<10000x128xf32, #tpu.memory_space<hbm>>
        tpu.enqueue_indirect_dma source(%dma_start3A_82 : memref<10000x128xf32, #tpu.memory_space<hbm>>) target(%arg10 : memref<128x128xf32, #tpu.memory_space<vmem>>) offsets(%dma_start3A_79 : memref<128xi32, #tpu.memory_space<vmem>>) semaphore(%arg13 : memref<!tpu.dma_semaphore, #tpu.memory_space<semaphore_mem>>)
      } else {
      }
    }
    %scan3A_20 = arith.constant 20 : i32
    "tpu.region"() ({
      %run_scoped3A = tpu.sem_alloc : memref<!tpu.dma_semaphore, #tpu.memory_space<semaphore_mem>>
      %dma_start3A_46 = arith.constant 40 : i32
      %dma_start3A_47 = arith.constant 0 : i32
      %dma_start3A_48 = tpu.memref_slice %arg3[%add3A, %dma_start3A_46, %dma_start3A_47] : memref<32x80x128xi32, #tpu.memory_space<hbm>> -> memref<1x40x128xi32, #tpu.memory_space<hbm>>
      %dma_start3A_49 = tpu.memref_squeeze %dma_start3A_48 : memref<1x40x128xi32, #tpu.memory_space<hbm>> -> memref<40x128xi32, #tpu.memory_space<hbm>>
      %dma_start3A_50 = arith.constant 40 : i32
      %dma_start3A_51 = arith.constant 0 : i32
      %dma_start3A_52 = tpu.memref_slice %arg3[%add3A, %dma_start3A_50, %dma_start3A_51] : memref<32x80x128xi32, #tpu.memory_space<hbm>> -> memref<1x40x128xi32, #tpu.memory_space<hbm>>
      %dma_start3A_53 = tpu.memref_squeeze %dma_start3A_52 : memref<1x40x128xi32, #tpu.memory_space<hbm>> -> memref<40x128xi32, #tpu.memory_space<hbm>>
      tpu.enqueue_dma source(%dma_start3A_53 : memref<40x128xi32, #tpu.memory_space<hbm>>) target(%arg7 : memref<40x128xi32, #tpu.memory_space<vmem>>) target_semaphore(%run_scoped3A : memref<!tpu.dma_semaphore, #tpu.memory_space<semaphore_mem>>)
      %dma_wait3A = arith.constant 40 : i32
      %dma_wait3A_54 = arith.constant 0 : i32
      %dma_wait3A_55 = tpu.memref_slice %arg3[%add3A, %dma_wait3A, %dma_wait3A_54] : memref<32x80x128xi32, #tpu.memory_space<hbm>> -> memref<1x40x128xi32, #tpu.memory_space<hbm>>
      %dma_wait3A_56 = tpu.memref_squeeze %dma_wait3A_55 : memref<1x40x128xi32, #tpu.memory_space<hbm>> -> memref<40x128xi32, #tpu.memory_space<hbm>>
      %dma_wait3A_57 = arith.constant 40 : i32
      %dma_wait3A_58 = arith.constant 0 : i32
      %dma_wait3A_59 = tpu.memref_slice %arg3[%add3A, %dma_wait3A_57, %dma_wait3A_58] : memref<32x80x128xi32, #tpu.memory_space<hbm>> -> memref<1x40x128xi32, #tpu.memory_space<hbm>>
      %dma_wait3A_60 = tpu.memref_squeeze %dma_wait3A_59 : memref<1x40x128xi32, #tpu.memory_space<hbm>> -> memref<40x128xi32, #tpu.memory_space<hbm>>
      tpu.wait_dma2 semaphore(%run_scoped3A : memref<!tpu.dma_semaphore, #tpu.memory_space<semaphore_mem>>) src(%dma_wait3A_60 : memref<40x128xi32, #tpu.memory_space<hbm>>) dst(%arg7 : memref<40x128xi32, #tpu.memory_space<vmem>>)
      tpu.yield
    }) : () -> ()
    %dma_start3A_21 = arith.constant 0 : i32
    %dma_start3A_22 = arith.constant 0 : i32
    %dma_start3A_23 = tpu.memref_slice %arg7[%dma_start3A_21, %dma_start3A_22] : memref<40x128xi32, #tpu.memory_space<vmem>> -> memref<1x128xi32, #tpu.memory_space<vmem>>
    %dma_start3A_24 = tpu.memref_squeeze %dma_start3A_23 : memref<1x128xi32, #tpu.memory_space<vmem>> -> memref<128xi32, #tpu.memory_space<vmem>>
    %dma_start3A_25 = arith.constant 0 : i32
    %dma_start3A_26 = arith.constant 0 : i32
    %dma_start3A_27 = tpu.memref_slice %arg2[%dma_start3A_25, %dma_start3A_26] : memref<10000x128xf32, #tpu.memory_space<hbm>> -> memref<10000x128xf32, #tpu.memory_space<hbm>>
    tpu.enqueue_indirect_dma source(%dma_start3A_27 : memref<10000x128xf32, #tpu.memory_space<hbm>>) target(%arg9 : memref<128x128xf32, #tpu.memory_space<vmem>>) offsets(%dma_start3A_24 : memref<128xi32, #tpu.memory_space<vmem>>) semaphore(%arg12 : memref<!tpu.dma_semaphore, #tpu.memory_space<semaphore_mem>>)
    %dma_start3A_28 = arith.constant 1 : i32
    %dma_start3A_29 = arith.constant 0 : i32
    %dma_start3A_30 = tpu.memref_slice %arg7[%dma_start3A_28, %dma_start3A_29] : memref<40x128xi32, #tpu.memory_space<vmem>> -> memref<1x128xi32, #tpu.memory_space<vmem>>
    %dma_start3A_31 = tpu.memref_squeeze %dma_start3A_30 : memref<1x128xi32, #tpu.memory_space<vmem>> -> memref<128xi32, #tpu.memory_space<vmem>>
    %dma_start3A_32 = arith.constant 0 : i32
    %dma_start3A_33 = arith.constant 0 : i32
    %dma_start3A_34 = tpu.memref_slice %arg2[%dma_start3A_32, %dma_start3A_33] : memref<10000x128xf32, #tpu.memory_space<hbm>> -> memref<10000x128xf32, #tpu.memory_space<hbm>>
    tpu.enqueue_indirect_dma source(%dma_start3A_34 : memref<10000x128xf32, #tpu.memory_space<hbm>>) target(%arg10 : memref<128x128xf32, #tpu.memory_space<vmem>>) offsets(%dma_start3A_31 : memref<128xi32, #tpu.memory_space<vmem>>) semaphore(%arg13 : memref<!tpu.dma_semaphore, #tpu.memory_space<semaphore_mem>>)
    "tpu.region"() ({
      %run_scoped3A = tpu.sem_alloc : memref<!tpu.dma_semaphore, #tpu.memory_space<semaphore_mem>>
      %dma_start3A_46 = arith.constant 40 : i32
      %dma_start3A_47 = arith.constant 0 : i32
      %dma_start3A_48 = tpu.memref_slice %arg4[%add3A, %dma_start3A_46, %dma_start3A_47] : memref<32x80x128xi32, #tpu.memory_space<hbm>> -> memref<1x40x128xi32, #tpu.memory_space<hbm>>
      %dma_start3A_49 = tpu.memref_squeeze %dma_start3A_48 : memref<1x40x128xi32, #tpu.memory_space<hbm>> -> memref<40x128xi32, #tpu.memory_space<hbm>>
      %dma_start3A_50 = arith.constant 40 : i32
      %dma_start3A_51 = arith.constant 0 : i32
      %dma_start3A_52 = tpu.memref_slice %arg4[%add3A, %dma_start3A_50, %dma_start3A_51] : memref<32x80x128xi32, #tpu.memory_space<hbm>> -> memref<1x40x128xi32, #tpu.memory_space<hbm>>
      %dma_start3A_53 = tpu.memref_squeeze %dma_start3A_52 : memref<1x40x128xi32, #tpu.memory_space<hbm>> -> memref<40x128xi32, #tpu.memory_space<hbm>>
      tpu.enqueue_dma source(%dma_start3A_53 : memref<40x128xi32, #tpu.memory_space<hbm>>) target(%arg8 : memref<40x128xi32, #tpu.memory_space<vmem>>) target_semaphore(%run_scoped3A : memref<!tpu.dma_semaphore, #tpu.memory_space<semaphore_mem>>)
      %dma_wait3A = arith.constant 40 : i32
      %dma_wait3A_54 = arith.constant 0 : i32
      %dma_wait3A_55 = tpu.memref_slice %arg4[%add3A, %dma_wait3A, %dma_wait3A_54] : memref<32x80x128xi32, #tpu.memory_space<hbm>> -> memref<1x40x128xi32, #tpu.memory_space<hbm>>
      %dma_wait3A_56 = tpu.memref_squeeze %dma_wait3A_55 : memref<1x40x128xi32, #tpu.memory_space<hbm>> -> memref<40x128xi32, #tpu.memory_space<hbm>>
      %dma_wait3A_57 = arith.constant 40 : i32
      %dma_wait3A_58 = arith.constant 0 : i32
      %dma_wait3A_59 = tpu.memref_slice %arg4[%add3A, %dma_wait3A_57, %dma_wait3A_58] : memref<32x80x128xi32, #tpu.memory_space<hbm>> -> memref<1x40x128xi32, #tpu.memory_space<hbm>>
      %dma_wait3A_60 = tpu.memref_squeeze %dma_wait3A_59 : memref<1x40x128xi32, #tpu.memory_space<hbm>> -> memref<40x128xi32, #tpu.memory_space<hbm>>
      tpu.wait_dma2 semaphore(%run_scoped3A : memref<!tpu.dma_semaphore, #tpu.memory_space<semaphore_mem>>) src(%dma_wait3A_60 : memref<40x128xi32, #tpu.memory_space<hbm>>) dst(%arg8 : memref<40x128xi32, #tpu.memory_space<vmem>>)
      tpu.yield
    }) : () -> ()
    %scan3A_35 = arith.constant 0 : i32
    %scan3A_36 = arith.constant 0 : i32
    %scan3A_37 = arith.constant 20 : i32
    %scan3A_38 = arith.addi %scan3A_36, %scan3A_37 : i32
    %scan3A_39 = arith.constant 1 : i32
    scf.for %scan3A_46 = %scan3A_36 to %scan3A_38 step %scan3A_39  : i32 {
      %mul3A_47 = arith.constant 2 : i32
      %mul3A_48 = arith.muli %mul3A_47, %scan3A_46 : i32
      %dma_wait3A = arith.constant 0 : i32
      %dma_wait3A_49 = tpu.memref_slice %arg7[%mul3A_48, %dma_wait3A] : memref<40x128xi32, #tpu.memory_space<vmem>> -> memref<1x128xi32, #tpu.memory_space<vmem>>
      %dma_wait3A_50 = tpu.memref_squeeze %dma_wait3A_49 : memref<1x128xi32, #tpu.memory_space<vmem>> -> memref<128xi32, #tpu.memory_space<vmem>>
      %dma_wait3A_51 = arith.constant 0 : i32
      %dma_wait3A_52 = arith.constant 0 : i32
      %dma_wait3A_53 = tpu.memref_slice %arg2[%dma_wait3A_51, %dma_wait3A_52] : memref<10000x128xf32, #tpu.memory_space<hbm>> -> memref<10000x128xf32, #tpu.memory_space<hbm>>
      tpu.wait_indirect_dma semaphore(%arg12 : memref<!tpu.dma_semaphore, #tpu.memory_space<semaphore_mem>>) src(%dma_wait3A_53 : memref<10000x128xf32, #tpu.memory_space<hbm>>) dst(%arg9 : memref<128x128xf32, #tpu.memory_space<vmem>>)
      "tpu.region"() ({
        %run_scoped3A = tpu.sem_alloc : memref<!tpu.dma_semaphore, #tpu.memory_space<semaphore_mem>>
        %dma_start3A_75 = arith.constant 0 : i32
        %dma_start3A_76 = tpu.memref_slice %arg8[%mul3A_48, %dma_start3A_75] : memref<40x128xi32, #tpu.memory_space<vmem>> -> memref<1x128xi32, #tpu.memory_space<vmem>>
        %dma_start3A_77 = tpu.memref_squeeze %dma_start3A_76 : memref<1x128xi32, #tpu.memory_space<vmem>> -> memref<128xi32, #tpu.memory_space<vmem>>
        %dma_start3A_78 = arith.constant 0 : i32
        %dma_start3A_79 = arith.constant 0 : i32
        %dma_start3A_80 = tpu.memref_slice %arg11[%dma_start3A_78, %dma_start3A_79] : memref<10112x128xf32, #tpu.memory_space<vmem_shared>> -> memref<10112x128xf32, #tpu.memory_space<vmem_shared>>
        tpu.enqueue_indirect_dma source(%arg9 : memref<128x128xf32, #tpu.memory_space<vmem>>) target(%dma_start3A_80 : memref<10112x128xf32, #tpu.memory_space<vmem_shared>>) offsets(%dma_start3A_77 : memref<128xi32, #tpu.memory_space<vmem>>) semaphore(%run_scoped3A : memref<!tpu.dma_semaphore, #tpu.memory_space<semaphore_mem>>) {add = true}
        %dma_wait3A_81 = arith.constant 0 : i32
        %dma_wait3A_82 = tpu.memref_slice %arg8[%mul3A_48, %dma_wait3A_81] : memref<40x128xi32, #tpu.memory_space<vmem>> -> memref<1x128xi32, #tpu.memory_space<vmem>>
        %dma_wait3A_83 = tpu.memref_squeeze %dma_wait3A_82 : memref<1x128xi32, #tpu.memory_space<vmem>> -> memref<128xi32, #tpu.memory_space<vmem>>
        %dma_wait3A_84 = arith.constant 0 : i32
        %dma_wait3A_85 = arith.constant 0 : i32
        %dma_wait3A_86 = tpu.memref_slice %arg11[%dma_wait3A_84, %dma_wait3A_85] : memref<10112x128xf32, #tpu.memory_space<vmem_shared>> -> memref<10112x128xf32, #tpu.memory_space<vmem_shared>>
        tpu.wait_indirect_dma semaphore(%run_scoped3A : memref<!tpu.dma_semaphore, #tpu.memory_space<semaphore_mem>>) src(%arg9 : memref<128x128xf32, #tpu.memory_space<vmem>>) dst(%dma_wait3A_86 : memref<10112x128xf32, #tpu.memory_space<vmem_shared>>)
        tpu.yield
      }) : () -> ()
      %add3A_54 = arith.constant 2 : i32
      %add3A_55 = arith.addi %mul3A_48, %add3A_54 : i32
      %lt3A = arith.constant 40 : i32
      %lt3A_56 = arith.cmpi slt, %add3A_55, %lt3A : i32
      %convert_element_type3A = arith.extui %lt3A_56 : i1 to i32
      %cond3A = arith.constant 0 : i32
      %cond3A_57 = arith.cmpi ne, %convert_element_type3A, %cond3A : i32
      scf.if %cond3A_57 {
        %add3A_75 = arith.constant 2 : i32
        %add3A_76 = arith.addi %mul3A_48, %add3A_75 : i32
        %dma_start3A_77 = arith.constant 0 : i32
        %dma_start3A_78 = tpu.memref_slice %arg7[%add3A_76, %dma_start3A_77] : memref<40x128xi32, #tpu.memory_space<vmem>> -> memref<1x128xi32, #tpu.memory_space<vmem>>
        %dma_start3A_79 = tpu.memref_squeeze %dma_start3A_78 : memref<1x128xi32, #tpu.memory_space<vmem>> -> memref<128xi32, #tpu.memory_space<vmem>>
        %dma_start3A_80 = arith.constant 0 : i32
        %dma_start3A_81 = arith.constant 0 : i32
        %dma_start3A_82 = tpu.memref_slice %arg2[%dma_start3A_80, %dma_start3A_81] : memref<10000x128xf32, #tpu.memory_space<hbm>> -> memref<10000x128xf32, #tpu.memory_space<hbm>>
        tpu.enqueue_indirect_dma source(%dma_start3A_82 : memref<10000x128xf32, #tpu.memory_space<hbm>>) target(%arg9 : memref<128x128xf32, #tpu.memory_space<vmem>>) offsets(%dma_start3A_79 : memref<128xi32, #tpu.memory_space<vmem>>) semaphore(%arg12 : memref<!tpu.dma_semaphore, #tpu.memory_space<semaphore_mem>>)
      } else {
      }
      %add3A_58 = arith.constant 1 : i32
      %add3A_59 = arith.addi %mul3A_48, %add3A_58 : i32
      %dma_wait3A_60 = arith.constant 0 : i32
      %dma_wait3A_61 = tpu.memref_slice %arg7[%add3A_59, %dma_wait3A_60] : memref<40x128xi32, #tpu.memory_space<vmem>> -> memref<1x128xi32, #tpu.memory_space<vmem>>
      %dma_wait3A_62 = tpu.memref_squeeze %dma_wait3A_61 : memref<1x128xi32, #tpu.memory_space<vmem>> -> memref<128xi32, #tpu.memory_space<vmem>>
      %dma_wait3A_63 = arith.constant 0 : i32
      %dma_wait3A_64 = arith.constant 0 : i32
      %dma_wait3A_65 = tpu.memref_slice %arg2[%dma_wait3A_63, %dma_wait3A_64] : memref<10000x128xf32, #tpu.memory_space<hbm>> -> memref<10000x128xf32, #tpu.memory_space<hbm>>
      tpu.wait_indirect_dma semaphore(%arg13 : memref<!tpu.dma_semaphore, #tpu.memory_space<semaphore_mem>>) src(%dma_wait3A_65 : memref<10000x128xf32, #tpu.memory_space<hbm>>) dst(%arg10 : memref<128x128xf32, #tpu.memory_space<vmem>>)
      %add3A_66 = arith.constant 1 : i32
      %add3A_67 = arith.addi %mul3A_48, %add3A_66 : i32
      "tpu.region"() ({
        %run_scoped3A = tpu.sem_alloc : memref<!tpu.dma_semaphore, #tpu.memory_space<semaphore_mem>>
        %dma_start3A_75 = arith.constant 0 : i32
        %dma_start3A_76 = tpu.memref_slice %arg8[%add3A_67, %dma_start3A_75] : memref<40x128xi32, #tpu.memory_space<vmem>> -> memref<1x128xi32, #tpu.memory_space<vmem>>
        %dma_start3A_77 = tpu.memref_squeeze %dma_start3A_76 : memref<1x128xi32, #tpu.memory_space<vmem>> -> memref<128xi32, #tpu.memory_space<vmem>>
        %dma_start3A_78 = arith.constant 0 : i32
        %dma_start3A_79 = arith.constant 0 : i32
        %dma_start3A_80 = tpu.memref_slice %arg11[%dma_start3A_78, %dma_start3A_79] : memref<10112x128xf32, #tpu.memory_space<vmem_shared>> -> memref<10112x128xf32, #tpu.memory_space<vmem_shared>>
        tpu.enqueue_indirect_dma source(%arg10 : memref<128x128xf32, #tpu.memory_space<vmem>>) target(%dma_start3A_80 : memref<10112x128xf32, #tpu.memory_space<vmem_shared>>) offsets(%dma_start3A_77 : memref<128xi32, #tpu.memory_space<vmem>>) semaphore(%run_scoped3A : memref<!tpu.dma_semaphore, #tpu.memory_space<semaphore_mem>>) {add = true}
        %dma_wait3A_81 = arith.constant 0 : i32
        %dma_wait3A_82 = tpu.memref_slice %arg8[%add3A_67, %dma_wait3A_81] : memref<40x128xi32, #tpu.memory_space<vmem>> -> memref<1x128xi32, #tpu.memory_space<vmem>>
        %dma_wait3A_83 = tpu.memref_squeeze %dma_wait3A_82 : memref<1x128xi32, #tpu.memory_space<vmem>> -> memref<128xi32, #tpu.memory_space<vmem>>
        %dma_wait3A_84 = arith.constant 0 : i32
        %dma_wait3A_85 = arith.constant 0 : i32
        %dma_wait3A_86 = tpu.memref_slice %arg11[%dma_wait3A_84, %dma_wait3A_85] : memref<10112x128xf32, #tpu.memory_space<vmem_shared>> -> memref<10112x128xf32, #tpu.memory_space<vmem_shared>>
        tpu.wait_indirect_dma semaphore(%run_scoped3A : memref<!tpu.dma_semaphore, #tpu.memory_space<semaphore_mem>>) src(%arg10 : memref<128x128xf32, #tpu.memory_space<vmem>>) dst(%dma_wait3A_86 : memref<10112x128xf32, #tpu.memory_space<vmem_shared>>)
        tpu.yield
      }) : () -> ()
      %add3A_68 = arith.constant 3 : i32
      %add3A_69 = arith.addi %mul3A_48, %add3A_68 : i32
      %lt3A_70 = arith.constant 40 : i32
      %lt3A_71 = arith.cmpi slt, %add3A_69, %lt3A_70 : i32
      %convert_element_type3A_72 = arith.extui %lt3A_71 : i1 to i32
      %cond3A_73 = arith.constant 0 : i32
      %cond3A_74 = arith.cmpi ne, %convert_element_type3A_72, %cond3A_73 : i32
      scf.if %cond3A_74 {
        %add3A_75 = arith.constant 3 : i32
        %add3A_76 = arith.addi %mul3A_48, %add3A_75 : i32
        %dma_start3A_77 = arith.constant 0 : i32
        %dma_start3A_78 = tpu.memref_slice %arg7[%add3A_76, %dma_start3A_77] : memref<40x128xi32, #tpu.memory_space<vmem>> -> memref<1x128xi32, #tpu.memory_space<vmem>>
        %dma_start3A_79 = tpu.memref_squeeze %dma_start3A_78 : memref<1x128xi32, #tpu.memory_space<vmem>> -> memref<128xi32, #tpu.memory_space<vmem>>
        %dma_start3A_80 = arith.constant 0 : i32
        %dma_start3A_81 = arith.constant 0 : i32
        %dma_start3A_82 = tpu.memref_slice %arg2[%dma_start3A_80, %dma_start3A_81] : memref<10000x128xf32, #tpu.memory_space<hbm>> -> memref<10000x128xf32, #tpu.memory_space<hbm>>
        tpu.enqueue_indirect_dma source(%dma_start3A_82 : memref<10000x128xf32, #tpu.memory_space<hbm>>) target(%arg10 : memref<128x128xf32, #tpu.memory_space<vmem>>) offsets(%dma_start3A_79 : memref<128xi32, #tpu.memory_space<vmem>>) semaphore(%arg13 : memref<!tpu.dma_semaphore, #tpu.memory_space<semaphore_mem>>)
      } else {
      }
    }
    %scan3A_40 = arith.constant 20 : i32
    %barrier3A_41 = arith.constant 0 : index
    tpu.barrier barrier_id(%barrier3A_41)
    %mul3A_42 = arith.constant 632 : i32
    %mul3A_43 = arith.muli %arg1, %mul3A_42 : i32
    %mul3A_44 = arith.constant 632 : i32
    %mul3A_45 = arith.muli %arg1, %mul3A_44 : i32
    "tpu.region"() ({
      %run_scoped3A = tpu.sem_alloc : memref<!tpu.dma_semaphore, #tpu.memory_space<semaphore_mem>>
      %dma_start3A_46 = arith.constant 0 : i32
      %dma_start3A_47 = tpu.memref_slice %arg6[%arg0, %mul3A_45, %dma_start3A_46] : memref<2x10112x128xf32, #tpu.memory_space<hbm>> -> memref<1x632x128xf32, #tpu.memory_space<hbm>>
      %dma_start3A_48 = tpu.memref_squeeze %dma_start3A_47 : memref<1x632x128xf32, #tpu.memory_space<hbm>> -> memref<632x128xf32, #tpu.memory_space<hbm>>
      %dma_start3A_49 = arith.constant 0 : i32
      %dma_start3A_50 = tpu.memref_slice %arg11[%mul3A_43, %dma_start3A_49] : memref<10112x128xf32, #tpu.memory_space<vmem_shared>> -> memref<632x128xf32, #tpu.memory_space<vmem_shared>>
      tpu.enqueue_dma source(%dma_start3A_50 : memref<632x128xf32, #tpu.memory_space<vmem_shared>>) target(%dma_start3A_48 : memref<632x128xf32, #tpu.memory_space<hbm>>) target_semaphore(%run_scoped3A : memref<!tpu.dma_semaphore, #tpu.memory_space<semaphore_mem>>)
      %dma_wait3A = arith.constant 0 : i32
      %dma_wait3A_51 = tpu.memref_slice %arg6[%arg0, %mul3A_45, %dma_wait3A] : memref<2x10112x128xf32, #tpu.memory_space<hbm>> -> memref<1x632x128xf32, #tpu.memory_space<hbm>>
      %dma_wait3A_52 = tpu.memref_squeeze %dma_wait3A_51 : memref<1x632x128xf32, #tpu.memory_space<hbm>> -> memref<632x128xf32, #tpu.memory_space<hbm>>
      %dma_wait3A_53 = arith.constant 0 : i32
      %dma_wait3A_54 = tpu.memref_slice %arg11[%mul3A_43, %dma_wait3A_53] : memref<10112x128xf32, #tpu.memory_space<vmem_shared>> -> memref<632x128xf32, #tpu.memory_space<vmem_shared>>
      tpu.wait_dma2 semaphore(%run_scoped3A : memref<!tpu.dma_semaphore, #tpu.memory_space<semaphore_mem>>) src(%dma_wait3A_54 : memref<632x128xf32, #tpu.memory_space<vmem_shared>>) dst(%dma_wait3A_52 : memref<632x128xf32, #tpu.memory_space<hbm>>)
      tpu.yield
    }) : () -> ()
    return
  }
}

#map = affine_map<(d0, d1) -> (0, 0)>
#map1 = affine_map<(d0, d1) -> (0, 0, 0)>
module attributes {stable_mosaic.version = 14 : i64} {
  func.func @_sc_agg_body(%arg0: i32, %arg1: i32, %arg2: memref<10000x128xf32, #tpu.memory_space<hbm>>, %arg3: memref<32x80x128xi32, #tpu.memory_space<hbm>>, %arg4: memref<32x80x128xi32, #tpu.memory_space<hbm>>, %arg5: memref<632x128xf32, #tpu.memory_space<hbm>>, %arg6: memref<2x10112x128xf32, #tpu.memory_space<hbm>>, %arg7: memref<40x128xi32, #tpu.memory_space<vmem>>, %arg8: memref<40x128xi32, #tpu.memory_space<vmem>>, %arg9: memref<128x128xf32, #tpu.memory_space<vmem>>, %arg10: memref<128x128xf32, #tpu.memory_space<vmem>>, %arg11: memref<10112x128xf32, #tpu.memory_space<vmem_shared>>, %arg12: memref<!tpu.dma_semaphore, #tpu.memory_space<semaphore_mem>>, %arg13: memref<!tpu.dma_semaphore, #tpu.memory_space<semaphore_mem>>) attributes {dimension_semantics = [#tpu.dimension_semantics<core_parallel>, #tpu.dimension_semantics<subcore_parallel>], iteration_bounds = array<i64: 2, 16>, scalar_prefetch = 0 : i64, scratch_operands = 7 : i64, tpu.core_type = #tpu.core_type<sc_vector_subcore>, window_params = [{transform_indices = #map}, {transform_indices = #map1}, {transform_indices = #map1}, {transform_indices = #map}, {transform_indices = #map1}]} {
    %mul3A = arith.constant 16 : i32
    %mul3A_0 = arith.muli %arg0, %mul3A : i32
    %add3A = arith.addi %mul3A_0, %arg1 : i32
    %mul3A_1 = arith.constant 632 : i32
    %mul3A_2 = arith.muli %arg1, %mul3A_1 : i32
    "tpu.region"() ({
      %run_scoped3A = tpu.sem_alloc : memref<!tpu.dma_semaphore, #tpu.memory_space<semaphore_mem>>
      %dma_start3A_46 = arith.constant 0 : i32
      %dma_start3A_47 = tpu.memref_slice %arg11[%mul3A_2, %dma_start3A_46] : memref<10112x128xf32, #tpu.memory_space<vmem_shared>> -> memref<632x128xf32, #tpu.memory_space<vmem_shared>>
      tpu.enqueue_dma source(%arg5 : memref<632x128xf32, #tpu.memory_space<hbm>>) target(%dma_start3A_47 : memref<632x128xf32, #tpu.memory_space<vmem_shared>>) target_semaphore(%run_scoped3A : memref<!tpu.dma_semaphore, #tpu.memory_space<semaphore_mem>>)
      %dma_wait3A = arith.constant 0 : i32
      %dma_wait3A_48 = tpu.memref_slice %arg11[%mul3A_2, %dma_wait3A] : memref<10112x128xf32, #tpu.memory_space<vmem_shared>> -> memref<632x128xf32, #tpu.memory_space<vmem_shared>>
      tpu.wait_dma2 semaphore(%run_scoped3A : memref<!tpu.dma_semaphore, #tpu.memory_space<semaphore_mem>>) src(%arg5 : memref<632x128xf32, #tpu.memory_space<hbm>>) dst(%dma_wait3A_48 : memref<632x128xf32, #tpu.memory_space<vmem_shared>>)
      tpu.yield
    }) : () -> ()
    %barrier3A = arith.constant 0 : index
    tpu.barrier barrier_id(%barrier3A)
    "tpu.region"() ({
      %run_scoped3A = tpu.sem_alloc : memref<!tpu.dma_semaphore, #tpu.memory_space<semaphore_mem>>
      %dma_start3A_46 = arith.constant 0 : i32
      %dma_start3A_47 = arith.constant 0 : i32
      %dma_start3A_48 = tpu.memref_slice %arg3[%add3A, %dma_start3A_46, %dma_start3A_47] : memref<32x80x128xi32, #tpu.memory_space<hbm>> -> memref<1x40x128xi32, #tpu.memory_space<hbm>>
      %dma_start3A_49 = tpu.memref_squeeze %dma_start3A_48 : memref<1x40x128xi32, #tpu.memory_space<hbm>> -> memref<40x128xi32, #tpu.memory_space<hbm>>
      %dma_start3A_50 = arith.constant 0 : i32
      %dma_start3A_51 = arith.constant 0 : i32
      %dma_start3A_52 = tpu.memref_slice %arg3[%add3A, %dma_start3A_50, %dma_start3A_51] : memref<32x80x128xi32, #tpu.memory_space<hbm>> -> memref<1x40x128xi32, #tpu.memory_space<hbm>>
      %dma_start3A_53 = tpu.memref_squeeze %dma_start3A_52 : memref<1x40x128xi32, #tpu.memory_space<hbm>> -> memref<40x128xi32, #tpu.memory_space<hbm>>
      tpu.enqueue_dma source(%dma_start3A_53 : memref<40x128xi32, #tpu.memory_space<hbm>>) target(%arg7 : memref<40x128xi32, #tpu.memory_space<vmem>>) target_semaphore(%run_scoped3A : memref<!tpu.dma_semaphore, #tpu.memory_space<semaphore_mem>>)
      %dma_wait3A = arith.constant 0 : i32
      %dma_wait3A_54 = arith.constant 0 : i32
      %dma_wait3A_55 = tpu.memref_slice %arg3[%add3A, %dma_wait3A, %dma_wait3A_54] : memref<32x80x128xi32, #tpu.memory_space<hbm>> -> memref<1x40x128xi32, #tpu.memory_space<hbm>>
      %dma_wait3A_56 = tpu.memref_squeeze %dma_wait3A_55 : memref<1x40x128xi32, #tpu.memory_space<hbm>> -> memref<40x128xi32, #tpu.memory_space<hbm>>
      %dma_wait3A_57 = arith.constant 0 : i32
      %dma_wait3A_58 = arith.constant 0 : i32
      %dma_wait3A_59 = tpu.memref_slice %arg3[%add3A, %dma_wait3A_57, %dma_wait3A_58] : memref<32x80x128xi32, #tpu.memory_space<hbm>> -> memref<1x40x128xi32, #tpu.memory_space<hbm>>
      %dma_wait3A_60 = tpu.memref_squeeze %dma_wait3A_59 : memref<1x40x128xi32, #tpu.memory_space<hbm>> -> memref<40x128xi32, #tpu.memory_space<hbm>>
      tpu.wait_dma2 semaphore(%run_scoped3A : memref<!tpu.dma_semaphore, #tpu.memory_space<semaphore_mem>>) src(%dma_wait3A_60 : memref<40x128xi32, #tpu.memory_space<hbm>>) dst(%arg7 : memref<40x128xi32, #tpu.memory_space<vmem>>)
      tpu.yield
    }) : () -> ()
    %dma_start3A = arith.constant 0 : i32
    %dma_start3A_3 = arith.constant 0 : i32
    %dma_start3A_4 = tpu.memref_slice %arg7[%dma_start3A, %dma_start3A_3] : memref<40x128xi32, #tpu.memory_space<vmem>> -> memref<1x128xi32, #tpu.memory_space<vmem>>
    %dma_start3A_5 = tpu.memref_squeeze %dma_start3A_4 : memref<1x128xi32, #tpu.memory_space<vmem>> -> memref<128xi32, #tpu.memory_space<vmem>>
    %dma_start3A_6 = arith.constant 0 : i32
    %dma_start3A_7 = arith.constant 0 : i32
    %dma_start3A_8 = tpu.memref_slice %arg2[%dma_start3A_6, %dma_start3A_7] : memref<10000x128xf32, #tpu.memory_space<hbm>> -> memref<10000x128xf32, #tpu.memory_space<hbm>>
    tpu.enqueue_indirect_dma source(%dma_start3A_8 : memref<10000x128xf32, #tpu.memory_space<hbm>>) target(%arg9 : memref<128x128xf32, #tpu.memory_space<vmem>>) offsets(%dma_start3A_5 : memref<128xi32, #tpu.memory_space<vmem>>) semaphore(%arg12 : memref<!tpu.dma_semaphore, #tpu.memory_space<semaphore_mem>>)
    %dma_start3A_9 = arith.constant 1 : i32
    %dma_start3A_10 = arith.constant 0 : i32
    %dma_start3A_11 = tpu.memref_slice %arg7[%dma_start3A_9, %dma_start3A_10] : memref<40x128xi32, #tpu.memory_space<vmem>> -> memref<1x128xi32, #tpu.memory_space<vmem>>
    %dma_start3A_12 = tpu.memref_squeeze %dma_start3A_11 : memref<1x128xi32, #tpu.memory_space<vmem>> -> memref<128xi32, #tpu.memory_space<vmem>>
    %dma_start3A_13 = arith.constant 0 : i32
    %dma_start3A_14 = arith.constant 0 : i32
    %dma_start3A_15 = tpu.memref_slice %arg2[%dma_start3A_13, %dma_start3A_14] : memref<10000x128xf32, #tpu.memory_space<hbm>> -> memref<10000x128xf32, #tpu.memory_space<hbm>>
    tpu.enqueue_indirect_dma source(%dma_start3A_15 : memref<10000x128xf32, #tpu.memory_space<hbm>>) target(%arg10 : memref<128x128xf32, #tpu.memory_space<vmem>>) offsets(%dma_start3A_12 : memref<128xi32, #tpu.memory_space<vmem>>) semaphore(%arg13 : memref<!tpu.dma_semaphore, #tpu.memory_space<semaphore_mem>>)
    "tpu.region"() ({
      %run_scoped3A = tpu.sem_alloc : memref<!tpu.dma_semaphore, #tpu.memory_space<semaphore_mem>>
      %dma_start3A_46 = arith.constant 0 : i32
      %dma_start3A_47 = arith.constant 0 : i32
      %dma_start3A_48 = tpu.memref_slice %arg4[%add3A, %dma_start3A_46, %dma_start3A_47] : memref<32x80x128xi32, #tpu.memory_space<hbm>> -> memref<1x40x128xi32, #tpu.memory_space<hbm>>
      %dma_start3A_49 = tpu.memref_squeeze %dma_start3A_48 : memref<1x40x128xi32, #tpu.memory_space<hbm>> -> memref<40x128xi32, #tpu.memory_space<hbm>>
      %dma_start3A_50 = arith.constant 0 : i32
      %dma_start3A_51 = arith.constant 0 : i32
      %dma_start3A_52 = tpu.memref_slice %arg4[%add3A, %dma_start3A_50, %dma_start3A_51] : memref<32x80x128xi32, #tpu.memory_space<hbm>> -> memref<1x40x128xi32, #tpu.memory_space<hbm>>
      %dma_start3A_53 = tpu.memref_squeeze %dma_start3A_52 : memref<1x40x128xi32, #tpu.memory_space<hbm>> -> memref<40x128xi32, #tpu.memory_space<hbm>>
      tpu.enqueue_dma source(%dma_start3A_53 : memref<40x128xi32, #tpu.memory_space<hbm>>) target(%arg8 : memref<40x128xi32, #tpu.memory_space<vmem>>) target_semaphore(%run_scoped3A : memref<!tpu.dma_semaphore, #tpu.memory_space<semaphore_mem>>)
      %dma_wait3A = arith.constant 0 : i32
      %dma_wait3A_54 = arith.constant 0 : i32
      %dma_wait3A_55 = tpu.memref_slice %arg4[%add3A, %dma_wait3A, %dma_wait3A_54] : memref<32x80x128xi32, #tpu.memory_space<hbm>> -> memref<1x40x128xi32, #tpu.memory_space<hbm>>
      %dma_wait3A_56 = tpu.memref_squeeze %dma_wait3A_55 : memref<1x40x128xi32, #tpu.memory_space<hbm>> -> memref<40x128xi32, #tpu.memory_space<hbm>>
      %dma_wait3A_57 = arith.constant 0 : i32
      %dma_wait3A_58 = arith.constant 0 : i32
      %dma_wait3A_59 = tpu.memref_slice %arg4[%add3A, %dma_wait3A_57, %dma_wait3A_58] : memref<32x80x128xi32, #tpu.memory_space<hbm>> -> memref<1x40x128xi32, #tpu.memory_space<hbm>>
      %dma_wait3A_60 = tpu.memref_squeeze %dma_wait3A_59 : memref<1x40x128xi32, #tpu.memory_space<hbm>> -> memref<40x128xi32, #tpu.memory_space<hbm>>
      tpu.wait_dma2 semaphore(%run_scoped3A : memref<!tpu.dma_semaphore, #tpu.memory_space<semaphore_mem>>) src(%dma_wait3A_60 : memref<40x128xi32, #tpu.memory_space<hbm>>) dst(%arg8 : memref<40x128xi32, #tpu.memory_space<vmem>>)
      tpu.yield
    }) : () -> ()
    %scan3A = arith.constant 0 : i32
    %scan3A_16 = arith.constant 0 : i32
    %scan3A_17 = arith.constant 20 : i32
    %scan3A_18 = arith.addi %scan3A_16, %scan3A_17 : i32
    %scan3A_19 = arith.constant 1 : i32
    scf.for %scan3A_46 = %scan3A_16 to %scan3A_18 step %scan3A_19  : i32 {
      %mul3A_47 = arith.constant 2 : i32
      %mul3A_48 = arith.muli %mul3A_47, %scan3A_46 : i32
      %dma_wait3A = arith.constant 0 : i32
      %dma_wait3A_49 = tpu.memref_slice %arg7[%mul3A_48, %dma_wait3A] : memref<40x128xi32, #tpu.memory_space<vmem>> -> memref<1x128xi32, #tpu.memory_space<vmem>>
      %dma_wait3A_50 = tpu.memref_squeeze %dma_wait3A_49 : memref<1x128xi32, #tpu.memory_space<vmem>> -> memref<128xi32, #tpu.memory_space<vmem>>
      %dma_wait3A_51 = arith.constant 0 : i32
      %dma_wait3A_52 = arith.constant 0 : i32
      %dma_wait3A_53 = tpu.memref_slice %arg2[%dma_wait3A_51, %dma_wait3A_52] : memref<10000x128xf32, #tpu.memory_space<hbm>> -> memref<10000x128xf32, #tpu.memory_space<hbm>>
      tpu.wait_indirect_dma semaphore(%arg12 : memref<!tpu.dma_semaphore, #tpu.memory_space<semaphore_mem>>) src(%dma_wait3A_53 : memref<10000x128xf32, #tpu.memory_space<hbm>>) dst(%arg9 : memref<128x128xf32, #tpu.memory_space<vmem>>)
      "tpu.region"() ({
        %run_scoped3A = tpu.sem_alloc : memref<!tpu.dma_semaphore, #tpu.memory_space<semaphore_mem>>
        %dma_start3A_75 = arith.constant 0 : i32
        %dma_start3A_76 = tpu.memref_slice %arg8[%mul3A_48, %dma_start3A_75] : memref<40x128xi32, #tpu.memory_space<vmem>> -> memref<1x128xi32, #tpu.memory_space<vmem>>
        %dma_start3A_77 = tpu.memref_squeeze %dma_start3A_76 : memref<1x128xi32, #tpu.memory_space<vmem>> -> memref<128xi32, #tpu.memory_space<vmem>>
        %dma_start3A_78 = arith.constant 0 : i32
        %dma_start3A_79 = arith.constant 0 : i32
        %dma_start3A_80 = tpu.memref_slice %arg11[%dma_start3A_78, %dma_start3A_79] : memref<10112x128xf32, #tpu.memory_space<vmem_shared>> -> memref<10112x128xf32, #tpu.memory_space<vmem_shared>>
        tpu.enqueue_indirect_dma source(%arg9 : memref<128x128xf32, #tpu.memory_space<vmem>>) target(%dma_start3A_80 : memref<10112x128xf32, #tpu.memory_space<vmem_shared>>) offsets(%dma_start3A_77 : memref<128xi32, #tpu.memory_space<vmem>>) semaphore(%run_scoped3A : memref<!tpu.dma_semaphore, #tpu.memory_space<semaphore_mem>>) {add = true}
        %dma_wait3A_81 = arith.constant 0 : i32
        %dma_wait3A_82 = tpu.memref_slice %arg8[%mul3A_48, %dma_wait3A_81] : memref<40x128xi32, #tpu.memory_space<vmem>> -> memref<1x128xi32, #tpu.memory_space<vmem>>
        %dma_wait3A_83 = tpu.memref_squeeze %dma_wait3A_82 : memref<1x128xi32, #tpu.memory_space<vmem>> -> memref<128xi32, #tpu.memory_space<vmem>>
        %dma_wait3A_84 = arith.constant 0 : i32
        %dma_wait3A_85 = arith.constant 0 : i32
        %dma_wait3A_86 = tpu.memref_slice %arg11[%dma_wait3A_84, %dma_wait3A_85] : memref<10112x128xf32, #tpu.memory_space<vmem_shared>> -> memref<10112x128xf32, #tpu.memory_space<vmem_shared>>
        tpu.wait_indirect_dma semaphore(%run_scoped3A : memref<!tpu.dma_semaphore, #tpu.memory_space<semaphore_mem>>) src(%arg9 : memref<128x128xf32, #tpu.memory_space<vmem>>) dst(%dma_wait3A_86 : memref<10112x128xf32, #tpu.memory_space<vmem_shared>>)
        tpu.yield
      }) : () -> ()
      %add3A_54 = arith.constant 2 : i32
      %add3A_55 = arith.addi %mul3A_48, %add3A_54 : i32
      %lt3A = arith.constant 40 : i32
      %lt3A_56 = arith.cmpi slt, %add3A_55, %lt3A : i32
      %convert_element_type3A = arith.extui %lt3A_56 : i1 to i32
      %cond3A = arith.constant 0 : i32
      %cond3A_57 = arith.cmpi ne, %convert_element_type3A, %cond3A : i32
      scf.if %cond3A_57 {
        %add3A_75 = arith.constant 2 : i32
        %add3A_76 = arith.addi %mul3A_48, %add3A_75 : i32
        %dma_start3A_77 = arith.constant 0 : i32
        %dma_start3A_78 = tpu.memref_slice %arg7[%add3A_76, %dma_start3A_77] : memref<40x128xi32, #tpu.memory_space<vmem>> -> memref<1x128xi32, #tpu.memory_space<vmem>>
        %dma_start3A_79 = tpu.memref_squeeze %dma_start3A_78 : memref<1x128xi32, #tpu.memory_space<vmem>> -> memref<128xi32, #tpu.memory_space<vmem>>
        %dma_start3A_80 = arith.constant 0 : i32
        %dma_start3A_81 = arith.constant 0 : i32
        %dma_start3A_82 = tpu.memref_slice %arg2[%dma_start3A_80, %dma_start3A_81] : memref<10000x128xf32, #tpu.memory_space<hbm>> -> memref<10000x128xf32, #tpu.memory_space<hbm>>
        tpu.enqueue_indirect_dma source(%dma_start3A_82 : memref<10000x128xf32, #tpu.memory_space<hbm>>) target(%arg9 : memref<128x128xf32, #tpu.memory_space<vmem>>) offsets(%dma_start3A_79 : memref<128xi32, #tpu.memory_space<vmem>>) semaphore(%arg12 : memref<!tpu.dma_semaphore, #tpu.memory_space<semaphore_mem>>)
      } else {
      }
      %add3A_58 = arith.constant 1 : i32
      %add3A_59 = arith.addi %mul3A_48, %add3A_58 : i32
      %dma_wait3A_60 = arith.constant 0 : i32
      %dma_wait3A_61 = tpu.memref_slice %arg7[%add3A_59, %dma_wait3A_60] : memref<40x128xi32, #tpu.memory_space<vmem>> -> memref<1x128xi32, #tpu.memory_space<vmem>>
      %dma_wait3A_62 = tpu.memref_squeeze %dma_wait3A_61 : memref<1x128xi32, #tpu.memory_space<vmem>> -> memref<128xi32, #tpu.memory_space<vmem>>
      %dma_wait3A_63 = arith.constant 0 : i32
      %dma_wait3A_64 = arith.constant 0 : i32
      %dma_wait3A_65 = tpu.memref_slice %arg2[%dma_wait3A_63, %dma_wait3A_64] : memref<10000x128xf32, #tpu.memory_space<hbm>> -> memref<10000x128xf32, #tpu.memory_space<hbm>>
      tpu.wait_indirect_dma semaphore(%arg13 : memref<!tpu.dma_semaphore, #tpu.memory_space<semaphore_mem>>) src(%dma_wait3A_65 : memref<10000x128xf32, #tpu.memory_space<hbm>>) dst(%arg10 : memref<128x128xf32, #tpu.memory_space<vmem>>)
      %add3A_66 = arith.constant 1 : i32
      %add3A_67 = arith.addi %mul3A_48, %add3A_66 : i32
      "tpu.region"() ({
        %run_scoped3A = tpu.sem_alloc : memref<!tpu.dma_semaphore, #tpu.memory_space<semaphore_mem>>
        %dma_start3A_75 = arith.constant 0 : i32
        %dma_start3A_76 = tpu.memref_slice %arg8[%add3A_67, %dma_start3A_75] : memref<40x128xi32, #tpu.memory_space<vmem>> -> memref<1x128xi32, #tpu.memory_space<vmem>>
        %dma_start3A_77 = tpu.memref_squeeze %dma_start3A_76 : memref<1x128xi32, #tpu.memory_space<vmem>> -> memref<128xi32, #tpu.memory_space<vmem>>
        %dma_start3A_78 = arith.constant 0 : i32
        %dma_start3A_79 = arith.constant 0 : i32
        %dma_start3A_80 = tpu.memref_slice %arg11[%dma_start3A_78, %dma_start3A_79] : memref<10112x128xf32, #tpu.memory_space<vmem_shared>> -> memref<10112x128xf32, #tpu.memory_space<vmem_shared>>
        tpu.enqueue_indirect_dma source(%arg10 : memref<128x128xf32, #tpu.memory_space<vmem>>) target(%dma_start3A_80 : memref<10112x128xf32, #tpu.memory_space<vmem_shared>>) offsets(%dma_start3A_77 : memref<128xi32, #tpu.memory_space<vmem>>) semaphore(%run_scoped3A : memref<!tpu.dma_semaphore, #tpu.memory_space<semaphore_mem>>) {add = true}
        %dma_wait3A_81 = arith.constant 0 : i32
        %dma_wait3A_82 = tpu.memref_slice %arg8[%add3A_67, %dma_wait3A_81] : memref<40x128xi32, #tpu.memory_space<vmem>> -> memref<1x128xi32, #tpu.memory_space<vmem>>
        %dma_wait3A_83 = tpu.memref_squeeze %dma_wait3A_82 : memref<1x128xi32, #tpu.memory_space<vmem>> -> memref<128xi32, #tpu.memory_space<vmem>>
        %dma_wait3A_84 = arith.constant 0 : i32
        %dma_wait3A_85 = arith.constant 0 : i32
        %dma_wait3A_86 = tpu.memref_slice %arg11[%dma_wait3A_84, %dma_wait3A_85] : memref<10112x128xf32, #tpu.memory_space<vmem_shared>> -> memref<10112x128xf32, #tpu.memory_space<vmem_shared>>
        tpu.wait_indirect_dma semaphore(%run_scoped3A : memref<!tpu.dma_semaphore, #tpu.memory_space<semaphore_mem>>) src(%arg10 : memref<128x128xf32, #tpu.memory_space<vmem>>) dst(%dma_wait3A_86 : memref<10112x128xf32, #tpu.memory_space<vmem_shared>>)
        tpu.yield
      }) : () -> ()
      %add3A_68 = arith.constant 3 : i32
      %add3A_69 = arith.addi %mul3A_48, %add3A_68 : i32
      %lt3A_70 = arith.constant 40 : i32
      %lt3A_71 = arith.cmpi slt, %add3A_69, %lt3A_70 : i32
      %convert_element_type3A_72 = arith.extui %lt3A_71 : i1 to i32
      %cond3A_73 = arith.constant 0 : i32
      %cond3A_74 = arith.cmpi ne, %convert_element_type3A_72, %cond3A_73 : i32
      scf.if %cond3A_74 {
        %add3A_75 = arith.constant 3 : i32
        %add3A_76 = arith.addi %mul3A_48, %add3A_75 : i32
        %dma_start3A_77 = arith.constant 0 : i32
        %dma_start3A_78 = tpu.memref_slice %arg7[%add3A_76, %dma_start3A_77] : memref<40x128xi32, #tpu.memory_space<vmem>> -> memref<1x128xi32, #tpu.memory_space<vmem>>
        %dma_start3A_79 = tpu.memref_squeeze %dma_start3A_78 : memref<1x128xi32, #tpu.memory_space<vmem>> -> memref<128xi32, #tpu.memory_space<vmem>>
        %dma_start3A_80 = arith.constant 0 : i32
        %dma_start3A_81 = arith.constant 0 : i32
        %dma_start3A_82 = tpu.memref_slice %arg2[%dma_start3A_80, %dma_start3A_81] : memref<10000x128xf32, #tpu.memory_space<hbm>> -> memref<10000x128xf32, #tpu.memory_space<hbm>>
        tpu.enqueue_indirect_dma source(%dma_start3A_82 : memref<10000x128xf32, #tpu.memory_space<hbm>>) target(%arg10 : memref<128x128xf32, #tpu.memory_space<vmem>>) offsets(%dma_start3A_79 : memref<128xi32, #tpu.memory_space<vmem>>) semaphore(%arg13 : memref<!tpu.dma_semaphore, #tpu.memory_space<semaphore_mem>>)
      } else {
      }
    }
    %scan3A_20 = arith.constant 20 : i32
    "tpu.region"() ({
      %run_scoped3A = tpu.sem_alloc : memref<!tpu.dma_semaphore, #tpu.memory_space<semaphore_mem>>
      %dma_start3A_46 = arith.constant 40 : i32
      %dma_start3A_47 = arith.constant 0 : i32
      %dma_start3A_48 = tpu.memref_slice %arg3[%add3A, %dma_start3A_46, %dma_start3A_47] : memref<32x80x128xi32, #tpu.memory_space<hbm>> -> memref<1x40x128xi32, #tpu.memory_space<hbm>>
      %dma_start3A_49 = tpu.memref_squeeze %dma_start3A_48 : memref<1x40x128xi32, #tpu.memory_space<hbm>> -> memref<40x128xi32, #tpu.memory_space<hbm>>
      %dma_start3A_50 = arith.constant 40 : i32
      %dma_start3A_51 = arith.constant 0 : i32
      %dma_start3A_52 = tpu.memref_slice %arg3[%add3A, %dma_start3A_50, %dma_start3A_51] : memref<32x80x128xi32, #tpu.memory_space<hbm>> -> memref<1x40x128xi32, #tpu.memory_space<hbm>>
      %dma_start3A_53 = tpu.memref_squeeze %dma_start3A_52 : memref<1x40x128xi32, #tpu.memory_space<hbm>> -> memref<40x128xi32, #tpu.memory_space<hbm>>
      tpu.enqueue_dma source(%dma_start3A_53 : memref<40x128xi32, #tpu.memory_space<hbm>>) target(%arg7 : memref<40x128xi32, #tpu.memory_space<vmem>>) target_semaphore(%run_scoped3A : memref<!tpu.dma_semaphore, #tpu.memory_space<semaphore_mem>>)
      %dma_wait3A = arith.constant 40 : i32
      %dma_wait3A_54 = arith.constant 0 : i32
      %dma_wait3A_55 = tpu.memref_slice %arg3[%add3A, %dma_wait3A, %dma_wait3A_54] : memref<32x80x128xi32, #tpu.memory_space<hbm>> -> memref<1x40x128xi32, #tpu.memory_space<hbm>>
      %dma_wait3A_56 = tpu.memref_squeeze %dma_wait3A_55 : memref<1x40x128xi32, #tpu.memory_space<hbm>> -> memref<40x128xi32, #tpu.memory_space<hbm>>
      %dma_wait3A_57 = arith.constant 40 : i32
      %dma_wait3A_58 = arith.constant 0 : i32
      %dma_wait3A_59 = tpu.memref_slice %arg3[%add3A, %dma_wait3A_57, %dma_wait3A_58] : memref<32x80x128xi32, #tpu.memory_space<hbm>> -> memref<1x40x128xi32, #tpu.memory_space<hbm>>
      %dma_wait3A_60 = tpu.memref_squeeze %dma_wait3A_59 : memref<1x40x128xi32, #tpu.memory_space<hbm>> -> memref<40x128xi32, #tpu.memory_space<hbm>>
      tpu.wait_dma2 semaphore(%run_scoped3A : memref<!tpu.dma_semaphore, #tpu.memory_space<semaphore_mem>>) src(%dma_wait3A_60 : memref<40x128xi32, #tpu.memory_space<hbm>>) dst(%arg7 : memref<40x128xi32, #tpu.memory_space<vmem>>)
      tpu.yield
    }) : () -> ()
    %dma_start3A_21 = arith.constant 0 : i32
    %dma_start3A_22 = arith.constant 0 : i32
    %dma_start3A_23 = tpu.memref_slice %arg7[%dma_start3A_21, %dma_start3A_22] : memref<40x128xi32, #tpu.memory_space<vmem>> -> memref<1x128xi32, #tpu.memory_space<vmem>>
    %dma_start3A_24 = tpu.memref_squeeze %dma_start3A_23 : memref<1x128xi32, #tpu.memory_space<vmem>> -> memref<128xi32, #tpu.memory_space<vmem>>
    %dma_start3A_25 = arith.constant 0 : i32
    %dma_start3A_26 = arith.constant 0 : i32
    %dma_start3A_27 = tpu.memref_slice %arg2[%dma_start3A_25, %dma_start3A_26] : memref<10000x128xf32, #tpu.memory_space<hbm>> -> memref<10000x128xf32, #tpu.memory_space<hbm>>
    tpu.enqueue_indirect_dma source(%dma_start3A_27 : memref<10000x128xf32, #tpu.memory_space<hbm>>) target(%arg9 : memref<128x128xf32, #tpu.memory_space<vmem>>) offsets(%dma_start3A_24 : memref<128xi32, #tpu.memory_space<vmem>>) semaphore(%arg12 : memref<!tpu.dma_semaphore, #tpu.memory_space<semaphore_mem>>)
    %dma_start3A_28 = arith.constant 1 : i32
    %dma_start3A_29 = arith.constant 0 : i32
    %dma_start3A_30 = tpu.memref_slice %arg7[%dma_start3A_28, %dma_start3A_29] : memref<40x128xi32, #tpu.memory_space<vmem>> -> memref<1x128xi32, #tpu.memory_space<vmem>>
    %dma_start3A_31 = tpu.memref_squeeze %dma_start3A_30 : memref<1x128xi32, #tpu.memory_space<vmem>> -> memref<128xi32, #tpu.memory_space<vmem>>
    %dma_start3A_32 = arith.constant 0 : i32
    %dma_start3A_33 = arith.constant 0 : i32
    %dma_start3A_34 = tpu.memref_slice %arg2[%dma_start3A_32, %dma_start3A_33] : memref<10000x128xf32, #tpu.memory_space<hbm>> -> memref<10000x128xf32, #tpu.memory_space<hbm>>
    tpu.enqueue_indirect_dma source(%dma_start3A_34 : memref<10000x128xf32, #tpu.memory_space<hbm>>) target(%arg10 : memref<128x128xf32, #tpu.memory_space<vmem>>) offsets(%dma_start3A_31 : memref<128xi32, #tpu.memory_space<vmem>>) semaphore(%arg13 : memref<!tpu.dma_semaphore, #tpu.memory_space<semaphore_mem>>)
    "tpu.region"() ({
      %run_scoped3A = tpu.sem_alloc : memref<!tpu.dma_semaphore, #tpu.memory_space<semaphore_mem>>
      %dma_start3A_46 = arith.constant 40 : i32
      %dma_start3A_47 = arith.constant 0 : i32
      %dma_start3A_48 = tpu.memref_slice %arg4[%add3A, %dma_start3A_46, %dma_start3A_47] : memref<32x80x128xi32, #tpu.memory_space<hbm>> -> memref<1x40x128xi32, #tpu.memory_space<hbm>>
      %dma_start3A_49 = tpu.memref_squeeze %dma_start3A_48 : memref<1x40x128xi32, #tpu.memory_space<hbm>> -> memref<40x128xi32, #tpu.memory_space<hbm>>
      %dma_start3A_50 = arith.constant 40 : i32
      %dma_start3A_51 = arith.constant 0 : i32
      %dma_start3A_52 = tpu.memref_slice %arg4[%add3A, %dma_start3A_50, %dma_start3A_51] : memref<32x80x128xi32, #tpu.memory_space<hbm>> -> memref<1x40x128xi32, #tpu.memory_space<hbm>>
      %dma_start3A_53 = tpu.memref_squeeze %dma_start3A_52 : memref<1x40x128xi32, #tpu.memory_space<hbm>> -> memref<40x128xi32, #tpu.memory_space<hbm>>
      tpu.enqueue_dma source(%dma_start3A_53 : memref<40x128xi32, #tpu.memory_space<hbm>>) target(%arg8 : memref<40x128xi32, #tpu.memory_space<vmem>>) target_semaphore(%run_scoped3A : memref<!tpu.dma_semaphore, #tpu.memory_space<semaphore_mem>>)
      %dma_wait3A = arith.constant 40 : i32
      %dma_wait3A_54 = arith.constant 0 : i32
      %dma_wait3A_55 = tpu.memref_slice %arg4[%add3A, %dma_wait3A, %dma_wait3A_54] : memref<32x80x128xi32, #tpu.memory_space<hbm>> -> memref<1x40x128xi32, #tpu.memory_space<hbm>>
      %dma_wait3A_56 = tpu.memref_squeeze %dma_wait3A_55 : memref<1x40x128xi32, #tpu.memory_space<hbm>> -> memref<40x128xi32, #tpu.memory_space<hbm>>
      %dma_wait3A_57 = arith.constant 40 : i32
      %dma_wait3A_58 = arith.constant 0 : i32
      %dma_wait3A_59 = tpu.memref_slice %arg4[%add3A, %dma_wait3A_57, %dma_wait3A_58] : memref<32x80x128xi32, #tpu.memory_space<hbm>> -> memref<1x40x128xi32, #tpu.memory_space<hbm>>
      %dma_wait3A_60 = tpu.memref_squeeze %dma_wait3A_59 : memref<1x40x128xi32, #tpu.memory_space<hbm>> -> memref<40x128xi32, #tpu.memory_space<hbm>>
      tpu.wait_dma2 semaphore(%run_scoped3A : memref<!tpu.dma_semaphore, #tpu.memory_space<semaphore_mem>>) src(%dma_wait3A_60 : memref<40x128xi32, #tpu.memory_space<hbm>>) dst(%arg8 : memref<40x128xi32, #tpu.memory_space<vmem>>)
      tpu.yield
    }) : () -> ()
    %scan3A_35 = arith.constant 0 : i32
    %scan3A_36 = arith.constant 0 : i32
    %scan3A_37 = arith.constant 20 : i32
    %scan3A_38 = arith.addi %scan3A_36, %scan3A_37 : i32
    %scan3A_39 = arith.constant 1 : i32
    scf.for %scan3A_46 = %scan3A_36 to %scan3A_38 step %scan3A_39  : i32 {
      %mul3A_47 = arith.constant 2 : i32
      %mul3A_48 = arith.muli %mul3A_47, %scan3A_46 : i32
      %dma_wait3A = arith.constant 0 : i32
      %dma_wait3A_49 = tpu.memref_slice %arg7[%mul3A_48, %dma_wait3A] : memref<40x128xi32, #tpu.memory_space<vmem>> -> memref<1x128xi32, #tpu.memory_space<vmem>>
      %dma_wait3A_50 = tpu.memref_squeeze %dma_wait3A_49 : memref<1x128xi32, #tpu.memory_space<vmem>> -> memref<128xi32, #tpu.memory_space<vmem>>
      %dma_wait3A_51 = arith.constant 0 : i32
      %dma_wait3A_52 = arith.constant 0 : i32
      %dma_wait3A_53 = tpu.memref_slice %arg2[%dma_wait3A_51, %dma_wait3A_52] : memref<10000x128xf32, #tpu.memory_space<hbm>> -> memref<10000x128xf32, #tpu.memory_space<hbm>>
      tpu.wait_indirect_dma semaphore(%arg12 : memref<!tpu.dma_semaphore, #tpu.memory_space<semaphore_mem>>) src(%dma_wait3A_53 : memref<10000x128xf32, #tpu.memory_space<hbm>>) dst(%arg9 : memref<128x128xf32, #tpu.memory_space<vmem>>)
      "tpu.region"() ({
        %run_scoped3A = tpu.sem_alloc : memref<!tpu.dma_semaphore, #tpu.memory_space<semaphore_mem>>
        %dma_start3A_75 = arith.constant 0 : i32
        %dma_start3A_76 = tpu.memref_slice %arg8[%mul3A_48, %dma_start3A_75] : memref<40x128xi32, #tpu.memory_space<vmem>> -> memref<1x128xi32, #tpu.memory_space<vmem>>
        %dma_start3A_77 = tpu.memref_squeeze %dma_start3A_76 : memref<1x128xi32, #tpu.memory_space<vmem>> -> memref<128xi32, #tpu.memory_space<vmem>>
        %dma_start3A_78 = arith.constant 0 : i32
        %dma_start3A_79 = arith.constant 0 : i32
        %dma_start3A_80 = tpu.memref_slice %arg11[%dma_start3A_78, %dma_start3A_79] : memref<10112x128xf32, #tpu.memory_space<vmem_shared>> -> memref<10112x128xf32, #tpu.memory_space<vmem_shared>>
        tpu.enqueue_indirect_dma source(%arg9 : memref<128x128xf32, #tpu.memory_space<vmem>>) target(%dma_start3A_80 : memref<10112x128xf32, #tpu.memory_space<vmem_shared>>) offsets(%dma_start3A_77 : memref<128xi32, #tpu.memory_space<vmem>>) semaphore(%run_scoped3A : memref<!tpu.dma_semaphore, #tpu.memory_space<semaphore_mem>>) {add = true}
        %dma_wait3A_81 = arith.constant 0 : i32
        %dma_wait3A_82 = tpu.memref_slice %arg8[%mul3A_48, %dma_wait3A_81] : memref<40x128xi32, #tpu.memory_space<vmem>> -> memref<1x128xi32, #tpu.memory_space<vmem>>
        %dma_wait3A_83 = tpu.memref_squeeze %dma_wait3A_82 : memref<1x128xi32, #tpu.memory_space<vmem>> -> memref<128xi32, #tpu.memory_space<vmem>>
        %dma_wait3A_84 = arith.constant 0 : i32
        %dma_wait3A_85 = arith.constant 0 : i32
        %dma_wait3A_86 = tpu.memref_slice %arg11[%dma_wait3A_84, %dma_wait3A_85] : memref<10112x128xf32, #tpu.memory_space<vmem_shared>> -> memref<10112x128xf32, #tpu.memory_space<vmem_shared>>
        tpu.wait_indirect_dma semaphore(%run_scoped3A : memref<!tpu.dma_semaphore, #tpu.memory_space<semaphore_mem>>) src(%arg9 : memref<128x128xf32, #tpu.memory_space<vmem>>) dst(%dma_wait3A_86 : memref<10112x128xf32, #tpu.memory_space<vmem_shared>>)
        tpu.yield
      }) : () -> ()
      %add3A_54 = arith.constant 2 : i32
      %add3A_55 = arith.addi %mul3A_48, %add3A_54 : i32
      %lt3A = arith.constant 40 : i32
      %lt3A_56 = arith.cmpi slt, %add3A_55, %lt3A : i32
      %convert_element_type3A = arith.extui %lt3A_56 : i1 to i32
      %cond3A = arith.constant 0 : i32
      %cond3A_57 = arith.cmpi ne, %convert_element_type3A, %cond3A : i32
      scf.if %cond3A_57 {
        %add3A_75 = arith.constant 2 : i32
        %add3A_76 = arith.addi %mul3A_48, %add3A_75 : i32
        %dma_start3A_77 = arith.constant 0 : i32
        %dma_start3A_78 = tpu.memref_slice %arg7[%add3A_76, %dma_start3A_77] : memref<40x128xi32, #tpu.memory_space<vmem>> -> memref<1x128xi32, #tpu.memory_space<vmem>>
        %dma_start3A_79 = tpu.memref_squeeze %dma_start3A_78 : memref<1x128xi32, #tpu.memory_space<vmem>> -> memref<128xi32, #tpu.memory_space<vmem>>
        %dma_start3A_80 = arith.constant 0 : i32
        %dma_start3A_81 = arith.constant 0 : i32
        %dma_start3A_82 = tpu.memref_slice %arg2[%dma_start3A_80, %dma_start3A_81] : memref<10000x128xf32, #tpu.memory_space<hbm>> -> memref<10000x128xf32, #tpu.memory_space<hbm>>
        tpu.enqueue_indirect_dma source(%dma_start3A_82 : memref<10000x128xf32, #tpu.memory_space<hbm>>) target(%arg9 : memref<128x128xf32, #tpu.memory_space<vmem>>) offsets(%dma_start3A_79 : memref<128xi32, #tpu.memory_space<vmem>>) semaphore(%arg12 : memref<!tpu.dma_semaphore, #tpu.memory_space<semaphore_mem>>)
      } else {
      }
      %add3A_58 = arith.constant 1 : i32
      %add3A_59 = arith.addi %mul3A_48, %add3A_58 : i32
      %dma_wait3A_60 = arith.constant 0 : i32
      %dma_wait3A_61 = tpu.memref_slice %arg7[%add3A_59, %dma_wait3A_60] : memref<40x128xi32, #tpu.memory_space<vmem>> -> memref<1x128xi32, #tpu.memory_space<vmem>>
      %dma_wait3A_62 = tpu.memref_squeeze %dma_wait3A_61 : memref<1x128xi32, #tpu.memory_space<vmem>> -> memref<128xi32, #tpu.memory_space<vmem>>
      %dma_wait3A_63 = arith.constant 0 : i32
      %dma_wait3A_64 = arith.constant 0 : i32
      %dma_wait3A_65 = tpu.memref_slice %arg2[%dma_wait3A_63, %dma_wait3A_64] : memref<10000x128xf32, #tpu.memory_space<hbm>> -> memref<10000x128xf32, #tpu.memory_space<hbm>>
      tpu.wait_indirect_dma semaphore(%arg13 : memref<!tpu.dma_semaphore, #tpu.memory_space<semaphore_mem>>) src(%dma_wait3A_65 : memref<10000x128xf32, #tpu.memory_space<hbm>>) dst(%arg10 : memref<128x128xf32, #tpu.memory_space<vmem>>)
      %add3A_66 = arith.constant 1 : i32
      %add3A_67 = arith.addi %mul3A_48, %add3A_66 : i32
      "tpu.region"() ({
        %run_scoped3A = tpu.sem_alloc : memref<!tpu.dma_semaphore, #tpu.memory_space<semaphore_mem>>
        %dma_start3A_75 = arith.constant 0 : i32
        %dma_start3A_76 = tpu.memref_slice %arg8[%add3A_67, %dma_start3A_75] : memref<40x128xi32, #tpu.memory_space<vmem>> -> memref<1x128xi32, #tpu.memory_space<vmem>>
        %dma_start3A_77 = tpu.memref_squeeze %dma_start3A_76 : memref<1x128xi32, #tpu.memory_space<vmem>> -> memref<128xi32, #tpu.memory_space<vmem>>
        %dma_start3A_78 = arith.constant 0 : i32
        %dma_start3A_79 = arith.constant 0 : i32
        %dma_start3A_80 = tpu.memref_slice %arg11[%dma_start3A_78, %dma_start3A_79] : memref<10112x128xf32, #tpu.memory_space<vmem_shared>> -> memref<10112x128xf32, #tpu.memory_space<vmem_shared>>
        tpu.enqueue_indirect_dma source(%arg10 : memref<128x128xf32, #tpu.memory_space<vmem>>) target(%dma_start3A_80 : memref<10112x128xf32, #tpu.memory_space<vmem_shared>>) offsets(%dma_start3A_77 : memref<128xi32, #tpu.memory_space<vmem>>) semaphore(%run_scoped3A : memref<!tpu.dma_semaphore, #tpu.memory_space<semaphore_mem>>) {add = true}
        %dma_wait3A_81 = arith.constant 0 : i32
        %dma_wait3A_82 = tpu.memref_slice %arg8[%add3A_67, %dma_wait3A_81] : memref<40x128xi32, #tpu.memory_space<vmem>> -> memref<1x128xi32, #tpu.memory_space<vmem>>
        %dma_wait3A_83 = tpu.memref_squeeze %dma_wait3A_82 : memref<1x128xi32, #tpu.memory_space<vmem>> -> memref<128xi32, #tpu.memory_space<vmem>>
        %dma_wait3A_84 = arith.constant 0 : i32
        %dma_wait3A_85 = arith.constant 0 : i32
        %dma_wait3A_86 = tpu.memref_slice %arg11[%dma_wait3A_84, %dma_wait3A_85] : memref<10112x128xf32, #tpu.memory_space<vmem_shared>> -> memref<10112x128xf32, #tpu.memory_space<vmem_shared>>
        tpu.wait_indirect_dma semaphore(%run_scoped3A : memref<!tpu.dma_semaphore, #tpu.memory_space<semaphore_mem>>) src(%arg10 : memref<128x128xf32, #tpu.memory_space<vmem>>) dst(%dma_wait3A_86 : memref<10112x128xf32, #tpu.memory_space<vmem_shared>>)
        tpu.yield
      }) : () -> ()
      %add3A_68 = arith.constant 3 : i32
      %add3A_69 = arith.addi %mul3A_48, %add3A_68 : i32
      %lt3A_70 = arith.constant 40 : i32
      %lt3A_71 = arith.cmpi slt, %add3A_69, %lt3A_70 : i32
      %convert_element_type3A_72 = arith.extui %lt3A_71 : i1 to i32
      %cond3A_73 = arith.constant 0 : i32
      %cond3A_74 = arith.cmpi ne, %convert_element_type3A_72, %cond3A_73 : i32
      scf.if %cond3A_74 {
        %add3A_75 = arith.constant 3 : i32
        %add3A_76 = arith.addi %mul3A_48, %add3A_75 : i32
        %dma_start3A_77 = arith.constant 0 : i32
        %dma_start3A_78 = tpu.memref_slice %arg7[%add3A_76, %dma_start3A_77] : memref<40x128xi32, #tpu.memory_space<vmem>> -> memref<1x128xi32, #tpu.memory_space<vmem>>
        %dma_start3A_79 = tpu.memref_squeeze %dma_start3A_78 : memref<1x128xi32, #tpu.memory_space<vmem>> -> memref<128xi32, #tpu.memory_space<vmem>>
        %dma_start3A_80 = arith.constant 0 : i32
        %dma_start3A_81 = arith.constant 0 : i32
        %dma_start3A_82 = tpu.memref_slice %arg2[%dma_start3A_80, %dma_start3A_81] : memref<10000x128xf32, #tpu.memory_space<hbm>> -> memref<10000x128xf32, #tpu.memory_space<hbm>>
        tpu.enqueue_indirect_dma source(%dma_start3A_82 : memref<10000x128xf32, #tpu.memory_space<hbm>>) target(%arg10 : memref<128x128xf32, #tpu.memory_space<vmem>>) offsets(%dma_start3A_79 : memref<128xi32, #tpu.memory_space<vmem>>) semaphore(%arg13 : memref<!tpu.dma_semaphore, #tpu.memory_space<semaphore_mem>>)
      } else {
      }
    }
    %scan3A_40 = arith.constant 20 : i32
    %barrier3A_41 = arith.constant 0 : index
    tpu.barrier barrier_id(%barrier3A_41)
    %mul3A_42 = arith.constant 632 : i32
    %mul3A_43 = arith.muli %arg1, %mul3A_42 : i32
    %mul3A_44 = arith.constant 632 : i32
    %mul3A_45 = arith.muli %arg1, %mul3A_44 : i32
    "tpu.region"() ({
      %run_scoped3A = tpu.sem_alloc : memref<!tpu.dma_semaphore, #tpu.memory_space<semaphore_mem>>
      %dma_start3A_46 = arith.constant 0 : i32
      %dma_start3A_47 = tpu.memref_slice %arg6[%arg0, %mul3A_45, %dma_start3A_46] : memref<2x10112x128xf32, #tpu.memory_space<hbm>> -> memref<1x632x128xf32, #tpu.memory_space<hbm>>
      %dma_start3A_48 = tpu.memref_squeeze %dma_start3A_47 : memref<1x632x128xf32, #tpu.memory_space<hbm>> -> memref<632x128xf32, #tpu.memory_space<hbm>>
      %dma_start3A_49 = arith.constant 0 : i32
      %dma_start3A_50 = tpu.memref_slice %arg11[%mul3A_43, %dma_start3A_49] : memref<10112x128xf32, #tpu.memory_space<vmem_shared>> -> memref<632x128xf32, #tpu.memory_space<vmem_shared>>
      tpu.enqueue_dma source(%dma_start3A_50 : memref<632x128xf32, #tpu.memory_space<vmem_shared>>) target(%dma_start3A_48 : memref<632x128xf32, #tpu.memory_space<hbm>>) target_semaphore(%run_scoped3A : memref<!tpu.dma_semaphore, #tpu.memory_space<semaphore_mem>>)
      %dma_wait3A = arith.constant 0 : i32
      %dma_wait3A_51 = tpu.memref_slice %arg6[%arg0, %mul3A_45, %dma_wait3A] : memref<2x10112x128xf32, #tpu.memory_space<hbm>> -> memref<1x632x128xf32, #tpu.memory_space<hbm>>
      %dma_wait3A_52 = tpu.memref_squeeze %dma_wait3A_51 : memref<1x632x128xf32, #tpu.memory_space<hbm>> -> memref<632x128xf32, #tpu.memory_space<hbm>>
      %dma_wait3A_53 = arith.constant 0 : i32
      %dma_wait3A_54 = tpu.memref_slice %arg11[%mul3A_43, %dma_wait3A_53] : memref<10112x128xf32, #tpu.memory_space<vmem_shared>> -> memref<632x128xf32, #tpu.memory_space<vmem_shared>>
      tpu.wait_dma2 semaphore(%run_scoped3A : memref<!tpu.dma_semaphore, #tpu.memory_space<semaphore_mem>>) src(%dma_wait3A_54 : memref<632x128xf32, #tpu.memory_space<vmem_shared>>) dst(%dma_wait3A_52 : memref<632x128xf32, #tpu.memory_space<hbm>>)
      tpu.yield
    }) : () -> ()
    return
  }
}

#map = affine_map<(d0, d1) -> (0, 0)>
#map1 = affine_map<(d0, d1) -> (0, 0, 0)>
module attributes {stable_mosaic.version = 14 : i64} {
  func.func @_sc_agg_body(%arg0: i32, %arg1: i32, %arg2: memref<10000x128xf32, #tpu.memory_space<hbm>>, %arg3: memref<32x80x128xi32, #tpu.memory_space<hbm>>, %arg4: memref<32x80x128xi32, #tpu.memory_space<hbm>>, %arg5: memref<632x128xf32, #tpu.memory_space<hbm>>, %arg6: memref<2x10112x128xf32, #tpu.memory_space<hbm>>, %arg7: memref<40x128xi32, #tpu.memory_space<vmem>>, %arg8: memref<40x128xi32, #tpu.memory_space<vmem>>, %arg9: memref<128x128xf32, #tpu.memory_space<vmem>>, %arg10: memref<128x128xf32, #tpu.memory_space<vmem>>, %arg11: memref<10112x128xf32, #tpu.memory_space<vmem_shared>>, %arg12: memref<!tpu.dma_semaphore, #tpu.memory_space<semaphore_mem>>, %arg13: memref<!tpu.dma_semaphore, #tpu.memory_space<semaphore_mem>>) attributes {dimension_semantics = [#tpu.dimension_semantics<core_parallel>, #tpu.dimension_semantics<subcore_parallel>], iteration_bounds = array<i64: 2, 16>, scalar_prefetch = 0 : i64, scratch_operands = 7 : i64, tpu.core_type = #tpu.core_type<sc_vector_subcore>, window_params = [{transform_indices = #map}, {transform_indices = #map1}, {transform_indices = #map1}, {transform_indices = #map}, {transform_indices = #map1}]} {
    %mul3A = arith.constant 16 : i32
    %mul3A_0 = arith.muli %arg0, %mul3A : i32
    %add3A = arith.addi %mul3A_0, %arg1 : i32
    %mul3A_1 = arith.constant 632 : i32
    %mul3A_2 = arith.muli %arg1, %mul3A_1 : i32
    "tpu.region"() ({
      %run_scoped3A = tpu.sem_alloc : memref<!tpu.dma_semaphore, #tpu.memory_space<semaphore_mem>>
      %dma_start3A_46 = arith.constant 0 : i32
      %dma_start3A_47 = tpu.memref_slice %arg11[%mul3A_2, %dma_start3A_46] : memref<10112x128xf32, #tpu.memory_space<vmem_shared>> -> memref<632x128xf32, #tpu.memory_space<vmem_shared>>
      tpu.enqueue_dma source(%arg5 : memref<632x128xf32, #tpu.memory_space<hbm>>) target(%dma_start3A_47 : memref<632x128xf32, #tpu.memory_space<vmem_shared>>) target_semaphore(%run_scoped3A : memref<!tpu.dma_semaphore, #tpu.memory_space<semaphore_mem>>)
      %dma_wait3A = arith.constant 0 : i32
      %dma_wait3A_48 = tpu.memref_slice %arg11[%mul3A_2, %dma_wait3A] : memref<10112x128xf32, #tpu.memory_space<vmem_shared>> -> memref<632x128xf32, #tpu.memory_space<vmem_shared>>
      tpu.wait_dma2 semaphore(%run_scoped3A : memref<!tpu.dma_semaphore, #tpu.memory_space<semaphore_mem>>) src(%arg5 : memref<632x128xf32, #tpu.memory_space<hbm>>) dst(%dma_wait3A_48 : memref<632x128xf32, #tpu.memory_space<vmem_shared>>)
      tpu.yield
    }) : () -> ()
    %barrier3A = arith.constant 0 : index
    tpu.barrier barrier_id(%barrier3A)
    "tpu.region"() ({
      %run_scoped3A = tpu.sem_alloc : memref<!tpu.dma_semaphore, #tpu.memory_space<semaphore_mem>>
      %dma_start3A_46 = arith.constant 0 : i32
      %dma_start3A_47 = arith.constant 0 : i32
      %dma_start3A_48 = tpu.memref_slice %arg3[%add3A, %dma_start3A_46, %dma_start3A_47] : memref<32x80x128xi32, #tpu.memory_space<hbm>> -> memref<1x40x128xi32, #tpu.memory_space<hbm>>
      %dma_start3A_49 = tpu.memref_squeeze %dma_start3A_48 : memref<1x40x128xi32, #tpu.memory_space<hbm>> -> memref<40x128xi32, #tpu.memory_space<hbm>>
      %dma_start3A_50 = arith.constant 0 : i32
      %dma_start3A_51 = arith.constant 0 : i32
      %dma_start3A_52 = tpu.memref_slice %arg3[%add3A, %dma_start3A_50, %dma_start3A_51] : memref<32x80x128xi32, #tpu.memory_space<hbm>> -> memref<1x40x128xi32, #tpu.memory_space<hbm>>
      %dma_start3A_53 = tpu.memref_squeeze %dma_start3A_52 : memref<1x40x128xi32, #tpu.memory_space<hbm>> -> memref<40x128xi32, #tpu.memory_space<hbm>>
      tpu.enqueue_dma source(%dma_start3A_53 : memref<40x128xi32, #tpu.memory_space<hbm>>) target(%arg7 : memref<40x128xi32, #tpu.memory_space<vmem>>) target_semaphore(%run_scoped3A : memref<!tpu.dma_semaphore, #tpu.memory_space<semaphore_mem>>)
      %dma_wait3A = arith.constant 0 : i32
      %dma_wait3A_54 = arith.constant 0 : i32
      %dma_wait3A_55 = tpu.memref_slice %arg3[%add3A, %dma_wait3A, %dma_wait3A_54] : memref<32x80x128xi32, #tpu.memory_space<hbm>> -> memref<1x40x128xi32, #tpu.memory_space<hbm>>
      %dma_wait3A_56 = tpu.memref_squeeze %dma_wait3A_55 : memref<1x40x128xi32, #tpu.memory_space<hbm>> -> memref<40x128xi32, #tpu.memory_space<hbm>>
      %dma_wait3A_57 = arith.constant 0 : i32
      %dma_wait3A_58 = arith.constant 0 : i32
      %dma_wait3A_59 = tpu.memref_slice %arg3[%add3A, %dma_wait3A_57, %dma_wait3A_58] : memref<32x80x128xi32, #tpu.memory_space<hbm>> -> memref<1x40x128xi32, #tpu.memory_space<hbm>>
      %dma_wait3A_60 = tpu.memref_squeeze %dma_wait3A_59 : memref<1x40x128xi32, #tpu.memory_space<hbm>> -> memref<40x128xi32, #tpu.memory_space<hbm>>
      tpu.wait_dma2 semaphore(%run_scoped3A : memref<!tpu.dma_semaphore, #tpu.memory_space<semaphore_mem>>) src(%dma_wait3A_60 : memref<40x128xi32, #tpu.memory_space<hbm>>) dst(%arg7 : memref<40x128xi32, #tpu.memory_space<vmem>>)
      tpu.yield
    }) : () -> ()
    %dma_start3A = arith.constant 0 : i32
    %dma_start3A_3 = arith.constant 0 : i32
    %dma_start3A_4 = tpu.memref_slice %arg7[%dma_start3A, %dma_start3A_3] : memref<40x128xi32, #tpu.memory_space<vmem>> -> memref<1x128xi32, #tpu.memory_space<vmem>>
    %dma_start3A_5 = tpu.memref_squeeze %dma_start3A_4 : memref<1x128xi32, #tpu.memory_space<vmem>> -> memref<128xi32, #tpu.memory_space<vmem>>
    %dma_start3A_6 = arith.constant 0 : i32
    %dma_start3A_7 = arith.constant 0 : i32
    %dma_start3A_8 = tpu.memref_slice %arg2[%dma_start3A_6, %dma_start3A_7] : memref<10000x128xf32, #tpu.memory_space<hbm>> -> memref<10000x128xf32, #tpu.memory_space<hbm>>
    tpu.enqueue_indirect_dma source(%dma_start3A_8 : memref<10000x128xf32, #tpu.memory_space<hbm>>) target(%arg9 : memref<128x128xf32, #tpu.memory_space<vmem>>) offsets(%dma_start3A_5 : memref<128xi32, #tpu.memory_space<vmem>>) semaphore(%arg12 : memref<!tpu.dma_semaphore, #tpu.memory_space<semaphore_mem>>)
    %dma_start3A_9 = arith.constant 1 : i32
    %dma_start3A_10 = arith.constant 0 : i32
    %dma_start3A_11 = tpu.memref_slice %arg7[%dma_start3A_9, %dma_start3A_10] : memref<40x128xi32, #tpu.memory_space<vmem>> -> memref<1x128xi32, #tpu.memory_space<vmem>>
    %dma_start3A_12 = tpu.memref_squeeze %dma_start3A_11 : memref<1x128xi32, #tpu.memory_space<vmem>> -> memref<128xi32, #tpu.memory_space<vmem>>
    %dma_start3A_13 = arith.constant 0 : i32
    %dma_start3A_14 = arith.constant 0 : i32
    %dma_start3A_15 = tpu.memref_slice %arg2[%dma_start3A_13, %dma_start3A_14] : memref<10000x128xf32, #tpu.memory_space<hbm>> -> memref<10000x128xf32, #tpu.memory_space<hbm>>
    tpu.enqueue_indirect_dma source(%dma_start3A_15 : memref<10000x128xf32, #tpu.memory_space<hbm>>) target(%arg10 : memref<128x128xf32, #tpu.memory_space<vmem>>) offsets(%dma_start3A_12 : memref<128xi32, #tpu.memory_space<vmem>>) semaphore(%arg13 : memref<!tpu.dma_semaphore, #tpu.memory_space<semaphore_mem>>)
    "tpu.region"() ({
      %run_scoped3A = tpu.sem_alloc : memref<!tpu.dma_semaphore, #tpu.memory_space<semaphore_mem>>
      %dma_start3A_46 = arith.constant 0 : i32
      %dma_start3A_47 = arith.constant 0 : i32
      %dma_start3A_48 = tpu.memref_slice %arg4[%add3A, %dma_start3A_46, %dma_start3A_47] : memref<32x80x128xi32, #tpu.memory_space<hbm>> -> memref<1x40x128xi32, #tpu.memory_space<hbm>>
      %dma_start3A_49 = tpu.memref_squeeze %dma_start3A_48 : memref<1x40x128xi32, #tpu.memory_space<hbm>> -> memref<40x128xi32, #tpu.memory_space<hbm>>
      %dma_start3A_50 = arith.constant 0 : i32
      %dma_start3A_51 = arith.constant 0 : i32
      %dma_start3A_52 = tpu.memref_slice %arg4[%add3A, %dma_start3A_50, %dma_start3A_51] : memref<32x80x128xi32, #tpu.memory_space<hbm>> -> memref<1x40x128xi32, #tpu.memory_space<hbm>>
      %dma_start3A_53 = tpu.memref_squeeze %dma_start3A_52 : memref<1x40x128xi32, #tpu.memory_space<hbm>> -> memref<40x128xi32, #tpu.memory_space<hbm>>
      tpu.enqueue_dma source(%dma_start3A_53 : memref<40x128xi32, #tpu.memory_space<hbm>>) target(%arg8 : memref<40x128xi32, #tpu.memory_space<vmem>>) target_semaphore(%run_scoped3A : memref<!tpu.dma_semaphore, #tpu.memory_space<semaphore_mem>>)
      %dma_wait3A = arith.constant 0 : i32
      %dma_wait3A_54 = arith.constant 0 : i32
      %dma_wait3A_55 = tpu.memref_slice %arg4[%add3A, %dma_wait3A, %dma_wait3A_54] : memref<32x80x128xi32, #tpu.memory_space<hbm>> -> memref<1x40x128xi32, #tpu.memory_space<hbm>>
      %dma_wait3A_56 = tpu.memref_squeeze %dma_wait3A_55 : memref<1x40x128xi32, #tpu.memory_space<hbm>> -> memref<40x128xi32, #tpu.memory_space<hbm>>
      %dma_wait3A_57 = arith.constant 0 : i32
      %dma_wait3A_58 = arith.constant 0 : i32
      %dma_wait3A_59 = tpu.memref_slice %arg4[%add3A, %dma_wait3A_57, %dma_wait3A_58] : memref<32x80x128xi32, #tpu.memory_space<hbm>> -> memref<1x40x128xi32, #tpu.memory_space<hbm>>
      %dma_wait3A_60 = tpu.memref_squeeze %dma_wait3A_59 : memref<1x40x128xi32, #tpu.memory_space<hbm>> -> memref<40x128xi32, #tpu.memory_space<hbm>>
      tpu.wait_dma2 semaphore(%run_scoped3A : memref<!tpu.dma_semaphore, #tpu.memory_space<semaphore_mem>>) src(%dma_wait3A_60 : memref<40x128xi32, #tpu.memory_space<hbm>>) dst(%arg8 : memref<40x128xi32, #tpu.memory_space<vmem>>)
      tpu.yield
    }) : () -> ()
    %scan3A = arith.constant 0 : i32
    %scan3A_16 = arith.constant 0 : i32
    %scan3A_17 = arith.constant 20 : i32
    %scan3A_18 = arith.addi %scan3A_16, %scan3A_17 : i32
    %scan3A_19 = arith.constant 1 : i32
    scf.for %scan3A_46 = %scan3A_16 to %scan3A_18 step %scan3A_19  : i32 {
      %mul3A_47 = arith.constant 2 : i32
      %mul3A_48 = arith.muli %mul3A_47, %scan3A_46 : i32
      %dma_wait3A = arith.constant 0 : i32
      %dma_wait3A_49 = tpu.memref_slice %arg7[%mul3A_48, %dma_wait3A] : memref<40x128xi32, #tpu.memory_space<vmem>> -> memref<1x128xi32, #tpu.memory_space<vmem>>
      %dma_wait3A_50 = tpu.memref_squeeze %dma_wait3A_49 : memref<1x128xi32, #tpu.memory_space<vmem>> -> memref<128xi32, #tpu.memory_space<vmem>>
      %dma_wait3A_51 = arith.constant 0 : i32
      %dma_wait3A_52 = arith.constant 0 : i32
      %dma_wait3A_53 = tpu.memref_slice %arg2[%dma_wait3A_51, %dma_wait3A_52] : memref<10000x128xf32, #tpu.memory_space<hbm>> -> memref<10000x128xf32, #tpu.memory_space<hbm>>
      tpu.wait_indirect_dma semaphore(%arg12 : memref<!tpu.dma_semaphore, #tpu.memory_space<semaphore_mem>>) src(%dma_wait3A_53 : memref<10000x128xf32, #tpu.memory_space<hbm>>) dst(%arg9 : memref<128x128xf32, #tpu.memory_space<vmem>>)
      "tpu.region"() ({
        %run_scoped3A = tpu.sem_alloc : memref<!tpu.dma_semaphore, #tpu.memory_space<semaphore_mem>>
        %dma_start3A_75 = arith.constant 0 : i32
        %dma_start3A_76 = tpu.memref_slice %arg8[%mul3A_48, %dma_start3A_75] : memref<40x128xi32, #tpu.memory_space<vmem>> -> memref<1x128xi32, #tpu.memory_space<vmem>>
        %dma_start3A_77 = tpu.memref_squeeze %dma_start3A_76 : memref<1x128xi32, #tpu.memory_space<vmem>> -> memref<128xi32, #tpu.memory_space<vmem>>
        %dma_start3A_78 = arith.constant 0 : i32
        %dma_start3A_79 = arith.constant 0 : i32
        %dma_start3A_80 = tpu.memref_slice %arg11[%dma_start3A_78, %dma_start3A_79] : memref<10112x128xf32, #tpu.memory_space<vmem_shared>> -> memref<10112x128xf32, #tpu.memory_space<vmem_shared>>
        tpu.enqueue_indirect_dma source(%arg9 : memref<128x128xf32, #tpu.memory_space<vmem>>) target(%dma_start3A_80 : memref<10112x128xf32, #tpu.memory_space<vmem_shared>>) offsets(%dma_start3A_77 : memref<128xi32, #tpu.memory_space<vmem>>) semaphore(%run_scoped3A : memref<!tpu.dma_semaphore, #tpu.memory_space<semaphore_mem>>) {add = true}
        %dma_wait3A_81 = arith.constant 0 : i32
        %dma_wait3A_82 = tpu.memref_slice %arg8[%mul3A_48, %dma_wait3A_81] : memref<40x128xi32, #tpu.memory_space<vmem>> -> memref<1x128xi32, #tpu.memory_space<vmem>>
        %dma_wait3A_83 = tpu.memref_squeeze %dma_wait3A_82 : memref<1x128xi32, #tpu.memory_space<vmem>> -> memref<128xi32, #tpu.memory_space<vmem>>
        %dma_wait3A_84 = arith.constant 0 : i32
        %dma_wait3A_85 = arith.constant 0 : i32
        %dma_wait3A_86 = tpu.memref_slice %arg11[%dma_wait3A_84, %dma_wait3A_85] : memref<10112x128xf32, #tpu.memory_space<vmem_shared>> -> memref<10112x128xf32, #tpu.memory_space<vmem_shared>>
        tpu.wait_indirect_dma semaphore(%run_scoped3A : memref<!tpu.dma_semaphore, #tpu.memory_space<semaphore_mem>>) src(%arg9 : memref<128x128xf32, #tpu.memory_space<vmem>>) dst(%dma_wait3A_86 : memref<10112x128xf32, #tpu.memory_space<vmem_shared>>)
        tpu.yield
      }) : () -> ()
      %add3A_54 = arith.constant 2 : i32
      %add3A_55 = arith.addi %mul3A_48, %add3A_54 : i32
      %lt3A = arith.constant 40 : i32
      %lt3A_56 = arith.cmpi slt, %add3A_55, %lt3A : i32
      %convert_element_type3A = arith.extui %lt3A_56 : i1 to i32
      %cond3A = arith.constant 0 : i32
      %cond3A_57 = arith.cmpi ne, %convert_element_type3A, %cond3A : i32
      scf.if %cond3A_57 {
        %add3A_75 = arith.constant 2 : i32
        %add3A_76 = arith.addi %mul3A_48, %add3A_75 : i32
        %dma_start3A_77 = arith.constant 0 : i32
        %dma_start3A_78 = tpu.memref_slice %arg7[%add3A_76, %dma_start3A_77] : memref<40x128xi32, #tpu.memory_space<vmem>> -> memref<1x128xi32, #tpu.memory_space<vmem>>
        %dma_start3A_79 = tpu.memref_squeeze %dma_start3A_78 : memref<1x128xi32, #tpu.memory_space<vmem>> -> memref<128xi32, #tpu.memory_space<vmem>>
        %dma_start3A_80 = arith.constant 0 : i32
        %dma_start3A_81 = arith.constant 0 : i32
        %dma_start3A_82 = tpu.memref_slice %arg2[%dma_start3A_80, %dma_start3A_81] : memref<10000x128xf32, #tpu.memory_space<hbm>> -> memref<10000x128xf32, #tpu.memory_space<hbm>>
        tpu.enqueue_indirect_dma source(%dma_start3A_82 : memref<10000x128xf32, #tpu.memory_space<hbm>>) target(%arg9 : memref<128x128xf32, #tpu.memory_space<vmem>>) offsets(%dma_start3A_79 : memref<128xi32, #tpu.memory_space<vmem>>) semaphore(%arg12 : memref<!tpu.dma_semaphore, #tpu.memory_space<semaphore_mem>>)
      } else {
      }
      %add3A_58 = arith.constant 1 : i32
      %add3A_59 = arith.addi %mul3A_48, %add3A_58 : i32
      %dma_wait3A_60 = arith.constant 0 : i32
      %dma_wait3A_61 = tpu.memref_slice %arg7[%add3A_59, %dma_wait3A_60] : memref<40x128xi32, #tpu.memory_space<vmem>> -> memref<1x128xi32, #tpu.memory_space<vmem>>
      %dma_wait3A_62 = tpu.memref_squeeze %dma_wait3A_61 : memref<1x128xi32, #tpu.memory_space<vmem>> -> memref<128xi32, #tpu.memory_space<vmem>>
      %dma_wait3A_63 = arith.constant 0 : i32
      %dma_wait3A_64 = arith.constant 0 : i32
      %dma_wait3A_65 = tpu.memref_slice %arg2[%dma_wait3A_63, %dma_wait3A_64] : memref<10000x128xf32, #tpu.memory_space<hbm>> -> memref<10000x128xf32, #tpu.memory_space<hbm>>
      tpu.wait_indirect_dma semaphore(%arg13 : memref<!tpu.dma_semaphore, #tpu.memory_space<semaphore_mem>>) src(%dma_wait3A_65 : memref<10000x128xf32, #tpu.memory_space<hbm>>) dst(%arg10 : memref<128x128xf32, #tpu.memory_space<vmem>>)
      %add3A_66 = arith.constant 1 : i32
      %add3A_67 = arith.addi %mul3A_48, %add3A_66 : i32
      "tpu.region"() ({
        %run_scoped3A = tpu.sem_alloc : memref<!tpu.dma_semaphore, #tpu.memory_space<semaphore_mem>>
        %dma_start3A_75 = arith.constant 0 : i32
        %dma_start3A_76 = tpu.memref_slice %arg8[%add3A_67, %dma_start3A_75] : memref<40x128xi32, #tpu.memory_space<vmem>> -> memref<1x128xi32, #tpu.memory_space<vmem>>
        %dma_start3A_77 = tpu.memref_squeeze %dma_start3A_76 : memref<1x128xi32, #tpu.memory_space<vmem>> -> memref<128xi32, #tpu.memory_space<vmem>>
        %dma_start3A_78 = arith.constant 0 : i32
        %dma_start3A_79 = arith.constant 0 : i32
        %dma_start3A_80 = tpu.memref_slice %arg11[%dma_start3A_78, %dma_start3A_79] : memref<10112x128xf32, #tpu.memory_space<vmem_shared>> -> memref<10112x128xf32, #tpu.memory_space<vmem_shared>>
        tpu.enqueue_indirect_dma source(%arg10 : memref<128x128xf32, #tpu.memory_space<vmem>>) target(%dma_start3A_80 : memref<10112x128xf32, #tpu.memory_space<vmem_shared>>) offsets(%dma_start3A_77 : memref<128xi32, #tpu.memory_space<vmem>>) semaphore(%run_scoped3A : memref<!tpu.dma_semaphore, #tpu.memory_space<semaphore_mem>>) {add = true}
        %dma_wait3A_81 = arith.constant 0 : i32
        %dma_wait3A_82 = tpu.memref_slice %arg8[%add3A_67, %dma_wait3A_81] : memref<40x128xi32, #tpu.memory_space<vmem>> -> memref<1x128xi32, #tpu.memory_space<vmem>>
        %dma_wait3A_83 = tpu.memref_squeeze %dma_wait3A_82 : memref<1x128xi32, #tpu.memory_space<vmem>> -> memref<128xi32, #tpu.memory_space<vmem>>
        %dma_wait3A_84 = arith.constant 0 : i32
        %dma_wait3A_85 = arith.constant 0 : i32
        %dma_wait3A_86 = tpu.memref_slice %arg11[%dma_wait3A_84, %dma_wait3A_85] : memref<10112x128xf32, #tpu.memory_space<vmem_shared>> -> memref<10112x128xf32, #tpu.memory_space<vmem_shared>>
        tpu.wait_indirect_dma semaphore(%run_scoped3A : memref<!tpu.dma_semaphore, #tpu.memory_space<semaphore_mem>>) src(%arg10 : memref<128x128xf32, #tpu.memory_space<vmem>>) dst(%dma_wait3A_86 : memref<10112x128xf32, #tpu.memory_space<vmem_shared>>)
        tpu.yield
      }) : () -> ()
      %add3A_68 = arith.constant 3 : i32
      %add3A_69 = arith.addi %mul3A_48, %add3A_68 : i32
      %lt3A_70 = arith.constant 40 : i32
      %lt3A_71 = arith.cmpi slt, %add3A_69, %lt3A_70 : i32
      %convert_element_type3A_72 = arith.extui %lt3A_71 : i1 to i32
      %cond3A_73 = arith.constant 0 : i32
      %cond3A_74 = arith.cmpi ne, %convert_element_type3A_72, %cond3A_73 : i32
      scf.if %cond3A_74 {
        %add3A_75 = arith.constant 3 : i32
        %add3A_76 = arith.addi %mul3A_48, %add3A_75 : i32
        %dma_start3A_77 = arith.constant 0 : i32
        %dma_start3A_78 = tpu.memref_slice %arg7[%add3A_76, %dma_start3A_77] : memref<40x128xi32, #tpu.memory_space<vmem>> -> memref<1x128xi32, #tpu.memory_space<vmem>>
        %dma_start3A_79 = tpu.memref_squeeze %dma_start3A_78 : memref<1x128xi32, #tpu.memory_space<vmem>> -> memref<128xi32, #tpu.memory_space<vmem>>
        %dma_start3A_80 = arith.constant 0 : i32
        %dma_start3A_81 = arith.constant 0 : i32
        %dma_start3A_82 = tpu.memref_slice %arg2[%dma_start3A_80, %dma_start3A_81] : memref<10000x128xf32, #tpu.memory_space<hbm>> -> memref<10000x128xf32, #tpu.memory_space<hbm>>
        tpu.enqueue_indirect_dma source(%dma_start3A_82 : memref<10000x128xf32, #tpu.memory_space<hbm>>) target(%arg10 : memref<128x128xf32, #tpu.memory_space<vmem>>) offsets(%dma_start3A_79 : memref<128xi32, #tpu.memory_space<vmem>>) semaphore(%arg13 : memref<!tpu.dma_semaphore, #tpu.memory_space<semaphore_mem>>)
      } else {
      }
    }
    %scan3A_20 = arith.constant 20 : i32
    "tpu.region"() ({
      %run_scoped3A = tpu.sem_alloc : memref<!tpu.dma_semaphore, #tpu.memory_space<semaphore_mem>>
      %dma_start3A_46 = arith.constant 40 : i32
      %dma_start3A_47 = arith.constant 0 : i32
      %dma_start3A_48 = tpu.memref_slice %arg3[%add3A, %dma_start3A_46, %dma_start3A_47] : memref<32x80x128xi32, #tpu.memory_space<hbm>> -> memref<1x40x128xi32, #tpu.memory_space<hbm>>
      %dma_start3A_49 = tpu.memref_squeeze %dma_start3A_48 : memref<1x40x128xi32, #tpu.memory_space<hbm>> -> memref<40x128xi32, #tpu.memory_space<hbm>>
      %dma_start3A_50 = arith.constant 40 : i32
      %dma_start3A_51 = arith.constant 0 : i32
      %dma_start3A_52 = tpu.memref_slice %arg3[%add3A, %dma_start3A_50, %dma_start3A_51] : memref<32x80x128xi32, #tpu.memory_space<hbm>> -> memref<1x40x128xi32, #tpu.memory_space<hbm>>
      %dma_start3A_53 = tpu.memref_squeeze %dma_start3A_52 : memref<1x40x128xi32, #tpu.memory_space<hbm>> -> memref<40x128xi32, #tpu.memory_space<hbm>>
      tpu.enqueue_dma source(%dma_start3A_53 : memref<40x128xi32, #tpu.memory_space<hbm>>) target(%arg7 : memref<40x128xi32, #tpu.memory_space<vmem>>) target_semaphore(%run_scoped3A : memref<!tpu.dma_semaphore, #tpu.memory_space<semaphore_mem>>)
      %dma_wait3A = arith.constant 40 : i32
      %dma_wait3A_54 = arith.constant 0 : i32
      %dma_wait3A_55 = tpu.memref_slice %arg3[%add3A, %dma_wait3A, %dma_wait3A_54] : memref<32x80x128xi32, #tpu.memory_space<hbm>> -> memref<1x40x128xi32, #tpu.memory_space<hbm>>
      %dma_wait3A_56 = tpu.memref_squeeze %dma_wait3A_55 : memref<1x40x128xi32, #tpu.memory_space<hbm>> -> memref<40x128xi32, #tpu.memory_space<hbm>>
      %dma_wait3A_57 = arith.constant 40 : i32
      %dma_wait3A_58 = arith.constant 0 : i32
      %dma_wait3A_59 = tpu.memref_slice %arg3[%add3A, %dma_wait3A_57, %dma_wait3A_58] : memref<32x80x128xi32, #tpu.memory_space<hbm>> -> memref<1x40x128xi32, #tpu.memory_space<hbm>>
      %dma_wait3A_60 = tpu.memref_squeeze %dma_wait3A_59 : memref<1x40x128xi32, #tpu.memory_space<hbm>> -> memref<40x128xi32, #tpu.memory_space<hbm>>
      tpu.wait_dma2 semaphore(%run_scoped3A : memref<!tpu.dma_semaphore, #tpu.memory_space<semaphore_mem>>) src(%dma_wait3A_60 : memref<40x128xi32, #tpu.memory_space<hbm>>) dst(%arg7 : memref<40x128xi32, #tpu.memory_space<vmem>>)
      tpu.yield
    }) : () -> ()
    %dma_start3A_21 = arith.constant 0 : i32
    %dma_start3A_22 = arith.constant 0 : i32
    %dma_start3A_23 = tpu.memref_slice %arg7[%dma_start3A_21, %dma_start3A_22] : memref<40x128xi32, #tpu.memory_space<vmem>> -> memref<1x128xi32, #tpu.memory_space<vmem>>
    %dma_start3A_24 = tpu.memref_squeeze %dma_start3A_23 : memref<1x128xi32, #tpu.memory_space<vmem>> -> memref<128xi32, #tpu.memory_space<vmem>>
    %dma_start3A_25 = arith.constant 0 : i32
    %dma_start3A_26 = arith.constant 0 : i32
    %dma_start3A_27 = tpu.memref_slice %arg2[%dma_start3A_25, %dma_start3A_26] : memref<10000x128xf32, #tpu.memory_space<hbm>> -> memref<10000x128xf32, #tpu.memory_space<hbm>>
    tpu.enqueue_indirect_dma source(%dma_start3A_27 : memref<10000x128xf32, #tpu.memory_space<hbm>>) target(%arg9 : memref<128x128xf32, #tpu.memory_space<vmem>>) offsets(%dma_start3A_24 : memref<128xi32, #tpu.memory_space<vmem>>) semaphore(%arg12 : memref<!tpu.dma_semaphore, #tpu.memory_space<semaphore_mem>>)
    %dma_start3A_28 = arith.constant 1 : i32
    %dma_start3A_29 = arith.constant 0 : i32
    %dma_start3A_30 = tpu.memref_slice %arg7[%dma_start3A_28, %dma_start3A_29] : memref<40x128xi32, #tpu.memory_space<vmem>> -> memref<1x128xi32, #tpu.memory_space<vmem>>
    %dma_start3A_31 = tpu.memref_squeeze %dma_start3A_30 : memref<1x128xi32, #tpu.memory_space<vmem>> -> memref<128xi32, #tpu.memory_space<vmem>>
    %dma_start3A_32 = arith.constant 0 : i32
    %dma_start3A_33 = arith.constant 0 : i32
    %dma_start3A_34 = tpu.memref_slice %arg2[%dma_start3A_32, %dma_start3A_33] : memref<10000x128xf32, #tpu.memory_space<hbm>> -> memref<10000x128xf32, #tpu.memory_space<hbm>>
    tpu.enqueue_indirect_dma source(%dma_start3A_34 : memref<10000x128xf32, #tpu.memory_space<hbm>>) target(%arg10 : memref<128x128xf32, #tpu.memory_space<vmem>>) offsets(%dma_start3A_31 : memref<128xi32, #tpu.memory_space<vmem>>) semaphore(%arg13 : memref<!tpu.dma_semaphore, #tpu.memory_space<semaphore_mem>>)
    "tpu.region"() ({
      %run_scoped3A = tpu.sem_alloc : memref<!tpu.dma_semaphore, #tpu.memory_space<semaphore_mem>>
      %dma_start3A_46 = arith.constant 40 : i32
      %dma_start3A_47 = arith.constant 0 : i32
      %dma_start3A_48 = tpu.memref_slice %arg4[%add3A, %dma_start3A_46, %dma_start3A_47] : memref<32x80x128xi32, #tpu.memory_space<hbm>> -> memref<1x40x128xi32, #tpu.memory_space<hbm>>
      %dma_start3A_49 = tpu.memref_squeeze %dma_start3A_48 : memref<1x40x128xi32, #tpu.memory_space<hbm>> -> memref<40x128xi32, #tpu.memory_space<hbm>>
      %dma_start3A_50 = arith.constant 40 : i32
      %dma_start3A_51 = arith.constant 0 : i32
      %dma_start3A_52 = tpu.memref_slice %arg4[%add3A, %dma_start3A_50, %dma_start3A_51] : memref<32x80x128xi32, #tpu.memory_space<hbm>> -> memref<1x40x128xi32, #tpu.memory_space<hbm>>
      %dma_start3A_53 = tpu.memref_squeeze %dma_start3A_52 : memref<1x40x128xi32, #tpu.memory_space<hbm>> -> memref<40x128xi32, #tpu.memory_space<hbm>>
      tpu.enqueue_dma source(%dma_start3A_53 : memref<40x128xi32, #tpu.memory_space<hbm>>) target(%arg8 : memref<40x128xi32, #tpu.memory_space<vmem>>) target_semaphore(%run_scoped3A : memref<!tpu.dma_semaphore, #tpu.memory_space<semaphore_mem>>)
      %dma_wait3A = arith.constant 40 : i32
      %dma_wait3A_54 = arith.constant 0 : i32
      %dma_wait3A_55 = tpu.memref_slice %arg4[%add3A, %dma_wait3A, %dma_wait3A_54] : memref<32x80x128xi32, #tpu.memory_space<hbm>> -> memref<1x40x128xi32, #tpu.memory_space<hbm>>
      %dma_wait3A_56 = tpu.memref_squeeze %dma_wait3A_55 : memref<1x40x128xi32, #tpu.memory_space<hbm>> -> memref<40x128xi32, #tpu.memory_space<hbm>>
      %dma_wait3A_57 = arith.constant 40 : i32
      %dma_wait3A_58 = arith.constant 0 : i32
      %dma_wait3A_59 = tpu.memref_slice %arg4[%add3A, %dma_wait3A_57, %dma_wait3A_58] : memref<32x80x128xi32, #tpu.memory_space<hbm>> -> memref<1x40x128xi32, #tpu.memory_space<hbm>>
      %dma_wait3A_60 = tpu.memref_squeeze %dma_wait3A_59 : memref<1x40x128xi32, #tpu.memory_space<hbm>> -> memref<40x128xi32, #tpu.memory_space<hbm>>
      tpu.wait_dma2 semaphore(%run_scoped3A : memref<!tpu.dma_semaphore, #tpu.memory_space<semaphore_mem>>) src(%dma_wait3A_60 : memref<40x128xi32, #tpu.memory_space<hbm>>) dst(%arg8 : memref<40x128xi32, #tpu.memory_space<vmem>>)
      tpu.yield
    }) : () -> ()
    %scan3A_35 = arith.constant 0 : i32
    %scan3A_36 = arith.constant 0 : i32
    %scan3A_37 = arith.constant 20 : i32
    %scan3A_38 = arith.addi %scan3A_36, %scan3A_37 : i32
    %scan3A_39 = arith.constant 1 : i32
    scf.for %scan3A_46 = %scan3A_36 to %scan3A_38 step %scan3A_39  : i32 {
      %mul3A_47 = arith.constant 2 : i32
      %mul3A_48 = arith.muli %mul3A_47, %scan3A_46 : i32
      %dma_wait3A = arith.constant 0 : i32
      %dma_wait3A_49 = tpu.memref_slice %arg7[%mul3A_48, %dma_wait3A] : memref<40x128xi32, #tpu.memory_space<vmem>> -> memref<1x128xi32, #tpu.memory_space<vmem>>
      %dma_wait3A_50 = tpu.memref_squeeze %dma_wait3A_49 : memref<1x128xi32, #tpu.memory_space<vmem>> -> memref<128xi32, #tpu.memory_space<vmem>>
      %dma_wait3A_51 = arith.constant 0 : i32
      %dma_wait3A_52 = arith.constant 0 : i32
      %dma_wait3A_53 = tpu.memref_slice %arg2[%dma_wait3A_51, %dma_wait3A_52] : memref<10000x128xf32, #tpu.memory_space<hbm>> -> memref<10000x128xf32, #tpu.memory_space<hbm>>
      tpu.wait_indirect_dma semaphore(%arg12 : memref<!tpu.dma_semaphore, #tpu.memory_space<semaphore_mem>>) src(%dma_wait3A_53 : memref<10000x128xf32, #tpu.memory_space<hbm>>) dst(%arg9 : memref<128x128xf32, #tpu.memory_space<vmem>>)
      "tpu.region"() ({
        %run_scoped3A = tpu.sem_alloc : memref<!tpu.dma_semaphore, #tpu.memory_space<semaphore_mem>>
        %dma_start3A_75 = arith.constant 0 : i32
        %dma_start3A_76 = tpu.memref_slice %arg8[%mul3A_48, %dma_start3A_75] : memref<40x128xi32, #tpu.memory_space<vmem>> -> memref<1x128xi32, #tpu.memory_space<vmem>>
        %dma_start3A_77 = tpu.memref_squeeze %dma_start3A_76 : memref<1x128xi32, #tpu.memory_space<vmem>> -> memref<128xi32, #tpu.memory_space<vmem>>
        %dma_start3A_78 = arith.constant 0 : i32
        %dma_start3A_79 = arith.constant 0 : i32
        %dma_start3A_80 = tpu.memref_slice %arg11[%dma_start3A_78, %dma_start3A_79] : memref<10112x128xf32, #tpu.memory_space<vmem_shared>> -> memref<10112x128xf32, #tpu.memory_space<vmem_shared>>
        tpu.enqueue_indirect_dma source(%arg9 : memref<128x128xf32, #tpu.memory_space<vmem>>) target(%dma_start3A_80 : memref<10112x128xf32, #tpu.memory_space<vmem_shared>>) offsets(%dma_start3A_77 : memref<128xi32, #tpu.memory_space<vmem>>) semaphore(%run_scoped3A : memref<!tpu.dma_semaphore, #tpu.memory_space<semaphore_mem>>) {add = true}
        %dma_wait3A_81 = arith.constant 0 : i32
        %dma_wait3A_82 = tpu.memref_slice %arg8[%mul3A_48, %dma_wait3A_81] : memref<40x128xi32, #tpu.memory_space<vmem>> -> memref<1x128xi32, #tpu.memory_space<vmem>>
        %dma_wait3A_83 = tpu.memref_squeeze %dma_wait3A_82 : memref<1x128xi32, #tpu.memory_space<vmem>> -> memref<128xi32, #tpu.memory_space<vmem>>
        %dma_wait3A_84 = arith.constant 0 : i32
        %dma_wait3A_85 = arith.constant 0 : i32
        %dma_wait3A_86 = tpu.memref_slice %arg11[%dma_wait3A_84, %dma_wait3A_85] : memref<10112x128xf32, #tpu.memory_space<vmem_shared>> -> memref<10112x128xf32, #tpu.memory_space<vmem_shared>>
        tpu.wait_indirect_dma semaphore(%run_scoped3A : memref<!tpu.dma_semaphore, #tpu.memory_space<semaphore_mem>>) src(%arg9 : memref<128x128xf32, #tpu.memory_space<vmem>>) dst(%dma_wait3A_86 : memref<10112x128xf32, #tpu.memory_space<vmem_shared>>)
        tpu.yield
      }) : () -> ()
      %add3A_54 = arith.constant 2 : i32
      %add3A_55 = arith.addi %mul3A_48, %add3A_54 : i32
      %lt3A = arith.constant 40 : i32
      %lt3A_56 = arith.cmpi slt, %add3A_55, %lt3A : i32
      %convert_element_type3A = arith.extui %lt3A_56 : i1 to i32
      %cond3A = arith.constant 0 : i32
      %cond3A_57 = arith.cmpi ne, %convert_element_type3A, %cond3A : i32
      scf.if %cond3A_57 {
        %add3A_75 = arith.constant 2 : i32
        %add3A_76 = arith.addi %mul3A_48, %add3A_75 : i32
        %dma_start3A_77 = arith.constant 0 : i32
        %dma_start3A_78 = tpu.memref_slice %arg7[%add3A_76, %dma_start3A_77] : memref<40x128xi32, #tpu.memory_space<vmem>> -> memref<1x128xi32, #tpu.memory_space<vmem>>
        %dma_start3A_79 = tpu.memref_squeeze %dma_start3A_78 : memref<1x128xi32, #tpu.memory_space<vmem>> -> memref<128xi32, #tpu.memory_space<vmem>>
        %dma_start3A_80 = arith.constant 0 : i32
        %dma_start3A_81 = arith.constant 0 : i32
        %dma_start3A_82 = tpu.memref_slice %arg2[%dma_start3A_80, %dma_start3A_81] : memref<10000x128xf32, #tpu.memory_space<hbm>> -> memref<10000x128xf32, #tpu.memory_space<hbm>>
        tpu.enqueue_indirect_dma source(%dma_start3A_82 : memref<10000x128xf32, #tpu.memory_space<hbm>>) target(%arg9 : memref<128x128xf32, #tpu.memory_space<vmem>>) offsets(%dma_start3A_79 : memref<128xi32, #tpu.memory_space<vmem>>) semaphore(%arg12 : memref<!tpu.dma_semaphore, #tpu.memory_space<semaphore_mem>>)
      } else {
      }
      %add3A_58 = arith.constant 1 : i32
      %add3A_59 = arith.addi %mul3A_48, %add3A_58 : i32
      %dma_wait3A_60 = arith.constant 0 : i32
      %dma_wait3A_61 = tpu.memref_slice %arg7[%add3A_59, %dma_wait3A_60] : memref<40x128xi32, #tpu.memory_space<vmem>> -> memref<1x128xi32, #tpu.memory_space<vmem>>
      %dma_wait3A_62 = tpu.memref_squeeze %dma_wait3A_61 : memref<1x128xi32, #tpu.memory_space<vmem>> -> memref<128xi32, #tpu.memory_space<vmem>>
      %dma_wait3A_63 = arith.constant 0 : i32
      %dma_wait3A_64 = arith.constant 0 : i32
      %dma_wait3A_65 = tpu.memref_slice %arg2[%dma_wait3A_63, %dma_wait3A_64] : memref<10000x128xf32, #tpu.memory_space<hbm>> -> memref<10000x128xf32, #tpu.memory_space<hbm>>
      tpu.wait_indirect_dma semaphore(%arg13 : memref<!tpu.dma_semaphore, #tpu.memory_space<semaphore_mem>>) src(%dma_wait3A_65 : memref<10000x128xf32, #tpu.memory_space<hbm>>) dst(%arg10 : memref<128x128xf32, #tpu.memory_space<vmem>>)
      %add3A_66 = arith.constant 1 : i32
      %add3A_67 = arith.addi %mul3A_48, %add3A_66 : i32
      "tpu.region"() ({
        %run_scoped3A = tpu.sem_alloc : memref<!tpu.dma_semaphore, #tpu.memory_space<semaphore_mem>>
        %dma_start3A_75 = arith.constant 0 : i32
        %dma_start3A_76 = tpu.memref_slice %arg8[%add3A_67, %dma_start3A_75] : memref<40x128xi32, #tpu.memory_space<vmem>> -> memref<1x128xi32, #tpu.memory_space<vmem>>
        %dma_start3A_77 = tpu.memref_squeeze %dma_start3A_76 : memref<1x128xi32, #tpu.memory_space<vmem>> -> memref<128xi32, #tpu.memory_space<vmem>>
        %dma_start3A_78 = arith.constant 0 : i32
        %dma_start3A_79 = arith.constant 0 : i32
        %dma_start3A_80 = tpu.memref_slice %arg11[%dma_start3A_78, %dma_start3A_79] : memref<10112x128xf32, #tpu.memory_space<vmem_shared>> -> memref<10112x128xf32, #tpu.memory_space<vmem_shared>>
        tpu.enqueue_indirect_dma source(%arg10 : memref<128x128xf32, #tpu.memory_space<vmem>>) target(%dma_start3A_80 : memref<10112x128xf32, #tpu.memory_space<vmem_shared>>) offsets(%dma_start3A_77 : memref<128xi32, #tpu.memory_space<vmem>>) semaphore(%run_scoped3A : memref<!tpu.dma_semaphore, #tpu.memory_space<semaphore_mem>>) {add = true}
        %dma_wait3A_81 = arith.constant 0 : i32
        %dma_wait3A_82 = tpu.memref_slice %arg8[%add3A_67, %dma_wait3A_81] : memref<40x128xi32, #tpu.memory_space<vmem>> -> memref<1x128xi32, #tpu.memory_space<vmem>>
        %dma_wait3A_83 = tpu.memref_squeeze %dma_wait3A_82 : memref<1x128xi32, #tpu.memory_space<vmem>> -> memref<128xi32, #tpu.memory_space<vmem>>
        %dma_wait3A_84 = arith.constant 0 : i32
        %dma_wait3A_85 = arith.constant 0 : i32
        %dma_wait3A_86 = tpu.memref_slice %arg11[%dma_wait3A_84, %dma_wait3A_85] : memref<10112x128xf32, #tpu.memory_space<vmem_shared>> -> memref<10112x128xf32, #tpu.memory_space<vmem_shared>>
        tpu.wait_indirect_dma semaphore(%run_scoped3A : memref<!tpu.dma_semaphore, #tpu.memory_space<semaphore_mem>>) src(%arg10 : memref<128x128xf32, #tpu.memory_space<vmem>>) dst(%dma_wait3A_86 : memref<10112x128xf32, #tpu.memory_space<vmem_shared>>)
        tpu.yield
      }) : () -> ()
      %add3A_68 = arith.constant 3 : i32
      %add3A_69 = arith.addi %mul3A_48, %add3A_68 : i32
      %lt3A_70 = arith.constant 40 : i32
      %lt3A_71 = arith.cmpi slt, %add3A_69, %lt3A_70 : i32
      %convert_element_type3A_72 = arith.extui %lt3A_71 : i1 to i32
      %cond3A_73 = arith.constant 0 : i32
      %cond3A_74 = arith.cmpi ne, %convert_element_type3A_72, %cond3A_73 : i32
      scf.if %cond3A_74 {
        %add3A_75 = arith.constant 3 : i32
        %add3A_76 = arith.addi %mul3A_48, %add3A_75 : i32
        %dma_start3A_77 = arith.constant 0 : i32
        %dma_start3A_78 = tpu.memref_slice %arg7[%add3A_76, %dma_start3A_77] : memref<40x128xi32, #tpu.memory_space<vmem>> -> memref<1x128xi32, #tpu.memory_space<vmem>>
        %dma_start3A_79 = tpu.memref_squeeze %dma_start3A_78 : memref<1x128xi32, #tpu.memory_space<vmem>> -> memref<128xi32, #tpu.memory_space<vmem>>
        %dma_start3A_80 = arith.constant 0 : i32
        %dma_start3A_81 = arith.constant 0 : i32
        %dma_start3A_82 = tpu.memref_slice %arg2[%dma_start3A_80, %dma_start3A_81] : memref<10000x128xf32, #tpu.memory_space<hbm>> -> memref<10000x128xf32, #tpu.memory_space<hbm>>
        tpu.enqueue_indirect_dma source(%dma_start3A_82 : memref<10000x128xf32, #tpu.memory_space<hbm>>) target(%arg10 : memref<128x128xf32, #tpu.memory_space<vmem>>) offsets(%dma_start3A_79 : memref<128xi32, #tpu.memory_space<vmem>>) semaphore(%arg13 : memref<!tpu.dma_semaphore, #tpu.memory_space<semaphore_mem>>)
      } else {
      }
    }
    %scan3A_40 = arith.constant 20 : i32
    %barrier3A_41 = arith.constant 0 : index
    tpu.barrier barrier_id(%barrier3A_41)
    %mul3A_42 = arith.constant 632 : i32
    %mul3A_43 = arith.muli %arg1, %mul3A_42 : i32
    %mul3A_44 = arith.constant 632 : i32
    %mul3A_45 = arith.muli %arg1, %mul3A_44 : i32
    "tpu.region"() ({
      %run_scoped3A = tpu.sem_alloc : memref<!tpu.dma_semaphore, #tpu.memory_space<semaphore_mem>>
      %dma_start3A_46 = arith.constant 0 : i32
      %dma_start3A_47 = tpu.memref_slice %arg6[%arg0, %mul3A_45, %dma_start3A_46] : memref<2x10112x128xf32, #tpu.memory_space<hbm>> -> memref<1x632x128xf32, #tpu.memory_space<hbm>>
      %dma_start3A_48 = tpu.memref_squeeze %dma_start3A_47 : memref<1x632x128xf32, #tpu.memory_space<hbm>> -> memref<632x128xf32, #tpu.memory_space<hbm>>
      %dma_start3A_49 = arith.constant 0 : i32
      %dma_start3A_50 = tpu.memref_slice %arg11[%mul3A_43, %dma_start3A_49] : memref<10112x128xf32, #tpu.memory_space<vmem_shared>> -> memref<632x128xf32, #tpu.memory_space<vmem_shared>>
      tpu.enqueue_dma source(%dma_start3A_50 : memref<632x128xf32, #tpu.memory_space<vmem_shared>>) target(%dma_start3A_48 : memref<632x128xf32, #tpu.memory_space<hbm>>) target_semaphore(%run_scoped3A : memref<!tpu.dma_semaphore, #tpu.memory_space<semaphore_mem>>)
      %dma_wait3A = arith.constant 0 : i32
      %dma_wait3A_51 = tpu.memref_slice %arg6[%arg0, %mul3A_45, %dma_wait3A] : memref<2x10112x128xf32, #tpu.memory_space<hbm>> -> memref<1x632x128xf32, #tpu.memory_space<hbm>>
      %dma_wait3A_52 = tpu.memref_squeeze %dma_wait3A_51 : memref<1x632x128xf32, #tpu.memory_space<hbm>> -> memref<632x128xf32, #tpu.memory_space<hbm>>
      %dma_wait3A_53 = arith.constant 0 : i32
      %dma_wait3A_54 = tpu.memref_slice %arg11[%mul3A_43, %dma_wait3A_53] : memref<10112x128xf32, #tpu.memory_space<vmem_shared>> -> memref<632x128xf32, #tpu.memory_space<vmem_shared>>
      tpu.wait_dma2 semaphore(%run_scoped3A : memref<!tpu.dma_semaphore, #tpu.memory_space<semaphore_mem>>) src(%dma_wait3A_54 : memref<632x128xf32, #tpu.memory_space<vmem_shared>>) dst(%dma_wait3A_52 : memref<632x128xf32, #tpu.memory_space<hbm>>)
      tpu.yield
    }) : () -> ()
    return
  }
}

module attributes {stable_mosaic.version = 14 : i64} {
  func.func @_dense_body(%arg0: i32, %arg1: memref<1000x128xf32, #tpu.memory_space<vmem>>, %arg2: memref<1x1000x128xf32, #tpu.memory_space<vmem>>, %arg3: memref<1x1000x128xf32, #tpu.memory_space<vmem>>, %arg4: memref<128x128xf32, #tpu.memory_space<vmem>>, %arg5: memref<128x128xf32, #tpu.memory_space<vmem>>, %arg6: memref<1x128xf32, #tpu.memory_space<vmem>>, %arg7: memref<1000x128xf32, #tpu.memory_space<vmem>>) attributes {dimension_semantics = [#tpu.dimension_semantics<arbitrary>], iteration_bounds = array<i64: 10>, scalar_prefetch = 0 : i64, scratch_operands = 0 : i64, tpu.core_type = #tpu.core_type<tc>, window_params = [{transform_indices = @transform_0, window_bounds = array<i64: 1000, 128>}, {transform_indices = @transform_1, window_bounds = array<i64: 1, 1000, 128>}, {transform_indices = @transform_2, window_bounds = array<i64: 1, 1000, 128>}, {pipeline_mode = #tpu.pipeline_mode<synchronous>, transform_indices = @transform_3, window_bounds = array<i64: 128, 128>}, {pipeline_mode = #tpu.pipeline_mode<synchronous>, transform_indices = @transform_4, window_bounds = array<i64: 128, 128>}, {pipeline_mode = #tpu.pipeline_mode<synchronous>, transform_indices = @transform_5, window_bounds = array<i64: 1, 128>}, {transform_indices = @transform_6, window_bounds = array<i64: 1000, 128>}]} {
    %get3A = arith.constant 0 : index
    %get3A_0 = arith.constant 0 : index
    %get3A_1 = arith.constant 0 : index
    %get3A_2 = vector.load %arg2[%get3A, %get3A_0, %get3A_1] : memref<1x1000x128xf32, #tpu.memory_space<vmem>>, vector<1x1000x128xf32>
    %get3A_3 = vector.shape_cast %get3A_2 : vector<1x1000x128xf32> to vector<1000x128xf32>
    %get3A_4 = arith.constant 0 : index
    %get3A_5 = arith.constant 0 : index
    %get3A_6 = arith.constant 0 : index
    %get3A_7 = vector.load %arg3[%get3A_4, %get3A_5, %get3A_6] : memref<1x1000x128xf32, #tpu.memory_space<vmem>>, vector<1x1000x128xf32>
    %get3A_8 = vector.shape_cast %get3A_7 : vector<1x1000x128xf32> to vector<1000x128xf32>
    %add3A = arith.addf %get3A_3, %get3A_8 : vector<1000x128xf32>
    %get3A_9 = arith.constant 0 : index
    %get3A_10 = arith.constant 0 : index
    %get3A_11 = vector.load %arg1[%get3A_9, %get3A_10] : memref<1000x128xf32, #tpu.memory_space<vmem>>, vector<1000x128xf32>
    %get3A_12 = arith.constant 0 : index
    %get3A_13 = arith.constant 0 : index
    %get3A_14 = vector.load %arg4[%get3A_12, %get3A_13] : memref<128x128xf32, #tpu.memory_space<vmem>>, vector<128x128xf32>
    %dot_general3A = arith.constant dense<0.000000e+00> : vector<1000x128xf32>
    %dot_general3A_15 = tpu.matmul %get3A_11, %get3A_14, %dot_general3A {dimension_numbers = #tpu.dot_dimension_numbers<[1], [0], [0], [1], [0, 0, 1, 1], [], []>, transpose_lhs_hint = false} : vector<1000x128xf32>, vector<128x128xf32>, vector<1000x128xf32> -> vector<1000x128xf32>
    %get3A_16 = arith.constant 0 : index
    %get3A_17 = arith.constant 0 : index
    %get3A_18 = vector.load %arg5[%get3A_16, %get3A_17] : memref<128x128xf32, #tpu.memory_space<vmem>>, vector<128x128xf32>
    %dot_general3A_19 = arith.constant dense<0.000000e+00> : vector<1000x128xf32>
    %dot_general3A_20 = tpu.matmul %add3A, %get3A_18, %dot_general3A_19 {dimension_numbers = #tpu.dot_dimension_numbers<[1], [0], [0], [1], [0, 0, 1, 1], [], []>, transpose_lhs_hint = false} : vector<1000x128xf32>, vector<128x128xf32>, vector<1000x128xf32> -> vector<1000x128xf32>
    %add3A_21 = arith.addf %dot_general3A_15, %dot_general3A_20 : vector<1000x128xf32>
    %get3A_22 = arith.constant 0 : index
    %get3A_23 = arith.constant 0 : index
    %get3A_24 = vector.load %arg6[%get3A_22, %get3A_23] : memref<1x128xf32, #tpu.memory_space<vmem>>, vector<1x128xf32>
    %add3A_25 = vector.broadcast %get3A_24 : vector<1x128xf32> to vector<1000x128xf32>
    %add3A_26 = arith.addf %add3A_21, %add3A_25 : vector<1000x128xf32>
    %max3A = arith.constant 0.000000e+00 : f32
    %max3A_27 = vector.broadcast %max3A : f32 to vector<1000x128xf32>
    %max3A_28 = arith.maximumf %add3A_26, %max3A_27 : vector<1000x128xf32>
    %swap3A = arith.constant 0 : index
    %swap3A_29 = arith.constant 0 : index
    %swap3A_30 = vector.load %arg7[%swap3A, %swap3A_29] : memref<1000x128xf32, #tpu.memory_space<vmem>>, vector<1000x128xf32>
    tpu.vector_store %arg7[%swap3A, %swap3A_29], %max3A_28 {strides = array<i32>} : memref<1000x128xf32, #tpu.memory_space<vmem>>, vector<1000x128xf32>,
    return
  }
  func.func @transform_0(%arg0: i32) -> (i32, i32) {
    %c0_i32 = arith.constant 0 : i32
    %c0_i32_0 = arith.constant 0 : i32
    return %arg0, %c0_i32 : i32, i32
  }
  func.func @transform_1(%arg0: i32) -> (i32, i32, i32) {
    %c0_i32 = arith.constant 0 : i32
    %c0_i32_0 = arith.constant 0 : i32
    %c0_i32_1 = arith.constant 0 : i32
    return %c0_i32, %arg0, %c0_i32_0 : i32, i32, i32
  }
  func.func @transform_2(%arg0: i32) -> (i32, i32, i32) {
    %c1_i32 = arith.constant 1 : i32
    %c0_i32 = arith.constant 0 : i32
    %c0_i32_0 = arith.constant 0 : i32
    return %c1_i32, %arg0, %c0_i32 : i32, i32, i32
  }
  func.func @transform_3(%arg0: i32) -> (i32, i32) {
    %c0_i32 = arith.constant 0 : i32
    %c0_i32_0 = arith.constant 0 : i32
    %c0_i32_1 = arith.constant 0 : i32
    return %c0_i32, %c0_i32_0 : i32, i32
  }
  func.func @transform_4(%arg0: i32) -> (i32, i32) {
    %c0_i32 = arith.constant 0 : i32
    %c0_i32_0 = arith.constant 0 : i32
    %c0_i32_1 = arith.constant 0 : i32
    return %c0_i32, %c0_i32_0 : i32, i32
  }
  func.func @transform_5(%arg0: i32) -> (i32, i32) {
    %c0_i32 = arith.constant 0 : i32
    %c0_i32_0 = arith.constant 0 : i32
    %c0_i32_1 = arith.constant 0 : i32
    return %c0_i32, %c0_i32_0 : i32, i32
  }
  func.func @transform_6(%arg0: i32) -> (i32, i32) {
    %c0_i32 = arith.constant 0 : i32
    %c0_i32_0 = arith.constant 0 : i32
    return %arg0, %c0_i32 : i32, i32
  }
}

</mosaic_0001>

<sc_bundles>
// kernel: kernel.10.cloned.1.call-start
scs
__scs_entry_jumppad:
0x0: {  	(pc) =	sbr.rel $0x88, $3  }
0x1: {  	(tag) =	ssettag $0x0;
	lr =	simm.s32 $0x1  }
0x2: {  	[smem:$0x3F9B] =	sst lr;
	_ =	strace $0xD0000000  }
0x3: {  	_ = 	snop  }
0x4: {  	_ = 	snop  }
0x5: {  	_ = 	snop  }
0x6: {  	_ = 	snop  }
0x7: {  	_ = 	snop  }
__scs_overlays_trampoline_lowered:
0x8: {  	[smem:$0x3FAA] =	sst s0  }
0x9: {  	[smem:$0x3FAB] =	sst s1  }
0xa: {  	[smem:$0x3FAC] =	sst s2  }
0xb: {  	[smem:$0x3FAD] =	sst s3  }
0xc: {  	[smem:$0x3FAE] =	sst s4  }
0xd: {  	[smem:$0x3FAF] =	sst s5  }
0xe: {  	[smem:$0x3FB0] =	sst s6  }
0xf: {  	[smem:$0x3FB1] =	sst s7  }
0x10: {  	[smem:$0x3FB2] =	sst s8  }
0x11: {  	[smem:$0x3FB3] =	sst s9;
	s0 =	simm.s32 @!p0 $0x0  }
0x12: {  	s1 =	sld [smem:$0x3F99];
	s0 =	simm.s32 @p0 $0x1  }
0x13: {  	[smem:$0x3FB4] =	sst s0;
	s0 =	simm.s32 @!p1 $0x0  }
0x14: {  	s2 =	sld [smem:$0x3F98];
	s0 =	simm.s32 @p1 $0x1  }
0x15: {  	[smem:$0x3FB5] =	sst s0;
	s0 =	simm.s32 @!p2 $0x0  }
0x16: {  	s3 =	sld [smem:$0x3FDB];
	s0 =	simm.s32 @p2 $0x1  }
0x17: {  	s4 =	simm.s32 $0x1BF5;
	[smem:$0x3FB7] =	sst s0  }
0x18: {  	s0 =	sld [smem:$0x3F9A];
	_ =	swait.ge [sflag:s4], $0x0  }
0x19: {  	s7 =	sld [smem:$0x3F9B]  }
0x1a: {  	s8 =	sadd.s32 $0xFFFFE003, lr  }
0x1b: {  	s9 =	sadd.s32 $0xFFFFFEF7, lr;
	s5 =	simm.s32 $0xFFFFFFFF;
	p2 =	slt.u32 s8, $0xFFFFF086  }
0x1c: {  	p1 =	slt.u32 s9, $0xF7A;
	s5 =	simm.s32 @!p2 $0x0  }
0x1d: {  	s5 =	simm.s32 @p1 $0x1;
	p0 =	seq.s32 s7, s2  }
0x1e: {  	s7 =	smul.u32 @!p0 $0xF7A, s2;
	p2 =	seq.s32 @!p0 s5, $0x0  }
0x1f: {  	s9 =	smul.u32 $0xF7A, s1;
	s8 =	simm.s32 @!p0 $0x1BF5;
	p2 =	por !p2, p0  }
0x20: {  	[sflag:s8] =	ssyncset.s32 @!p0 $0xFFFFF086;
	s6 =	sadd.s32 @!p0 s3, s7;
	s7 =	simm.s32 @!p0 $0x108  }
0x21: {  	s3 =	sadd.s32 s3, s9;
	s6 =	sadd.s32 @!p0 $0x88, s6;
	s7 =	simm.s32 @p2 $0x1082  }
0x22: {  	[simem:s7], [sflag:s8] =	dma.local @!p0 [hbm:s6], $0xF7A  }
0x23: {  	s9 =	sor.u32 $0xD0000000, s2;
	s6 =	simm.s32 $0x108;
	_ =	swait.ge @!p0 [sflag:s8], $0x0  }
0x24: {  	s3 =	sadd.s32 $0x88, s3;
	s6 =	simm.s32 @!p1 $0x1082;
	[sflag:s4] =	ssyncset.s32 $0xFFFFF086  }
0x25: {  	[simem:s6], [sflag:s4] =	dma.local [hbm:s3], $0xF7A  }
0x26: {  	[smem:$0x3F9B] =	sst s1;
	(tag) =	ssettag s2;
	_ =	strace s9  }
0x27: {  	s1 =	sld [smem:$0x3FAB]  }
0x28: {  	s2 =	sld [smem:$0x3FAC]  }
0x29: {  	s4 =	sld [smem:$0x3FAE]  }
0x2a: {  	p0 =	seq.s32 s5, $0x0;
	s5 =	sld [smem:$0x3FAF]  }
0x2b: {  	s6 =	sld [smem:$0x3FB0]  }
0x2c: {  	s7 =	sld [smem:$0x3FB1]  }
0x2d: {  	s3 =	simm.s32 $0x108;
	s8 =	sld [smem:$0x3FB2]  }
0x2e: {  	s3 =	simm.s32 @!p0 $0x1082;
	s9 =	sld [smem:$0x3FB3]  }
0x2f: {  	lr =	sadd.s32 s0, s3;
	s0 =	sld [smem:$0x3FAA]  }
0x30: {  	s3 =	sld [smem:$0x3FAD]  }
0x31: {  	[smem:$0x3FB6] =	sst s10  }
0x32: {  	s10 =	sld [smem:$0x3FB4];
	_ =	sdelay $0x3  }
0x33: {  	p0 =	seq.s32 s10, $0x1;
	s10 =	sld [smem:$0x3FB6];
	_ =	sdelay $0x3  }
0x34: {  	[smem:$0x3FB6] =	sst s10  }
0x35: {  	s10 =	sld [smem:$0x3FB5];
	_ =	sdelay $0x3  }
0x36: {  	p1 =	seq.s32 s10, $0x1;
	s10 =	sld [smem:$0x3FB6];
	_ =	sdelay $0x3  }
0x37: {  	[smem:$0x3FB6] =	sst s10  }
0x38: {  	s10 =	sld [smem:$0x3FB7]  }
0x39: {  	_ = 	snop;
	(pc) =	sbr.ind lr, $3  }
0x3a: {  	_ = 	snop  }
0x3b: {  	_ = 	snop  }
0x3c: {  	p2 =	seq.s32 s10, $0x1;
	s10 =	sld [smem:$0x3FB6]  }
0x3d: {  	_ =	shalt  }
0x3e: {  	_ =	shalt  }
0x3f: {  	_ =	shalt  }
0x40: {  	_ =	shalt  }
0x41: {  	_ =	shalt  }
0x42: {  	_ =	shalt  }
0x43: {  	_ =	shalt  }
0x44: {  	_ =	shalt  }
0x45: {  	_ =	shalt  }
0x46: {  	_ =	shalt  }
0x47: {  	_ =	shalt  }
0x48: {  	_ =	shalt  }
0x49: {  	_ =	shalt  }
0x4a: {  	_ =	shalt  }
0x4b: {  	_ =	shalt  }
0x4c: {  	_ =	shalt  }
0x4d: {  	_ =	shalt  }
0x4e: {  	_ =	shalt  }
0x4f: {  	_ =	shalt  }
0x50: {  	_ =	shalt  }
0x51: {  	_ =	shalt  }
0x52: {  	_ =	shalt  }
0x53: {  	_ =	shalt  }
0x54: {  	_ =	shalt  }
0x55: {  	_ =	shalt  }
0x56: {  	_ =	shalt  }
0x57: {  	_ =	shalt  }
0x58: {  	_ =	shalt  }
0x59: {  	_ =	shalt  }
0x5a: {  	_ =	shalt  }
0x5b: {  	_ =	shalt  }
0x5c: {  	_ =	shalt  }
0x5d: {  	_ =	shalt  }
0x5e: {  	_ =	shalt  }
0x5f: {  	_ =	shalt  }
0x60: {  	_ =	shalt  }
0x61: {  	_ =	shalt  }
0x62: {  	_ =	shalt  }
0x63: {  	_ =	shalt  }
0x64: {  	_ =	shalt  }
0x65: {  	_ =	shalt  }
0x66: {  	_ =	shalt  }
0x67: {  	_ =	shalt  }
0x68: {  	_ =	shalt  }
0x69: {  	_ =	shalt  }
0x6a: {  	_ =	shalt  }
0x6b: {  	_ =	shalt  }
0x6c: {  	_ =	shalt  }
0x6d: {  	_ =	shalt  }
0x6e: {  	_ =	shalt  }
0x6f: {  	_ =	shalt  }
0x70: {  	_ =	shalt  }
0x71: {  	_ =	shalt  }
0x72: {  	_ =	shalt  }
0x73: {  	_ =	shalt  }
0x74: {  	_ =	shalt  }
0x75: {  	_ =	shalt  }
0x76: {  	_ =	shalt  }
0x77: {  	_ =	shalt  }
0x78: {  	_ =	shalt  }
0x79: {  	_ =	shalt  }
0x7a: {  	_ =	shalt  }
0x7b: {  	_ =	shalt  }
0x7c: {  	_ =	shalt  }
0x7d: {  	_ =	shalt  }
0x7e: {  	_ =	shalt  }
0x7f: {  	_ =	shalt  }
0x80: {  	_ =	shalt  }
0x81: {  	_ =	shalt  }
0x82: {  	_ =	shalt  }
0x83: {  	_ =	shalt  }
0x84: {  	_ =	shalt  }
0x85: {  	_ =	shalt  }
0x86: {  	_ =	shalt  }
0x87: {  	_ =	shalt  }
.Lfunc_end0:
.L_simem_size_0:
called_computation_lowered:
.L_overlay_start_0:
0x88: {  	s2 =	sld [smem:$0x3FD9]  }
0x89: {  	s3 =	sld [smem:$0x3FFE];
	_ =	sdelay $0x1  }
0x8a: {  	s1 =	srdreg.scid  }
0x8b: {  	s0 =	sand.u32 $0x1, s1  }
0x8c: {  	s14 =	sshll.u32 s0, $0xA;
	s2 =	sadd.s32 s3, s2  }
0x8d: {  	s2 =	sadd.s32 s2, s14  }
0x8e: {  	[smem:$0x3FC2] =	sst s2  }
0x8f: {  	_ = 	snop  }
0x90: {  	s2 =	sld [smem:$0x3FD0];
	_ =	sdelay $0x2  }
0x91: {  	s4 =	simm.s32 $0xA;
	s5 =	simm.s32 $0x10;
	s15 =	sld [smem:$0x3FC9]  }
0x92: {  	[smem:s5], [sflag:s4] =	dma.local [hbm:s2], $0x1  }
0x93: {  	_ =	swait.eq [sflag:s4], $0x1  }
0x94: {  	[sflag:s4] =	ssyncset.done $0x0  }
0x95: {  	[sflag:s4] =	ssyncadd.s32 $0xFFFFFFFF  }
0x96: {  	s16 =	sld [smem:$0x11];
	(tm) =	ssettm $0x1  }
0x97: {  	s17 =	sld [smem:$0x3FFB];
	_ =	sdelay $0x3  }
0x98: {  	_ =	strace s17  }
0x99: {  	s4 =	sld [smem:$0x3FFC];
	_ =	sdelay $0x3  }
0x9a: {  	_ =	strace s4  }
0x9b: {  	s4 =	sld [smem:$0x3FFD];
	_ =	sdelay $0x3  }
0x9c: {  	_ =	strace s4  }
0x9d: {  	_ =	strace $0x8FFFFFFF  }
0x9e: {  	s18 =	sld [smem:$0x3FDB];
	_ =	sdelay $0x1  }
0x9f: {  	s19 =	simm.s32 $_scs_section_size  }
0xa0: {  	s6 =	simm.s32 $_size__tile_overlayer_lowered;
	s7 =	simm.s32 $_tile_overlayer_lowered  }
0xa1: {  	s22 =	simm.s32 $0x1BFF;
	s21 =	sshll.u32 s7, $0x1;
	s4 =	sadd.s32 s19, s18  }
0xa2: {  	s8 =	simm.s32 $0x0;
	s20 =	sshll.u32 s6, $0x1;
	s6 =	sadd.s32 s21, s4  }
0xa3: {  	[timem:s8], [sflag:s22] =	dma.local [hbm:s6], s20  }
0xa4: {  	_ =	swait.ge [sflag:s22], s20  }
0xa5: {  	s5 =	ssub.s32 $0x0, s20;
	[sflag:s22] =	ssyncset.done $0x0  }
0xa6: {  	[sflag:s22] =	ssyncadd.s32 s5;
	_ =	sdelay $0x1  }
0xa7: {  	s23 =	simm.s32 $0x1B8B  }
0xa8: {  	_ =	swait.ge [sflag:s23], $0x1  }
0xa9: {  	[sflag:s23] =	ssyncset.done $0x0  }
0xaa: {  	s25 =	simm.s32 $0x1B8E;
	s24 =	sld [smem:$0x3FFE];
	[sflag:s23] =	ssyncadd.s32 $0xFFFFFFFF  }
0xab: {  	s26 =	simm.s32 $execute0_lowered;
	[smem:$0x3FD2] =	sst s25  }
0xac: {  	s6 =	sshll.u32 s26, $0x1;
	_ =	strace $0x80000046;
	[dreg:$0x1] =	wrdreg $0xFFFFFFFF  }
0xad: {  	s28 =	simm.s32 $_size_execute0_lowered;
	s4 =	sadd.s32 s4, s6;
	[dreg:$0x0] =	wrdreg $0x0  }
0xae: {  	s6 =	sshll.u32 s28, $0x1;
	[dreg:$0x2] =	wrdreg s4  }
0xaf: {  	[dreg:$0x3] =	wrdreg s6  }
0xb0: {  	[dreg:$0x4] =	wrdreg $0xC0  }
0xb1: {  	_ =	task [dreg:s8], $0x5FFFF  }
0xb2: {  	[dreg:$0x1] =	wrdreg $0xFFFFFFFF  }
0xb3: {  	[dreg:$0x0] =	wrdreg $0x60  }
0xb4: {  	[dreg:$0x2] =	wrdreg s15  }
0xb5: {  	[dreg:$0x3] =	wrdreg s16  }
0xb6: {  	[dreg:$0x4] =	wrdreg s24  }
0xb7: {  	[dreg:$0x5] =	wrdreg $0xA8000  }
0xb8: {  	[dreg:$0x6] =	wrdreg $0x9  }
0xb9: {  	_ =	task.clear_ibuf [dreg:s8], $0x7FFFF;
	_ =	strace $0x90000046  }
0xba: {  	s29 =	simm.s32 $0x9;
	_ =	strace $0x80000048  }
0xbb: {  	_ =	swait.ge [sflag:s29], $0x1  }
0xbc: {  	[sflag:s29] =	ssyncadd.s32 $0xFFFFFFFF  }
0xbd: {  	_ =	strace $0x90000048  }
0xbe: {  	_ =	sfence  }
0xbf: {  	s30 =	sld [smem:$0x0];
	_ =	sdelay $0x2  }
0xc0: {  	s31 =	sshll.u32 s1, $0xD;
	s1 =	sshrl.u32 s1, $0x2  }
0xc1: {  	s3 =	sand.u32 $0x4000, s31;
	s1 =	sadd.s32 s1, s30  }
0xc2: {  	s0 =	sor.u32 s3, s0;
	s1 =	sshll.u32 s1, $0x11  }
0xc3: {  	s0 =	sor.u32 s1, s0  }
0xc4: {  	s0 =	sadd.s32 $0x8F2B, s0  }
0xc5: {  	[sflag:s0] =	ssyncadd.remote.s32 $0x1  }
0xc6: {  	_ =	sfence.sel $0xFFFF  }
0xc7: {  	[dreg:$0x0] =	wrdreg $0xFFFFFFFF;
	(pc) =	sbr.abs _section_cstart, $3  }
0xc8: {  	[dreg:$0x1] =	wrdreg $0xFFFFFFFF  }
0xc9: {  	_ =	task.clear_ibuf [dreg:s8], $0x2FFFF;
	_ =	strace $0x9FFFFFFF  }
0xca: {  	(tm) =	ssettm $0x7FFFFFFF  }
0xcb: {  	_ =	shalt  }
tec
execute0_lowered:
.L_overlay_start_1:
0x0: {  	(tag) =	ssettag $0x1  }
0x1: {  	s0 =	rddreg [dreg:$0x0]  }
0x2: {  	s9 =	rddreg [dreg:$0x1]  }
0x3: {  	s6 =	rddreg [dreg:$0x2];
	s1 =	srdreg.scid  }
0x4: {  	s3 =	rddreg [dreg:$0x3];
	s2 =	stileid.u32  }
0x5: {  	s4 =	simm.s32 $0x0;
	s16 =	simm.s32 $0x2800;
	s17 =	simm.s32 $0x6800  }
0x6: {  	s18 =	simm.s32 $0x1400;
	s19 =	simm.s32 $0x1;
	s20 =	simm.s32 $0x2  }
0x7: {  	s21 =	simm.s32 $0x2700;
	s22 =	simm.s32 $0x2780;
	s23 =	simm.s32 $0x0  }
0x8: {  	s7 =	sand.u32 $0x1, s1;
	s1 =	rddreg [dreg:$0x4];
	s8 =	smul.u32 $0x13C00, s2  }
0x9: {  	[smem:$0x7FF] =	sst s4;
	s10 =	sadd.s32 $0x3A00, s6;
	s12 =	smul.u32 $0x4F000, s2  }
0xa: {  	s31 =	sshll.u32 s2, $0x6;
	s5 =	smul.u32 $0x13C000, s7;
	s11 =	sshll.u32 s7, $0x4  }
0xb: {  	_ =	strace $0x80000047;
	s7 =	ssub.s32 $0x2, s7;
	s11 =	sor.u32 s2, s11  }
0xc: {  	s28 =	sshrl.u32 s7, $0x1;
	s30 =	sshrl.u32 s12, $0x2;
	s8 =	sadd.s32 s8, s5  }
0xd: {  	s5 =	sadd.s32 $0xDA00, s6;
	s29 =	smul.u32 $0x2800, s11;
	s14 =	ssub.s32 s7, s28  }
0xe: {  	s15 =	sadd.s32 s30, s3;
	s8 =	sshrl.u32 s8, $0x3;
	s12 =	smax.u32 s14, $0x1  }
0xf: {  	s14 =	simm.s32 $0x3;
	s13 =	sadd.s32 s8, s6;
	s11 =	sshrl.u32 s29, $0x3  }
0x10: {  	s7 =	sadd.s32 s9, s11;
	s8 =	sadd.s32 s10, s11;
	s11 =	sadd.s32 $0x280, s11  }
0x11: {  	s6 =	sor.u32 $0x1C03, s31;
	s9 =	sadd.s32 s9, s11;
	s10 =	sadd.s32 s10, s11  }
0x12: {  	s11 =	sadd.s32 $0x10200, s13;
	s13 =	sshrl.u32 s15, $0x3;
	s15 =	simm.s32 $0x80  }
.LBB2_1:
0x13: {  	[spmem:s13], [sflag:s6] =	dma.local [hbm:s5], $0x2780  }
0x14: {  	_ =	swait.ge [sflag:s14], $0x2780  }
0x15: {  	[sflag:s14] =	ssyncset.done $0x0  }
0x16: {  	[sflag:s14] =	ssyncadd.s32 $0xFFFFD880  }
0x17: {  	[bflag:$0x0] =	sbarrier.arrive $0xFFFF  }
0x18: {  	[tilespmem:s4], [sflag:$0x3] =	stream.linear.gather [hbm4b:s7+s4], $0x1400, $0x38;
	[tilespmem:$0x1E400] =	vst v63  }
0x19: {  	_ =	swait.ge [sflag:s14], $0x1400  }
0x1a: {  	[sflag:s14] =	ssyncset.done $0x0  }
0x1b: {  	[sflag:s14] =	ssyncadd.s32 $0xFFFFEC00  }
0x1c: {  	[tilespmem:s16], [sflag:$0x1] =	stream.indirect.gather [hbm4b:s0+s15], $0x80, s4, s15, $0xb8;
	[tilespmem:$0x1E400] =	vst v63  }
0x1d: {  	_ = 	snop  }
0x1e: {  	[tilespmem:s17], [sflag:$0x2] =	stream.indirect.gather [hbm4b:s0+s15], $0x80, s15, s15, $0xb8;
	[tilespmem:$0x1E400] =	vst v63  }
0x1f: {  	_ = 	snop  }
0x20: {  	[tilespmem:s18], [sflag:$0x3] =	stream.linear.gather [hbm4b:s8+s4], $0x1400, $0x38;
	[tilespmem:$0x1E400] =	vst v63  }
0x21: {  	_ =	swait.ge [sflag:s14], $0x1400  }
0x22: {  	[sflag:s14] =	ssyncset.done $0x0  }
0x23: {  	[sflag:s14] =	ssyncadd.s32 $0xFFFFEC00  }
0x24: {  	_ =	swait.ge [sflag:s19], $0x4000  }
0x25: {  	[sflag:s19] =	ssyncset.done $0x0  }
0x26: {  	s24 =	simm.s32 $0x1400;
	[sflag:s19] =	ssyncadd.s32 $0xFFFFC000  }
0x27: {  	[spmem:s3] =	stream.indirect.scatter.add.f32 [tilespmem:s16], [sflag:$0x3], $0x80, s24, s15, $0xb8;
	[tilespmem:$0x1E400] =	vst v63  }
0x28: {  	_ =	swait.ge [sflag:s14], $0x4000  }
0x29: {  	[sflag:s14] =	ssyncset.done $0x0  }
0x2a: {  	s30 =	simm.s32 $0x100;
	[sflag:s14] =	ssyncadd.s32 $0xFFFFC000  }
0x2b: {  	[tilespmem:s16], [sflag:$0x1] =	stream.indirect.gather [hbm4b:s0+s15], $0x80, s30, s15, $0xb8;
	[tilespmem:$0x1E400] =	vst v63  }
0x2c: {  	_ =	swait.ge [sflag:s20], $0x4000  }
0x2d: {  	[sflag:s20] =	ssyncset.done $0x0  }
0x2e: {  	s31 =	simm.s32 $0x1480;
	[sflag:s20] =	ssyncadd.s32 $0xFFFFC000  }
0x2f: {  	[spmem:s3] =	stream.indirect.scatter.add.f32 [tilespmem:s17], [sflag:$0x3], $0x80, s31, s15, $0xb8;
	[tilespmem:$0x1E400] =	vst v63  }
0x30: {  	_ =	swait.ge [sflag:s14], $0x4000  }
0x31: {  	[sflag:s14] =	ssyncset.done $0x0  }
0x32: {  	s25 =	simm.s32 $0x180;
	s24 =	simm.s32 $0x400;
	[sflag:s14] =	ssyncadd.s32 $0xFFFFC000  }
.LBB2_2:
0x33: {  	[tilespmem:s17], [sflag:$0x2] =	stream.indirect.gather [hbm4b:s0+s15], $0x80, s25, s15, $0xb8;
	[tilespmem:$0x1E400] =	vst v63  }
0x34: {  	s25 =	smov.u32 s24  }
0x35: {  	p0 =	sne.s32 s24, $0x4800;
	s24 =	sadd.s32 $0x400, s24;
	_ =	swait.ge [sflag:s19], $0x4000  }
0x36: {  	s25 =	sshra.s32 s25, $0x2;
	[sflag:s19] =	ssyncset.done $0x0  }
0x37: {  	s26 =	sadd.s32 $0x1400, s25;
	[sflag:s19] =	ssyncadd.s32 $0xFFFFC000  }
0x38: {  	[spmem:s3] =	stream.indirect.scatter.add.f32 [tilespmem:s16], [sflag:$0x3], $0x80, s26, s15, $0xb8;
	[tilespmem:$0x1E400] =	vst v63  }
0x39: {  	_ =	swait.ge [sflag:s14], $0x4000  }
0x3a: {  	[sflag:s14] =	ssyncset.done $0x0  }
0x3b: {  	s26 =	sadd.s32 $0x100, s25;
	[sflag:s14] =	ssyncadd.s32 $0xFFFFC000  }
0x3c: {  	[tilespmem:s16], [sflag:$0x1] =	stream.indirect.gather [hbm4b:s0+s15], $0x80, s26, s15, $0xb8;
	[tilespmem:$0x1E400] =	vst v63  }
0x3d: {  	_ =	swait.ge [sflag:s20], $0x4000  }
0x3e: {  	[sflag:s20] =	ssyncset.done $0x0  }
.Ltmp0:
0x3f: {  	s26 =	sadd.s32 $0x1480, s25;
	[sflag:s20] =	ssyncadd.s32 $0xFFFFC000;
	(pc) =	sbr.rel @p0 .LBB2_2-.Ltmp0, $4  }
0x40: {  	[spmem:s3] =	stream.indirect.scatter.add.f32 [tilespmem:s17], [sflag:$0x3], $0x80, s26, s15, $0xb8;
	[tilespmem:$0x1E400] =	vst v63  }
0x41: {  	_ =	swait.ge [sflag:s14], $0x4000  }
0x42: {  	[sflag:s14] =	ssyncset.done $0x0  }
0x43: {  	s25 =	sadd.s32 $0x180, s25;
	[sflag:s14] =	ssyncadd.s32 $0xFFFFC000  }
0x44: {  	[tilespmem:s17], [sflag:$0x2] =	stream.indirect.gather [hbm4b:s0+s15], $0x80, s25, s15, $0xb8;
	[tilespmem:$0x1E400] =	vst v63  }
0x45: {  	_ =	swait.ge [sflag:s19], $0x4000  }
0x46: {  	[sflag:s19] =	ssyncset.done $0x0  }
0x47: {  	[sflag:s19] =	ssyncadd.s32 $0xFFFFC000  }
0x48: {  	[spmem:s3] =	stream.indirect.scatter.add.f32 [tilespmem:s16], [sflag:$0x3], $0x80, s21, s15, $0xb8;
	[tilespmem:$0x1E400] =	vst v63  }
0x49: {  	_ =	swait.ge [sflag:s14], $0x4000  }
0x4a: {  	[sflag:s14] =	ssyncset.done $0x0  }
0x4b: {  	[sflag:s14] =	ssyncadd.s32 $0xFFFFC000  }
0x4c: {  	_ =	swait.ge [sflag:s20], $0x4000  }
0x4d: {  	[sflag:s20] =	ssyncset.done $0x0  }
0x4e: {  	[sflag:s20] =	ssyncadd.s32 $0xFFFFC000  }
0x4f: {  	[spmem:s3] =	stream.indirect.scatter.add.f32 [tilespmem:s17], [sflag:$0x3], $0x80, s22, s15, $0xb8;
	[tilespmem:$0x1E400] =	vst v63  }
0x50: {  	_ =	swait.ge [sflag:s14], $0x4000  }
0x51: {  	[sflag:s14] =	ssyncset.done $0x0  }
0x52: {  	s24 =	simm.s32 $0x0;
	[sflag:s14] =	ssyncadd.s32 $0xFFFFC000  }
0x53: {  	[tilespmem:s24], [sflag:$0x3] =	stream.linear.gather [hbm4b:s9+s24], $0x1400, $0x38;
	[tilespmem:$0x1E400] =	vst v63  }
0x54: {  	_ =	swait.ge [sflag:s14], $0x1400  }
0x55: {  	[sflag:s14] =	ssyncset.done $0x0  }
0x56: {  	[sflag:s14] =	ssyncadd.s32 $0xFFFFEC00  }
0x57: {  	[tilespmem:s16], [sflag:$0x1] =	stream.indirect.gather [hbm4b:s0+s15], $0x80, s24, s15, $0xb8;
	[tilespmem:$0x1E400] =	vst v63  }
0x58: {  	_ = 	snop  }
0x59: {  	[tilespmem:s17], [sflag:$0x2] =	stream.indirect.gather [hbm4b:s0+s15], $0x80, s15, s15, $0xb8;
	[tilespmem:$0x1E400] =	vst v63  }
0x5a: {  	_ = 	snop  }
0x5b: {  	[tilespmem:s18], [sflag:$0x3] =	stream.linear.gather [hbm4b:s10+s24], $0x1400, $0x38;
	[tilespmem:$0x1E400] =	vst v63  }
0x5c: {  	_ =	swait.ge [sflag:s14], $0x1400  }
0x5d: {  	[sflag:s14] =	ssyncset.done $0x0  }
0x5e: {  	[sflag:s14] =	ssyncadd.s32 $0xFFFFEC00  }
0x5f: {  	_ =	swait.ge [sflag:s19], $0x4000  }
0x60: {  	[sflag:s19] =	ssyncset.done $0x0  }
0x61: {  	s29 =	simm.s32 $0x1400;
	[sflag:s19] =	ssyncadd.s32 $0xFFFFC000  }
0x62: {  	[spmem:s3] =	stream.indirect.scatter.add.f32 [tilespmem:s16], [sflag:$0x3], $0x80, s29, s15, $0xb8;
	[tilespmem:$0x1E400] =	vst v63  }
0x63: {  	_ =	swait.ge [sflag:s14], $0x4000  }
0x64: {  	[sflag:s14] =	ssyncset.done $0x0  }
0x65: {  	s30 =	simm.s32 $0x100;
	[sflag:s14] =	ssyncadd.s32 $0xFFFFC000  }
0x66: {  	[tilespmem:s16], [sflag:$0x1] =	stream.indirect.gather [hbm4b:s0+s15], $0x80, s30, s15, $0xb8;
	[tilespmem:$0x1E400] =	vst v63  }
0x67: {  	_ =	swait.ge [sflag:s20], $0x4000  }
0x68: {  	[sflag:s20] =	ssyncset.done $0x0  }
0x69: {  	s31 =	simm.s32 $0x1480;
	[sflag:s20] =	ssyncadd.s32 $0xFFFFC000  }
0x6a: {  	[spmem:s3] =	stream.indirect.scatter.add.f32 [tilespmem:s17], [sflag:$0x3], $0x80, s31, s15, $0xb8;
	[tilespmem:$0x1E400] =	vst v63  }
0x6b: {  	_ =	swait.ge [sflag:s14], $0x4000  }
0x6c: {  	[sflag:s14] =	ssyncset.done $0x0  }
0x6d: {  	s25 =	simm.s32 $0x180;
	s24 =	simm.s32 $0x400;
	[sflag:s14] =	ssyncadd.s32 $0xFFFFC000  }
.LBB2_4:
0x6e: {  	[tilespmem:s17], [sflag:$0x2] =	stream.indirect.gather [hbm4b:s0+s15], $0x80, s25, s15, $0xb8;
	[tilespmem:$0x1E400] =	vst v63  }
0x6f: {  	s25 =	smov.u32 s24  }
0x70: {  	p0 =	sne.s32 s24, $0x4800;
	s24 =	sadd.s32 $0x400, s24;
	_ =	swait.ge [sflag:s19], $0x4000  }
0x71: {  	s25 =	sshra.s32 s25, $0x2;
	[sflag:s19] =	ssyncset.done $0x0  }
0x72: {  	s26 =	sadd.s32 $0x1400, s25;
	[sflag:s19] =	ssyncadd.s32 $0xFFFFC000  }
0x73: {  	[spmem:s3] =	stream.indirect.scatter.add.f32 [tilespmem:s16], [sflag:$0x3], $0x80, s26, s15, $0xb8;
	[tilespmem:$0x1E400] =	vst v63  }
0x74: {  	_ =	swait.ge [sflag:s14], $0x4000  }
0x75: {  	[sflag:s14] =	ssyncset.done $0x0  }
0x76: {  	s26 =	sadd.s32 $0x100, s25;
	[sflag:s14] =	ssyncadd.s32 $0xFFFFC000  }
0x77: {  	[tilespmem:s16], [sflag:$0x1] =	stream.indirect.gather [hbm4b:s0+s15], $0x80, s26, s15, $0xb8;
	[tilespmem:$0x1E400] =	vst v63  }
0x78: {  	_ =	swait.ge [sflag:s20], $0x4000  }
0x79: {  	[sflag:s20] =	ssyncset.done $0x0  }
.Ltmp1:
0x7a: {  	s26 =	sadd.s32 $0x1480, s25;
	[sflag:s20] =	ssyncadd.s32 $0xFFFFC000;
	(pc) =	sbr.rel @p0 .LBB2_4-.Ltmp1, $4  }
0x7b: {  	[spmem:s3] =	stream.indirect.scatter.add.f32 [tilespmem:s17], [sflag:$0x3], $0x80, s26, s15, $0xb8;
	[tilespmem:$0x1E400] =	vst v63  }
0x7c: {  	_ =	swait.ge [sflag:s14], $0x4000  }
0x7d: {  	[sflag:s14] =	ssyncset.done $0x0  }
0x7e: {  	s25 =	sadd.s32 $0x180, s25;
	[sflag:s14] =	ssyncadd.s32 $0xFFFFC000  }
0x7f: {  	[tilespmem:s17], [sflag:$0x2] =	stream.indirect.gather [hbm4b:s0+s15], $0x80, s25, s15, $0xb8;
	[tilespmem:$0x1E400] =	vst v63  }
0x80: {  	_ =	swait.ge [sflag:s19], $0x4000  }
0x81: {  	[sflag:s19] =	ssyncset.done $0x0  }
0x82: {  	[sflag:s19] =	ssyncadd.s32 $0xFFFFC000  }
0x83: {  	[spmem:s3] =	stream.indirect.scatter.add.f32 [tilespmem:s16], [sflag:$0x3], $0x80, s21, s15, $0xb8;
	[tilespmem:$0x1E400] =	vst v63  }
0x84: {  	_ =	swait.ge [sflag:s14], $0x4000  }
0x85: {  	[sflag:s14] =	ssyncset.done $0x0  }
0x86: {  	[sflag:s14] =	ssyncadd.s32 $0xFFFFC000  }
0x87: {  	_ =	swait.ge [sflag:s20], $0x4000  }
0x88: {  	[sflag:s20] =	ssyncset.done $0x0  }
0x89: {  	[sflag:s20] =	ssyncadd.s32 $0xFFFFC000  }
0x8a: {  	[spmem:s3] =	stream.indirect.scatter.add.f32 [tilespmem:s17], [sflag:$0x3], $0x80, s22, s15, $0xb8;
	[tilespmem:$0x1E400] =	vst v63  }
0x8b: {  	_ =	swait.ge [sflag:s14], $0x4000  }
0x8c: {  	s23 =	sadd.s32 $0x1, s23;
	[sflag:s14] =	ssyncset.done $0x0  }
0x8d: {  	p0 =	sne.s32 s23, s12;
	[sflag:s14] =	ssyncadd.s32 $0xFFFFC000  }
.Ltmp2:
0x8e: {  	[bflag:$0x0] =	sbarrier.arrive $0xFFFF;
	(pc) =	sbr.rel @p0 .LBB2_1-.Ltmp2, $4  }
0x8f: {  	[hbm:s11], [sflag:s6] =	dma.local [spmem:s13], $0x2780  }
0x90: {  	_ =	swait.ge [sflag:s14], $0x2780  }
0x91: {  	[sflag:s14] =	ssyncset.done $0x0  }
0x92: {  	[sflag:s14] =	ssyncadd.s32 $0xFFFFD880  }
0x93: {  	_ =	sfence.sel $0x180000  }
0x94: {  	[bflag:$0x0] =	sbarrier.arrive $0xFFFF  }
0x95: {  	p0 =	sne.s32 s2, $0x0;
	_ =	strace $0x90000047  }
0x96: {  	s0 =	sadd.s32 @!p0 $0x100000, s1;
	[bflag:$0x2] =	sbarrier.arrive $0xFFFF  }
0x97: {  	[sflag:s0] =	ssyncadd.tile.s32 @!p0 $0x1;
	_ =	shalt  }
.Lfunc_end2:
_tile_overlayer_lowered:
.L_overlay_start_2:
0x98: {  	(tag) =	ssettag $0x2  }
0x99: {  	s0 =	rddreg [dreg:$0x0];
	s2 =	stileid.u32  }
0x9a: {  	s1 =	rddreg [dreg:$0x1];
	p0 =	sne.s32 s2, $0x0  }
0x9b: {  	s3 =	rddreg [dreg:$0x2];
	[bflag:$0x3] =	sbarrier.arrive $0xFFFF;
	s2 =	simm.s32 @!p0 $0x1C03  }
0x9c: {  	[timem:s3], [sflag:s2] =	dma.local @!p0 [hbm:s0], s1  }
0x9d: {  	s0 =	simm.s32 @!p0 $0x3  }
0x9e: {  	_ =	swait.ge @!p0 [sflag:s0], s1  }
0x9f: {  	s1 =	ssub.s32 @!p0 $0x0, s1;
	[sflag:s0] =	ssyncset.done @!p0 $0x0  }
0xa0: {  	[sflag:s0] =	ssyncadd.s32 @!p0 s1  }
0xa1: {  	[bflag:$0x3] =	sbarrier.arrive $0xFFFF  }
0xa2: {  	_ =	shalt  }

// kernel: kernel.13.cloned.1.call-start
scs
__scs_entry_jumppad:
0x0: {  	(pc) =	sbr.rel $0x88, $3  }
0x1: {  	(tag) =	ssettag $0x0;
	lr =	simm.s32 $0x1  }
0x2: {  	[smem:$0x3F9B] =	sst lr;
	_ =	strace $0xD0000000  }
0x3: {  	_ = 	snop  }
0x4: {  	_ = 	snop  }
0x5: {  	_ = 	snop  }
0x6: {  	_ = 	snop  }
0x7: {  	_ = 	snop  }
__scs_overlays_trampoline_lowered:
0x8: {  	[smem:$0x3FAA] =	sst s0  }
0x9: {  	[smem:$0x3FAB] =	sst s1  }
0xa: {  	[smem:$0x3FAC] =	sst s2  }
0xb: {  	[smem:$0x3FAD] =	sst s3  }
0xc: {  	[smem:$0x3FAE] =	sst s4  }
0xd: {  	[smem:$0x3FAF] =	sst s5  }
0xe: {  	[smem:$0x3FB0] =	sst s6  }
0xf: {  	[smem:$0x3FB1] =	sst s7  }
0x10: {  	[smem:$0x3FB2] =	sst s8  }
0x11: {  	[smem:$0x3FB3] =	sst s9;
	s0 =	simm.s32 @!p0 $0x0  }
0x12: {  	s1 =	sld [smem:$0x3F99];
	s0 =	simm.s32 @p0 $0x1  }
0x13: {  	[smem:$0x3FB4] =	sst s0;
	s0 =	simm.s32 @!p1 $0x0  }
0x14: {  	s2 =	sld [smem:$0x3F98];
	s0 =	simm.s32 @p1 $0x1  }
0x15: {  	[smem:$0x3FB5] =	sst s0;
	s0 =	simm.s32 @!p2 $0x0  }
0x16: {  	s3 =	sld [smem:$0x3FDB];
	s0 =	simm.s32 @p2 $0x1  }
0x17: {  	s4 =	simm.s32 $0x1BF5;
	[smem:$0x3FB7] =	sst s0  }
0x18: {  	s0 =	sld [smem:$0x3F9A];
	_ =	swait.ge [sflag:s4], $0x0  }
0x19: {  	s7 =	sld [smem:$0x3F9B]  }
0x1a: {  	s8 =	sadd.s32 $0xFFFFE003, lr  }
0x1b: {  	s9 =	sadd.s32 $0xFFFFFEF7, lr;
	s5 =	simm.s32 $0xFFFFFFFF;
	p2 =	slt.u32 s8, $0xFFFFF086  }
0x1c: {  	p1 =	slt.u32 s9, $0xF7A;
	s5 =	simm.s32 @!p2 $0x0  }
0x1d: {  	s5 =	simm.s32 @p1 $0x1;
	p0 =	seq.s32 s7, s2  }
0x1e: {  	s7 =	smul.u32 @!p0 $0xF7A, s2;
	p2 =	seq.s32 @!p0 s5, $0x0  }
0x1f: {  	s9 =	smul.u32 $0xF7A, s1;
	s8 =	simm.s32 @!p0 $0x1BF5;
	p2 =	por !p2, p0  }
0x20: {  	[sflag:s8] =	ssyncset.s32 @!p0 $0xFFFFF086;
	s6 =	sadd.s32 @!p0 s3, s7;
	s7 =	simm.s32 @!p0 $0x108  }
0x21: {  	s3 =	sadd.s32 s3, s9;
	s6 =	sadd.s32 @!p0 $0x88, s6;
	s7 =	simm.s32 @p2 $0x1082  }
0x22: {  	[simem:s7], [sflag:s8] =	dma.local @!p0 [hbm:s6], $0xF7A  }
0x23: {  	s9 =	sor.u32 $0xD0000000, s2;
	s6 =	simm.s32 $0x108;
	_ =	swait.ge @!p0 [sflag:s8], $0x0  }
0x24: {  	s3 =	sadd.s32 $0x88, s3;
	s6 =	simm.s32 @!p1 $0x1082;
	[sflag:s4] =	ssyncset.s32 $0xFFFFF086  }
0x25: {  	[simem:s6], [sflag:s4] =	dma.local [hbm:s3], $0xF7A  }
0x26: {  	[smem:$0x3F9B] =	sst s1;
	(tag) =	ssettag s2;
	_ =	strace s9  }
0x27: {  	s1 =	sld [smem:$0x3FAB]  }
0x28: {  	s2 =	sld [smem:$0x3FAC]  }
0x29: {  	s4 =	sld [smem:$0x3FAE]  }
0x2a: {  	p0 =	seq.s32 s5, $0x0;
	s5 =	sld [smem:$0x3FAF]  }
0x2b: {  	s6 =	sld [smem:$0x3FB0]  }
0x2c: {  	s7 =	sld [smem:$0x3FB1]  }
0x2d: {  	s3 =	simm.s32 $0x108;
	s8 =	sld [smem:$0x3FB2]  }
0x2e: {  	s3 =	simm.s32 @!p0 $0x1082;
	s9 =	sld [smem:$0x3FB3]  }
0x2f: {  	lr =	sadd.s32 s0, s3;
	s0 =	sld [smem:$0x3FAA]  }
0x30: {  	s3 =	sld [smem:$0x3FAD]  }
0x31: {  	[smem:$0x3FB6] =	sst s10  }
0x32: {  	s10 =	sld [smem:$0x3FB4];
	_ =	sdelay $0x3  }
0x33: {  	p0 =	seq.s32 s10, $0x1;
	s10 =	sld [smem:$0x3FB6];
	_ =	sdelay $0x3  }
0x34: {  	[smem:$0x3FB6] =	sst s10  }
0x35: {  	s10 =	sld [smem:$0x3FB5];
	_ =	sdelay $0x3  }
0x36: {  	p1 =	seq.s32 s10, $0x1;
	s10 =	sld [smem:$0x3FB6];
	_ =	sdelay $0x3  }
0x37: {  	[smem:$0x3FB6] =	sst s10  }
0x38: {  	s10 =	sld [smem:$0x3FB7]  }
0x39: {  	_ = 	snop;
	(pc) =	sbr.ind lr, $3  }
0x3a: {  	_ = 	snop  }
0x3b: {  	_ = 	snop  }
0x3c: {  	p2 =	seq.s32 s10, $0x1;
	s10 =	sld [smem:$0x3FB6]  }
0x3d: {  	_ =	shalt  }
0x3e: {  	_ =	shalt  }
0x3f: {  	_ =	shalt  }
0x40: {  	_ =	shalt  }
0x41: {  	_ =	shalt  }
0x42: {  	_ =	shalt  }
0x43: {  	_ =	shalt  }
0x44: {  	_ =	shalt  }
0x45: {  	_ =	shalt  }
0x46: {  	_ =	shalt  }
0x47: {  	_ =	shalt  }
0x48: {  	_ =	shalt  }
0x49: {  	_ =	shalt  }
0x4a: {  	_ =	shalt  }
0x4b: {  	_ =	shalt  }
0x4c: {  	_ =	shalt  }
0x4d: {  	_ =	shalt  }
0x4e: {  	_ =	shalt  }
0x4f: {  	_ =	shalt  }
0x50: {  	_ =	shalt  }
0x51: {  	_ =	shalt  }
0x52: {  	_ =	shalt  }
0x53: {  	_ =	shalt  }
0x54: {  	_ =	shalt  }
0x55: {  	_ =	shalt  }
0x56: {  	_ =	shalt  }
0x57: {  	_ =	shalt  }
0x58: {  	_ =	shalt  }
0x59: {  	_ =	shalt  }
0x5a: {  	_ =	shalt  }
0x5b: {  	_ =	shalt  }
0x5c: {  	_ =	shalt  }
0x5d: {  	_ =	shalt  }
0x5e: {  	_ =	shalt  }
0x5f: {  	_ =	shalt  }
0x60: {  	_ =	shalt  }
0x61: {  	_ =	shalt  }
0x62: {  	_ =	shalt  }
0x63: {  	_ =	shalt  }
0x64: {  	_ =	shalt  }
0x65: {  	_ =	shalt  }
0x66: {  	_ =	shalt  }
0x67: {  	_ =	shalt  }
0x68: {  	_ =	shalt  }
0x69: {  	_ =	shalt  }
0x6a: {  	_ =	shalt  }
0x6b: {  	_ =	shalt  }
0x6c: {  	_ =	shalt  }
0x6d: {  	_ =	shalt  }
0x6e: {  	_ =	shalt  }
0x6f: {  	_ =	shalt  }
0x70: {  	_ =	shalt  }
0x71: {  	_ =	shalt  }
0x72: {  	_ =	shalt  }
0x73: {  	_ =	shalt  }
0x74: {  	_ =	shalt  }
0x75: {  	_ =	shalt  }
0x76: {  	_ =	shalt  }
0x77: {  	_ =	shalt  }
0x78: {  	_ =	shalt  }
0x79: {  	_ =	shalt  }
0x7a: {  	_ =	shalt  }
0x7b: {  	_ =	shalt  }
0x7c: {  	_ =	shalt  }
0x7d: {  	_ =	shalt  }
0x7e: {  	_ =	shalt  }
0x7f: {  	_ =	shalt  }
0x80: {  	_ =	shalt  }
0x81: {  	_ =	shalt  }
0x82: {  	_ =	shalt  }
0x83: {  	_ =	shalt  }
0x84: {  	_ =	shalt  }
0x85: {  	_ =	shalt  }
0x86: {  	_ =	shalt  }
0x87: {  	_ =	shalt  }
.Lfunc_end0:
.L_simem_size_0:
called_computation.1_lowered:
.L_overlay_start_0:
0x88: {  	s2 =	sld [smem:$0x3FD9]  }
0x89: {  	s3 =	sld [smem:$0x3FFE];
	_ =	sdelay $0x1  }
0x8a: {  	s1 =	srdreg.scid  }
0x8b: {  	s0 =	sand.u32 $0x1, s1  }
0x8c: {  	s14 =	sshll.u32 s0, $0xA;
	s2 =	sadd.s32 s3, s2  }
0x8d: {  	s2 =	sadd.s32 s2, s14  }
0x8e: {  	[smem:$0x3FC2] =	sst s2  }
0x8f: {  	_ = 	snop  }
0x90: {  	s2 =	sld [smem:$0x3FD0];
	_ =	sdelay $0x2  }
0x91: {  	s15 =	simm.s32 $0xA;
	s4 =	simm.s32 $0x10  }
0x92: {  	[smem:s4], [sflag:s15] =	dma.local [hbm:s2], $0x1  }
0x93: {  	_ =	swait.eq [sflag:s15], $0x1  }
0x94: {  	[sflag:s15] =	ssyncset.done $0x0  }
0x95: {  	s16 =	sld [smem:$0x10];
	[sflag:s15] =	ssyncadd.s32 $0xFFFFFFFF  }
0x96: {  	s17 =	sld [smem:$0x11];
	(tm) =	ssettm $0x1  }
0x97: {  	s18 =	sld [smem:$0x3FFB];
	_ =	sdelay $0x3  }
0x98: {  	_ =	strace s18  }
0x99: {  	s4 =	sld [smem:$0x3FFC];
	_ =	sdelay $0x3  }
0x9a: {  	_ =	strace s4  }
0x9b: {  	s4 =	sld [smem:$0x3FFD];
	_ =	sdelay $0x3  }
0x9c: {  	_ =	strace s4  }
0x9d: {  	_ =	strace $0x8FFFFFFF  }
0x9e: {  	s19 =	sld [smem:$0x3FDB];
	_ =	sdelay $0x1  }
0x9f: {  	s5 =	simm.s32 $_scs_section_size  }
0xa0: {  	s6 =	simm.s32 $_size__tile_overlayer_lowered;
	s7 =	simm.s32 $_tile_overlayer_lowered  }
0xa1: {  	s22 =	simm.s32 $0x1BFF;
	s21 =	sshll.u32 s7, $0x1;
	s4 =	sadd.s32 s5, s19  }
0xa2: {  	s8 =	simm.s32 $0x0;
	s20 =	sshll.u32 s6, $0x1;
	s6 =	sadd.s32 s21, s4  }
0xa3: {  	[timem:s8], [sflag:s22] =	dma.local [hbm:s6], s20  }
0xa4: {  	_ =	swait.ge [sflag:s22], s20  }
0xa5: {  	s5 =	ssub.s32 $0x0, s20;
	[sflag:s22] =	ssyncset.done $0x0  }
0xa6: {  	[sflag:s22] =	ssyncadd.s32 s5;
	_ =	sdelay $0x1  }
0xa7: {  	s23 =	simm.s32 $0x1B8B  }
0xa8: {  	_ =	swait.ge [sflag:s23], $0x1  }
0xa9: {  	[sflag:s23] =	ssyncset.done $0x0  }
0xaa: {  	s25 =	simm.s32 $0x1B8E;
	s24 =	sld [smem:$0x3FFE];
	[sflag:s23] =	ssyncadd.s32 $0xFFFFFFFF  }
0xab: {  	s26 =	simm.s32 $execute0_lowered;
	[smem:$0x3FD2] =	sst s25  }
0xac: {  	s6 =	sshll.u32 s26, $0x1;
	_ =	strace $0x80000049;
	[dreg:$0x1] =	wrdreg $0xFFFFFFFF  }
0xad: {  	s28 =	simm.s32 $_size_execute0_lowered;
	s4 =	sadd.s32 s4, s6;
	[dreg:$0x0] =	wrdreg $0x0  }
0xae: {  	s6 =	sshll.u32 s28, $0x1;
	[dreg:$0x2] =	wrdreg s4  }
0xaf: {  	[dreg:$0x3] =	wrdreg s6  }
0xb0: {  	[dreg:$0x4] =	wrdreg $0xC0  }
0xb1: {  	_ =	task [dreg:s8], $0x5FFFF  }
0xb2: {  	[dreg:$0x1] =	wrdreg $0xFFFFFFFF  }
0xb3: {  	[dreg:$0x0] =	wrdreg $0x60  }
0xb4: {  	[dreg:$0x2] =	wrdreg s16  }
0xb5: {  	[dreg:$0x3] =	wrdreg s17  }
0xb6: {  	[dreg:$0x4] =	wrdreg s24  }
0xb7: {  	[dreg:$0x5] =	wrdreg $0xA8000  }
0xb8: {  	[dreg:$0x6] =	wrdreg $0x9  }
0xb9: {  	_ =	task.clear_ibuf [dreg:s8], $0x7FFFF;
	_ =	strace $0x90000049  }
0xba: {  	s29 =	simm.s32 $0x9;
	_ =	strace $0x8000004B  }
0xbb: {  	_ =	swait.ge [sflag:s29], $0x1  }
0xbc: {  	[sflag:s29] =	ssyncadd.s32 $0xFFFFFFFF  }
0xbd: {  	_ =	strace $0x9000004B  }
0xbe: {  	_ =	sfence  }
0xbf: {  	s30 =	sld [smem:$0x0];
	_ =	sdelay $0x2  }
0xc0: {  	s31 =	sshll.u32 s1, $0xD;
	s1 =	sshrl.u32 s1, $0x2  }
0xc1: {  	s3 =	sand.u32 $0x4000, s31;
	s1 =	sadd.s32 s1, s30  }
0xc2: {  	s0 =	sor.u32 s3, s0;
	s1 =	sshll.u32 s1, $0x11  }
0xc3: {  	s0 =	sor.u32 s1, s0  }
0xc4: {  	s0 =	sadd.s32 $0x8F2B, s0  }
0xc5: {  	[sflag:s0] =	ssyncadd.remote.s32 $0x1  }
0xc6: {  	_ =	sfence.sel $0xFFFF  }
0xc7: {  	[dreg:$0x0] =	wrdreg $0xFFFFFFFF;
	(pc) =	sbr.abs _section_cstart, $3  }
0xc8: {  	[dreg:$0x1] =	wrdreg $0xFFFFFFFF  }
0xc9: {  	_ =	task.clear_ibuf [dreg:s8], $0x2FFFF;
	_ =	strace $0x9FFFFFFF  }
0xca: {  	(tm) =	ssettm $0x7FFFFFFF  }
0xcb: {  	_ =	shalt  }
tec
execute0_lowered:
.L_overlay_start_1:
0x0: {  	(tag) =	ssettag $0x1  }
0x1: {  	s0 =	rddreg [dreg:$0x0]  }
0x2: {  	s9 =	rddreg [dreg:$0x1]  }
0x3: {  	s6 =	rddreg [dreg:$0x2];
	s1 =	srdreg.scid  }
0x4: {  	s3 =	rddreg [dreg:$0x3];
	s2 =	stileid.u32  }
0x5: {  	s4 =	simm.s32 $0x0;
	s16 =	simm.s32 $0x2800;
	s17 =	simm.s32 $0x6800  }
0x6: {  	s18 =	simm.s32 $0x1400;
	s19 =	simm.s32 $0x1;
	s20 =	simm.s32 $0x2  }
0x7: {  	s21 =	simm.s32 $0x2700;
	s22 =	simm.s32 $0x2780;
	s23 =	simm.s32 $0x0  }
0x8: {  	s7 =	sand.u32 $0x1, s1;
	s1 =	rddreg [dreg:$0x4];
	s8 =	smul.u32 $0x13C00, s2  }
0x9: {  	[smem:$0x7FF] =	sst s4;
	s10 =	sadd.s32 $0x3A00, s6;
	s12 =	smul.u32 $0x4F000, s2  }
0xa: {  	s31 =	sshll.u32 s2, $0x6;
	s5 =	smul.u32 $0x13C000, s7;
	s11 =	sshll.u32 s7, $0x4  }
0xb: {  	_ =	strace $0x8000004A;
	s7 =	ssub.s32 $0x2, s7;
	s11 =	sor.u32 s2, s11  }
0xc: {  	s28 =	sshrl.u32 s7, $0x1;
	s30 =	sshrl.u32 s12, $0x2;
	s8 =	sadd.s32 s8, s5  }
0xd: {  	s5 =	sadd.s32 $0xDA00, s6;
	s29 =	smul.u32 $0x2800, s11;
	s14 =	ssub.s32 s7, s28  }
0xe: {  	s15 =	sadd.s32 s30, s3;
	s8 =	sshrl.u32 s8, $0x3;
	s12 =	smax.u32 s14, $0x1  }
0xf: {  	s14 =	simm.s32 $0x3;
	s13 =	sadd.s32 s8, s6;
	s11 =	sshrl.u32 s29, $0x3  }
0x10: {  	s7 =	sadd.s32 s9, s11;
	s8 =	sadd.s32 s10, s11;
	s11 =	sadd.s32 $0x280, s11  }
0x11: {  	s6 =	sor.u32 $0x1C03, s31;
	s9 =	sadd.s32 s9, s11;
	s10 =	sadd.s32 s10, s11  }
0x12: {  	s11 =	sadd.s32 $0x10200, s13;
	s13 =	sshrl.u32 s15, $0x3;
	s15 =	simm.s32 $0x80  }
.LBB2_1:
0x13: {  	[spmem:s13], [sflag:s6] =	dma.local [hbm:s5], $0x2780  }
0x14: {  	_ =	swait.ge [sflag:s14], $0x2780  }
0x15: {  	[sflag:s14] =	ssyncset.done $0x0  }
0x16: {  	[sflag:s14] =	ssyncadd.s32 $0xFFFFD880  }
0x17: {  	[bflag:$0x0] =	sbarrier.arrive $0xFFFF  }
0x18: {  	[tilespmem:s4], [sflag:$0x3] =	stream.linear.gather [hbm4b:s7+s4], $0x1400, $0x38;
	[tilespmem:$0x1E400] =	vst v63  }
0x19: {  	_ =	swait.ge [sflag:s14], $0x1400  }
0x1a: {  	[sflag:s14] =	ssyncset.done $0x0  }
0x1b: {  	[sflag:s14] =	ssyncadd.s32 $0xFFFFEC00  }
0x1c: {  	[tilespmem:s16], [sflag:$0x1] =	stream.indirect.gather [hbm4b:s0+s15], $0x80, s4, s15, $0xb8;
	[tilespmem:$0x1E400] =	vst v63  }
0x1d: {  	_ = 	snop  }
0x1e: {  	[tilespmem:s17], [sflag:$0x2] =	stream.indirect.gather [hbm4b:s0+s15], $0x80, s15, s15, $0xb8;
	[tilespmem:$0x1E400] =	vst v63  }
0x1f: {  	_ = 	snop  }
0x20: {  	[tilespmem:s18], [sflag:$0x3] =	stream.linear.gather [hbm4b:s8+s4], $0x1400, $0x38;
	[tilespmem:$0x1E400] =	vst v63  }
0x21: {  	_ =	swait.ge [sflag:s14], $0x1400  }
0x22: {  	[sflag:s14] =	ssyncset.done $0x0  }
0x23: {  	[sflag:s14] =	ssyncadd.s32 $0xFFFFEC00  }
0x24: {  	_ =	swait.ge [sflag:s19], $0x4000  }
0x25: {  	[sflag:s19] =	ssyncset.done $0x0  }
0x26: {  	s24 =	simm.s32 $0x1400;
	[sflag:s19] =	ssyncadd.s32 $0xFFFFC000  }
0x27: {  	[spmem:s3] =	stream.indirect.scatter.add.f32 [tilespmem:s16], [sflag:$0x3], $0x80, s24, s15, $0xb8;
	[tilespmem:$0x1E400] =	vst v63  }
0x28: {  	_ =	swait.ge [sflag:s14], $0x4000  }
0x29: {  	[sflag:s14] =	ssyncset.done $0x0  }
0x2a: {  	s30 =	simm.s32 $0x100;
	[sflag:s14] =	ssyncadd.s32 $0xFFFFC000  }
0x2b: {  	[tilespmem:s16], [sflag:$0x1] =	stream.indirect.gather [hbm4b:s0+s15], $0x80, s30, s15, $0xb8;
	[tilespmem:$0x1E400] =	vst v63  }
0x2c: {  	_ =	swait.ge [sflag:s20], $0x4000  }
0x2d: {  	[sflag:s20] =	ssyncset.done $0x0  }
0x2e: {  	s31 =	simm.s32 $0x1480;
	[sflag:s20] =	ssyncadd.s32 $0xFFFFC000  }
0x2f: {  	[spmem:s3] =	stream.indirect.scatter.add.f32 [tilespmem:s17], [sflag:$0x3], $0x80, s31, s15, $0xb8;
	[tilespmem:$0x1E400] =	vst v63  }
0x30: {  	_ =	swait.ge [sflag:s14], $0x4000  }
0x31: {  	[sflag:s14] =	ssyncset.done $0x0  }
0x32: {  	s25 =	simm.s32 $0x180;
	s24 =	simm.s32 $0x400;
	[sflag:s14] =	ssyncadd.s32 $0xFFFFC000  }
.LBB2_2:
0x33: {  	[tilespmem:s17], [sflag:$0x2] =	stream.indirect.gather [hbm4b:s0+s15], $0x80, s25, s15, $0xb8;
	[tilespmem:$0x1E400] =	vst v63  }
0x34: {  	s25 =	smov.u32 s24  }
0x35: {  	p0 =	sne.s32 s24, $0x4800;
	s24 =	sadd.s32 $0x400, s24;
	_ =	swait.ge [sflag:s19], $0x4000  }
0x36: {  	s25 =	sshra.s32 s25, $0x2;
	[sflag:s19] =	ssyncset.done $0x0  }
0x37: {  	s26 =	sadd.s32 $0x1400, s25;
	[sflag:s19] =	ssyncadd.s32 $0xFFFFC000  }
0x38: {  	[spmem:s3] =	stream.indirect.scatter.add.f32 [tilespmem:s16], [sflag:$0x3], $0x80, s26, s15, $0xb8;
	[tilespmem:$0x1E400] =	vst v63  }
0x39: {  	_ =	swait.ge [sflag:s14], $0x4000  }
0x3a: {  	[sflag:s14] =	ssyncset.done $0x0  }
0x3b: {  	s26 =	sadd.s32 $0x100, s25;
	[sflag:s14] =	ssyncadd.s32 $0xFFFFC000  }
0x3c: {  	[tilespmem:s16], [sflag:$0x1] =	stream.indirect.gather [hbm4b:s0+s15], $0x80, s26, s15, $0xb8;
	[tilespmem:$0x1E400] =	vst v63  }
0x3d: {  	_ =	swait.ge [sflag:s20], $0x4000  }
0x3e: {  	[sflag:s20] =	ssyncset.done $0x0  }
.Ltmp0:
0x3f: {  	s26 =	sadd.s32 $0x1480, s25;
	[sflag:s20] =	ssyncadd.s32 $0xFFFFC000;
	(pc) =	sbr.rel @p0 .LBB2_2-.Ltmp0, $4  }
0x40: {  	[spmem:s3] =	stream.indirect.scatter.add.f32 [tilespmem:s17], [sflag:$0x3], $0x80, s26, s15, $0xb8;
	[tilespmem:$0x1E400] =	vst v63  }
0x41: {  	_ =	swait.ge [sflag:s14], $0x4000  }
0x42: {  	[sflag:s14] =	ssyncset.done $0x0  }
0x43: {  	s25 =	sadd.s32 $0x180, s25;
	[sflag:s14] =	ssyncadd.s32 $0xFFFFC000  }
0x44: {  	[tilespmem:s17], [sflag:$0x2] =	stream.indirect.gather [hbm4b:s0+s15], $0x80, s25, s15, $0xb8;
	[tilespmem:$0x1E400] =	vst v63  }
0x45: {  	_ =	swait.ge [sflag:s19], $0x4000  }
0x46: {  	[sflag:s19] =	ssyncset.done $0x0  }
0x47: {  	[sflag:s19] =	ssyncadd.s32 $0xFFFFC000  }
0x48: {  	[spmem:s3] =	stream.indirect.scatter.add.f32 [tilespmem:s16], [sflag:$0x3], $0x80, s21, s15, $0xb8;
	[tilespmem:$0x1E400] =	vst v63  }
0x49: {  	_ =	swait.ge [sflag:s14], $0x4000  }
0x4a: {  	[sflag:s14] =	ssyncset.done $0x0  }
0x4b: {  	[sflag:s14] =	ssyncadd.s32 $0xFFFFC000  }
0x4c: {  	_ =	swait.ge [sflag:s20], $0x4000  }
0x4d: {  	[sflag:s20] =	ssyncset.done $0x0  }
0x4e: {  	[sflag:s20] =	ssyncadd.s32 $0xFFFFC000  }
0x4f: {  	[spmem:s3] =	stream.indirect.scatter.add.f32 [tilespmem:s17], [sflag:$0x3], $0x80, s22, s15, $0xb8;
	[tilespmem:$0x1E400] =	vst v63  }
0x50: {  	_ =	swait.ge [sflag:s14], $0x4000  }
0x51: {  	[sflag:s14] =	ssyncset.done $0x0  }
0x52: {  	s24 =	simm.s32 $0x0;
	[sflag:s14] =	ssyncadd.s32 $0xFFFFC000  }
0x53: {  	[tilespmem:s24], [sflag:$0x3] =	stream.linear.gather [hbm4b:s9+s24], $0x1400, $0x38;
	[tilespmem:$0x1E400] =	vst v63  }
0x54: {  	_ =	swait.ge [sflag:s14], $0x1400  }
0x55: {  	[sflag:s14] =	ssyncset.done $0x0  }
0x56: {  	[sflag:s14] =	ssyncadd.s32 $0xFFFFEC00  }
0x57: {  	[tilespmem:s16], [sflag:$0x1] =	stream.indirect.gather [hbm4b:s0+s15], $0x80, s24, s15, $0xb8;
	[tilespmem:$0x1E400] =	vst v63  }
0x58: {  	_ = 	snop  }
0x59: {  	[tilespmem:s17], [sflag:$0x2] =	stream.indirect.gather [hbm4b:s0+s15], $0x80, s15, s15, $0xb8;
	[tilespmem:$0x1E400] =	vst v63  }
0x5a: {  	_ = 	snop  }
0x5b: {  	[tilespmem:s18], [sflag:$0x3] =	stream.linear.gather [hbm4b:s10+s24], $0x1400, $0x38;
	[tilespmem:$0x1E400] =	vst v63  }
0x5c: {  	_ =	swait.ge [sflag:s14], $0x1400  }
0x5d: {  	[sflag:s14] =	ssyncset.done $0x0  }
0x5e: {  	[sflag:s14] =	ssyncadd.s32 $0xFFFFEC00  }
0x5f: {  	_ =	swait.ge [sflag:s19], $0x4000  }
0x60: {  	[sflag:s19] =	ssyncset.done $0x0  }
0x61: {  	s29 =	simm.s32 $0x1400;
	[sflag:s19] =	ssyncadd.s32 $0xFFFFC000  }
0x62: {  	[spmem:s3] =	stream.indirect.scatter.add.f32 [tilespmem:s16], [sflag:$0x3], $0x80, s29, s15, $0xb8;
	[tilespmem:$0x1E400] =	vst v63  }
0x63: {  	_ =	swait.ge [sflag:s14], $0x4000  }
0x64: {  	[sflag:s14] =	ssyncset.done $0x0  }
0x65: {  	s30 =	simm.s32 $0x100;
	[sflag:s14] =	ssyncadd.s32 $0xFFFFC000  }
0x66: {  	[tilespmem:s16], [sflag:$0x1] =	stream.indirect.gather [hbm4b:s0+s15], $0x80, s30, s15, $0xb8;
	[tilespmem:$0x1E400] =	vst v63  }
0x67: {  	_ =	swait.ge [sflag:s20], $0x4000  }
0x68: {  	[sflag:s20] =	ssyncset.done $0x0  }
0x69: {  	s31 =	simm.s32 $0x1480;
	[sflag:s20] =	ssyncadd.s32 $0xFFFFC000  }
0x6a: {  	[spmem:s3] =	stream.indirect.scatter.add.f32 [tilespmem:s17], [sflag:$0x3], $0x80, s31, s15, $0xb8;
	[tilespmem:$0x1E400] =	vst v63  }
0x6b: {  	_ =	swait.ge [sflag:s14], $0x4000  }
0x6c: {  	[sflag:s14] =	ssyncset.done $0x0  }
0x6d: {  	s25 =	simm.s32 $0x180;
	s24 =	simm.s32 $0x400;
	[sflag:s14] =	ssyncadd.s32 $0xFFFFC000  }
.LBB2_4:
0x6e: {  	[tilespmem:s17], [sflag:$0x2] =	stream.indirect.gather [hbm4b:s0+s15], $0x80, s25, s15, $0xb8;
	[tilespmem:$0x1E400] =	vst v63  }
0x6f: {  	s25 =	smov.u32 s24  }
0x70: {  	p0 =	sne.s32 s24, $0x4800;
	s24 =	sadd.s32 $0x400, s24;
	_ =	swait.ge [sflag:s19], $0x4000  }
0x71: {  	s25 =	sshra.s32 s25, $0x2;
	[sflag:s19] =	ssyncset.done $0x0  }
0x72: {  	s26 =	sadd.s32 $0x1400, s25;
	[sflag:s19] =	ssyncadd.s32 $0xFFFFC000  }
0x73: {  	[spmem:s3] =	stream.indirect.scatter.add.f32 [tilespmem:s16], [sflag:$0x3], $0x80, s26, s15, $0xb8;
	[tilespmem:$0x1E400] =	vst v63  }
0x74: {  	_ =	swait.ge [sflag:s14], $0x4000  }
0x75: {  	[sflag:s14] =	ssyncset.done $0x0  }
0x76: {  	s26 =	sadd.s32 $0x100, s25;
	[sflag:s14] =	ssyncadd.s32 $0xFFFFC000  }
0x77: {  	[tilespmem:s16], [sflag:$0x1] =	stream.indirect.gather [hbm4b:s0+s15], $0x80, s26, s15, $0xb8;
	[tilespmem:$0x1E400] =	vst v63  }
0x78: {  	_ =	swait.ge [sflag:s20], $0x4000  }
0x79: {  	[sflag:s20] =	ssyncset.done $0x0  }
.Ltmp1:
0x7a: {  	s26 =	sadd.s32 $0x1480, s25;
	[sflag:s20] =	ssyncadd.s32 $0xFFFFC000;
	(pc) =	sbr.rel @p0 .LBB2_4-.Ltmp1, $4  }
0x7b: {  	[spmem:s3] =	stream.indirect.scatter.add.f32 [tilespmem:s17], [sflag:$0x3], $0x80, s26, s15, $0xb8;
	[tilespmem:$0x1E400] =	vst v63  }
0x7c: {  	_ =	swait.ge [sflag:s14], $0x4000  }
0x7d: {  	[sflag:s14] =	ssyncset.done $0x0  }
0x7e: {  	s25 =	sadd.s32 $0x180, s25;
	[sflag:s14] =	ssyncadd.s32 $0xFFFFC000  }
0x7f: {  	[tilespmem:s17], [sflag:$0x2] =	stream.indirect.gather [hbm4b:s0+s15], $0x80, s25, s15, $0xb8;
	[tilespmem:$0x1E400] =	vst v63  }
0x80: {  	_ =	swait.ge [sflag:s19], $0x4000  }
0x81: {  	[sflag:s19] =	ssyncset.done $0x0  }
0x82: {  	[sflag:s19] =	ssyncadd.s32 $0xFFFFC000  }
0x83: {  	[spmem:s3] =	stream.indirect.scatter.add.f32 [tilespmem:s16], [sflag:$0x3], $0x80, s21, s15, $0xb8;
	[tilespmem:$0x1E400] =	vst v63  }
0x84: {  	_ =	swait.ge [sflag:s14], $0x4000  }
0x85: {  	[sflag:s14] =	ssyncset.done $0x0  }
0x86: {  	[sflag:s14] =	ssyncadd.s32 $0xFFFFC000  }
0x87: {  	_ =	swait.ge [sflag:s20], $0x4000  }
0x88: {  	[sflag:s20] =	ssyncset.done $0x0  }
0x89: {  	[sflag:s20] =	ssyncadd.s32 $0xFFFFC000  }
0x8a: {  	[spmem:s3] =	stream.indirect.scatter.add.f32 [tilespmem:s17], [sflag:$0x3], $0x80, s22, s15, $0xb8;
	[tilespmem:$0x1E400] =	vst v63  }
0x8b: {  	_ =	swait.ge [sflag:s14], $0x4000  }
0x8c: {  	s23 =	sadd.s32 $0x1, s23;
	[sflag:s14] =	ssyncset.done $0x0  }
0x8d: {  	p0 =	sne.s32 s23, s12;
	[sflag:s14] =	ssyncadd.s32 $0xFFFFC000  }
.Ltmp2:
0x8e: {  	[bflag:$0x0] =	sbarrier.arrive $0xFFFF;
	(pc) =	sbr.rel @p0 .LBB2_1-.Ltmp2, $4  }
0x8f: {  	[hbm:s11], [sflag:s6] =	dma.local [spmem:s13], $0x2780  }
0x90: {  	_ =	swait.ge [sflag:s14], $0x2780  }
0x91: {  	[sflag:s14] =	ssyncset.done $0x0  }
0x92: {  	[sflag:s14] =	ssyncadd.s32 $0xFFFFD880  }
0x93: {  	_ =	sfence.sel $0x180000  }
0x94: {  	[bflag:$0x0] =	sbarrier.arrive $0xFFFF  }
0x95: {  	p0 =	sne.s32 s2, $0x0;
	_ =	strace $0x9000004A  }
0x96: {  	s0 =	sadd.s32 @!p0 $0x100000, s1;
	[bflag:$0x2] =	sbarrier.arrive $0xFFFF  }
0x97: {  	[sflag:s0] =	ssyncadd.tile.s32 @!p0 $0x1;
	_ =	shalt  }
.Lfunc_end2:
_tile_overlayer_lowered:
.L_overlay_start_2:
0x98: {  	(tag) =	ssettag $0x2  }
0x99: {  	s0 =	rddreg [dreg:$0x0];
	s2 =	stileid.u32  }
0x9a: {  	s1 =	rddreg [dreg:$0x1];
	p0 =	sne.s32 s2, $0x0  }
0x9b: {  	s3 =	rddreg [dreg:$0x2];
	[bflag:$0x3] =	sbarrier.arrive $0xFFFF;
	s2 =	simm.s32 @!p0 $0x1C03  }
0x9c: {  	[timem:s3], [sflag:s2] =	dma.local @!p0 [hbm:s0], s1  }
0x9d: {  	s0 =	simm.s32 @!p0 $0x3  }
0x9e: {  	_ =	swait.ge @!p0 [sflag:s0], s1  }
0x9f: {  	s1 =	ssub.s32 @!p0 $0x0, s1;
	[sflag:s0] =	ssyncset.done @!p0 $0x0  }
0xa0: {  	[sflag:s0] =	ssyncadd.s32 @!p0 s1  }
0xa1: {  	[bflag:$0x3] =	sbarrier.arrive $0xFFFF  }
0xa2: {  	_ =	shalt  }

// kernel: kernel.16.cloned.1.call-start
scs
__scs_entry_jumppad:
0x0: {  	(pc) =	sbr.rel $0x88, $3  }
0x1: {  	(tag) =	ssettag $0x0;
	lr =	simm.s32 $0x1  }
0x2: {  	[smem:$0x3F9B] =	sst lr;
	_ =	strace $0xD0000000  }
0x3: {  	_ = 	snop  }
0x4: {  	_ = 	snop  }
0x5: {  	_ = 	snop  }
0x6: {  	_ = 	snop  }
0x7: {  	_ = 	snop  }
__scs_overlays_trampoline_lowered:
0x8: {  	[smem:$0x3FAA] =	sst s0  }
0x9: {  	[smem:$0x3FAB] =	sst s1  }
0xa: {  	[smem:$0x3FAC] =	sst s2  }
0xb: {  	[smem:$0x3FAD] =	sst s3  }
0xc: {  	[smem:$0x3FAE] =	sst s4  }
0xd: {  	[smem:$0x3FAF] =	sst s5  }
0xe: {  	[smem:$0x3FB0] =	sst s6  }
0xf: {  	[smem:$0x3FB1] =	sst s7  }
0x10: {  	[smem:$0x3FB2] =	sst s8  }
0x11: {  	[smem:$0x3FB3] =	sst s9;
	s0 =	simm.s32 @!p0 $0x0  }
0x12: {  	s1 =	sld [smem:$0x3F99];
	s0 =	simm.s32 @p0 $0x1  }
0x13: {  	[smem:$0x3FB4] =	sst s0;
	s0 =	simm.s32 @!p1 $0x0  }
0x14: {  	s2 =	sld [smem:$0x3F98];
	s0 =	simm.s32 @p1 $0x1  }
0x15: {  	[smem:$0x3FB5] =	sst s0;
	s0 =	simm.s32 @!p2 $0x0  }
0x16: {  	s3 =	sld [smem:$0x3FDB];
	s0 =	simm.s32 @p2 $0x1  }
0x17: {  	s4 =	simm.s32 $0x1BF5;
	[smem:$0x3FB7] =	sst s0  }
0x18: {  	s0 =	sld [smem:$0x3F9A];
	_ =	swait.ge [sflag:s4], $0x0  }
0x19: {  	s7 =	sld [smem:$0x3F9B]  }
0x1a: {  	s8 =	sadd.s32 $0xFFFFE003, lr  }
0x1b: {  	s9 =	sadd.s32 $0xFFFFFEF7, lr;
	s5 =	simm.s32 $0xFFFFFFFF;
	p2 =	slt.u32 s8, $0xFFFFF086  }
0x1c: {  	p1 =	slt.u32 s9, $0xF7A;
	s5 =	simm.s32 @!p2 $0x0  }
0x1d: {  	s5 =	simm.s32 @p1 $0x1;
	p0 =	seq.s32 s7, s2  }
0x1e: {  	s7 =	smul.u32 @!p0 $0xF7A, s2;
	p2 =	seq.s32 @!p0 s5, $0x0  }
0x1f: {  	s9 =	smul.u32 $0xF7A, s1;
	s8 =	simm.s32 @!p0 $0x1BF5;
	p2 =	por !p2, p0  }
0x20: {  	[sflag:s8] =	ssyncset.s32 @!p0 $0xFFFFF086;
	s6 =	sadd.s32 @!p0 s3, s7;
	s7 =	simm.s32 @!p0 $0x108  }
0x21: {  	s3 =	sadd.s32 s3, s9;
	s6 =	sadd.s32 @!p0 $0x88, s6;
	s7 =	simm.s32 @p2 $0x1082  }
0x22: {  	[simem:s7], [sflag:s8] =	dma.local @!p0 [hbm:s6], $0xF7A  }
0x23: {  	s9 =	sor.u32 $0xD0000000, s2;
	s6 =	simm.s32 $0x108;
	_ =	swait.ge @!p0 [sflag:s8], $0x0  }
0x24: {  	s3 =	sadd.s32 $0x88, s3;
	s6 =	simm.s32 @!p1 $0x1082;
	[sflag:s4] =	ssyncset.s32 $0xFFFFF086  }
0x25: {  	[simem:s6], [sflag:s4] =	dma.local [hbm:s3], $0xF7A  }
0x26: {  	[smem:$0x3F9B] =	sst s1;
	(tag) =	ssettag s2;
	_ =	strace s9  }
0x27: {  	s1 =	sld [smem:$0x3FAB]  }
0x28: {  	s2 =	sld [smem:$0x3FAC]  }
0x29: {  	s4 =	sld [smem:$0x3FAE]  }
0x2a: {  	p0 =	seq.s32 s5, $0x0;
	s5 =	sld [smem:$0x3FAF]  }
0x2b: {  	s6 =	sld [smem:$0x3FB0]  }
0x2c: {  	s7 =	sld [smem:$0x3FB1]  }
0x2d: {  	s3 =	simm.s32 $0x108;
	s8 =	sld [smem:$0x3FB2]  }
0x2e: {  	s3 =	simm.s32 @!p0 $0x1082;
	s9 =	sld [smem:$0x3FB3]  }
0x2f: {  	lr =	sadd.s32 s0, s3;
	s0 =	sld [smem:$0x3FAA]  }
0x30: {  	s3 =	sld [smem:$0x3FAD]  }
0x31: {  	[smem:$0x3FB6] =	sst s10  }
0x32: {  	s10 =	sld [smem:$0x3FB4];
	_ =	sdelay $0x3  }
0x33: {  	p0 =	seq.s32 s10, $0x1;
	s10 =	sld [smem:$0x3FB6];
	_ =	sdelay $0x3  }
0x34: {  	[smem:$0x3FB6] =	sst s10  }
0x35: {  	s10 =	sld [smem:$0x3FB5];
	_ =	sdelay $0x3  }
0x36: {  	p1 =	seq.s32 s10, $0x1;
	s10 =	sld [smem:$0x3FB6];
	_ =	sdelay $0x3  }
0x37: {  	[smem:$0x3FB6] =	sst s10  }
0x38: {  	s10 =	sld [smem:$0x3FB7]  }
0x39: {  	_ = 	snop;
	(pc) =	sbr.ind lr, $3  }
0x3a: {  	_ = 	snop  }
0x3b: {  	_ = 	snop  }
0x3c: {  	p2 =	seq.s32 s10, $0x1;
	s10 =	sld [smem:$0x3FB6]  }
0x3d: {  	_ =	shalt  }
0x3e: {  	_ =	shalt  }
0x3f: {  	_ =	shalt  }
0x40: {  	_ =	shalt  }
0x41: {  	_ =	shalt  }
0x42: {  	_ =	shalt  }
0x43: {  	_ =	shalt  }
0x44: {  	_ =	shalt  }
0x45: {  	_ =	shalt  }
0x46: {  	_ =	shalt  }
0x47: {  	_ =	shalt  }
0x48: {  	_ =	shalt  }
0x49: {  	_ =	shalt  }
0x4a: {  	_ =	shalt  }
0x4b: {  	_ =	shalt  }
0x4c: {  	_ =	shalt  }
0x4d: {  	_ =	shalt  }
0x4e: {  	_ =	shalt  }
0x4f: {  	_ =	shalt  }
0x50: {  	_ =	shalt  }
0x51: {  	_ =	shalt  }
0x52: {  	_ =	shalt  }
0x53: {  	_ =	shalt  }
0x54: {  	_ =	shalt  }
0x55: {  	_ =	shalt  }
0x56: {  	_ =	shalt  }
0x57: {  	_ =	shalt  }
0x58: {  	_ =	shalt  }
0x59: {  	_ =	shalt  }
0x5a: {  	_ =	shalt  }
0x5b: {  	_ =	shalt  }
0x5c: {  	_ =	shalt  }
0x5d: {  	_ =	shalt  }
0x5e: {  	_ =	shalt  }
0x5f: {  	_ =	shalt  }
0x60: {  	_ =	shalt  }
0x61: {  	_ =	shalt  }
0x62: {  	_ =	shalt  }
0x63: {  	_ =	shalt  }
0x64: {  	_ =	shalt  }
0x65: {  	_ =	shalt  }
0x66: {  	_ =	shalt  }
0x67: {  	_ =	shalt  }
0x68: {  	_ =	shalt  }
0x69: {  	_ =	shalt  }
0x6a: {  	_ =	shalt  }
0x6b: {  	_ =	shalt  }
0x6c: {  	_ =	shalt  }
0x6d: {  	_ =	shalt  }
0x6e: {  	_ =	shalt  }
0x6f: {  	_ =	shalt  }
0x70: {  	_ =	shalt  }
0x71: {  	_ =	shalt  }
0x72: {  	_ =	shalt  }
0x73: {  	_ =	shalt  }
0x74: {  	_ =	shalt  }
0x75: {  	_ =	shalt  }
0x76: {  	_ =	shalt  }
0x77: {  	_ =	shalt  }
0x78: {  	_ =	shalt  }
0x79: {  	_ =	shalt  }
0x7a: {  	_ =	shalt  }
0x7b: {  	_ =	shalt  }
0x7c: {  	_ =	shalt  }
0x7d: {  	_ =	shalt  }
0x7e: {  	_ =	shalt  }
0x7f: {  	_ =	shalt  }
0x80: {  	_ =	shalt  }
0x81: {  	_ =	shalt  }
0x82: {  	_ =	shalt  }
0x83: {  	_ =	shalt  }
0x84: {  	_ =	shalt  }
0x85: {  	_ =	shalt  }
0x86: {  	_ =	shalt  }
0x87: {  	_ =	shalt  }
.Lfunc_end0:
.L_simem_size_0:
called_computation.2_lowered:
.L_overlay_start_0:
0x88: {  	s2 =	sld [smem:$0x3FD9]  }
0x89: {  	s3 =	sld [smem:$0x3FFE];
	_ =	sdelay $0x1  }
0x8a: {  	s1 =	srdreg.scid  }
0x8b: {  	s0 =	sand.u32 $0x1, s1  }
0x8c: {  	s14 =	sshll.u32 s0, $0xA;
	s2 =	sadd.s32 s3, s2  }
0x8d: {  	s2 =	sadd.s32 s2, s14  }
0x8e: {  	[smem:$0x3FC2] =	sst s2  }
0x8f: {  	_ = 	snop  }
0x90: {  	s2 =	sld [smem:$0x3FD0];
	_ =	sdelay $0x2  }
0x91: {  	s15 =	simm.s32 $0xA;
	s4 =	simm.s32 $0x10  }
0x92: {  	[smem:s4], [sflag:s15] =	dma.local [hbm:s2], $0x1  }
0x93: {  	_ =	swait.eq [sflag:s15], $0x1  }
0x94: {  	[sflag:s15] =	ssyncset.done $0x0  }
0x95: {  	s16 =	sld [smem:$0x10];
	[sflag:s15] =	ssyncadd.s32 $0xFFFFFFFF  }
0x96: {  	s17 =	sld [smem:$0x11];
	(tm) =	ssettm $0x1  }
0x97: {  	s18 =	sld [smem:$0x3FFB];
	_ =	sdelay $0x3  }
0x98: {  	_ =	strace s18  }
0x99: {  	s4 =	sld [smem:$0x3FFC];
	_ =	sdelay $0x3  }
0x9a: {  	_ =	strace s4  }
0x9b: {  	s4 =	sld [smem:$0x3FFD];
	_ =	sdelay $0x3  }
0x9c: {  	_ =	strace s4  }
0x9d: {  	_ =	strace $0x8FFFFFFF  }
0x9e: {  	s19 =	sld [smem:$0x3FDB];
	_ =	sdelay $0x1  }
0x9f: {  	s5 =	simm.s32 $_scs_section_size  }
0xa0: {  	s6 =	simm.s32 $_size__tile_overlayer_lowered;
	s7 =	simm.s32 $_tile_overlayer_lowered  }
0xa1: {  	s22 =	simm.s32 $0x1BFF;
	s21 =	sshll.u32 s7, $0x1;
	s4 =	sadd.s32 s5, s19  }
0xa2: {  	s8 =	simm.s32 $0x0;
	s20 =	sshll.u32 s6, $0x1;
	s6 =	sadd.s32 s21, s4  }
0xa3: {  	[timem:s8], [sflag:s22] =	dma.local [hbm:s6], s20  }
0xa4: {  	_ =	swait.ge [sflag:s22], s20  }
0xa5: {  	s5 =	ssub.s32 $0x0, s20;
	[sflag:s22] =	ssyncset.done $0x0  }
0xa6: {  	[sflag:s22] =	ssyncadd.s32 s5;
	_ =	sdelay $0x1  }
0xa7: {  	s23 =	simm.s32 $0x1B8B  }
0xa8: {  	_ =	swait.ge [sflag:s23], $0x1  }
0xa9: {  	[sflag:s23] =	ssyncset.done $0x0  }
0xaa: {  	s25 =	simm.s32 $0x1B8E;
	s24 =	sld [smem:$0x3FFE];
	[sflag:s23] =	ssyncadd.s32 $0xFFFFFFFF  }
0xab: {  	s26 =	simm.s32 $execute0_lowered;
	[smem:$0x3FD2] =	sst s25  }
0xac: {  	s6 =	sshll.u32 s26, $0x1;
	_ =	strace $0x8000004C;
	[dreg:$0x1] =	wrdreg $0xFFFFFFFF  }
0xad: {  	s28 =	simm.s32 $_size_execute0_lowered;
	s4 =	sadd.s32 s4, s6;
	[dreg:$0x0] =	wrdreg $0x0  }
0xae: {  	s6 =	sshll.u32 s28, $0x1;
	[dreg:$0x2] =	wrdreg s4  }
0xaf: {  	[dreg:$0x3] =	wrdreg s6  }
0xb0: {  	[dreg:$0x4] =	wrdreg $0xC0  }
0xb1: {  	_ =	task [dreg:s8], $0x5FFFF  }
0xb2: {  	[dreg:$0x1] =	wrdreg $0xFFFFFFFF  }
0xb3: {  	[dreg:$0x0] =	wrdreg $0x60  }
0xb4: {  	[dreg:$0x2] =	wrdreg s16  }
0xb5: {  	[dreg:$0x3] =	wrdreg s17  }
0xb6: {  	[dreg:$0x4] =	wrdreg s24  }
0xb7: {  	[dreg:$0x5] =	wrdreg $0xA8000  }
0xb8: {  	[dreg:$0x6] =	wrdreg $0x9  }
0xb9: {  	_ =	task.clear_ibuf [dreg:s8], $0x7FFFF;
	_ =	strace $0x9000004C  }
0xba: {  	s29 =	simm.s32 $0x9;
	_ =	strace $0x8000004E  }
0xbb: {  	_ =	swait.ge [sflag:s29], $0x1  }
0xbc: {  	[sflag:s29] =	ssyncadd.s32 $0xFFFFFFFF  }
0xbd: {  	_ =	strace $0x9000004E  }
0xbe: {  	_ =	sfence  }
0xbf: {  	s30 =	sld [smem:$0x0];
	_ =	sdelay $0x2  }
0xc0: {  	s31 =	sshll.u32 s1, $0xD;
	s1 =	sshrl.u32 s1, $0x2  }
0xc1: {  	s3 =	sand.u32 $0x4000, s31;
	s1 =	sadd.s32 s1, s30  }
0xc2: {  	s0 =	sor.u32 s3, s0;
	s1 =	sshll.u32 s1, $0x11  }
0xc3: {  	s0 =	sor.u32 s1, s0  }
0xc4: {  	s0 =	sadd.s32 $0x8F2B, s0  }
0xc5: {  	[sflag:s0] =	ssyncadd.remote.s32 $0x1  }
0xc6: {  	_ =	sfence.sel $0xFFFF  }
0xc7: {  	[dreg:$0x0] =	wrdreg $0xFFFFFFFF;
	(pc) =	sbr.abs _section_cstart, $3  }
0xc8: {  	[dreg:$0x1] =	wrdreg $0xFFFFFFFF  }
0xc9: {  	_ =	task.clear_ibuf [dreg:s8], $0x2FFFF;
	_ =	strace $0x9FFFFFFF  }
0xca: {  	(tm) =	ssettm $0x7FFFFFFF  }
0xcb: {  	_ =	shalt  }
tec
execute0_lowered:
.L_overlay_start_1:
0x0: {  	(tag) =	ssettag $0x1  }
0x1: {  	s0 =	rddreg [dreg:$0x0]  }
0x2: {  	s9 =	rddreg [dreg:$0x1]  }
0x3: {  	s6 =	rddreg [dreg:$0x2];
	s1 =	srdreg.scid  }
0x4: {  	s3 =	rddreg [dreg:$0x3];
	s2 =	stileid.u32  }
0x5: {  	s4 =	simm.s32 $0x0;
	s16 =	simm.s32 $0x2800;
	s17 =	simm.s32 $0x6800  }
0x6: {  	s18 =	simm.s32 $0x1400;
	s19 =	simm.s32 $0x1;
	s20 =	simm.s32 $0x2  }
0x7: {  	s21 =	simm.s32 $0x2700;
	s22 =	simm.s32 $0x2780;
	s23 =	simm.s32 $0x0  }
0x8: {  	s7 =	sand.u32 $0x1, s1;
	s1 =	rddreg [dreg:$0x4];
	s8 =	smul.u32 $0x13C00, s2  }
0x9: {  	[smem:$0x7FF] =	sst s4;
	s10 =	sadd.s32 $0x3A00, s6;
	s12 =	smul.u32 $0x4F000, s2  }
0xa: {  	s31 =	sshll.u32 s2, $0x6;
	s5 =	smul.u32 $0x13C000, s7;
	s11 =	sshll.u32 s7, $0x4  }
0xb: {  	_ =	strace $0x8000004D;
	s7 =	ssub.s32 $0x2, s7;
	s11 =	sor.u32 s2, s11  }
0xc: {  	s28 =	sshrl.u32 s7, $0x1;
	s30 =	sshrl.u32 s12, $0x2;
	s8 =	sadd.s32 s8, s5  }
0xd: {  	s5 =	sadd.s32 $0xDA00, s6;
	s29 =	smul.u32 $0x2800, s11;
	s14 =	ssub.s32 s7, s28  }
0xe: {  	s15 =	sadd.s32 s30, s3;
	s8 =	sshrl.u32 s8, $0x3;
	s12 =	smax.u32 s14, $0x1  }
0xf: {  	s14 =	simm.s32 $0x3;
	s13 =	sadd.s32 s8, s6;
	s11 =	sshrl.u32 s29, $0x3  }
0x10: {  	s7 =	sadd.s32 s9, s11;
	s8 =	sadd.s32 s10, s11;
	s11 =	sadd.s32 $0x280, s11  }
0x11: {  	s6 =	sor.u32 $0x1C03, s31;
	s9 =	sadd.s32 s9, s11;
	s10 =	sadd.s32 s10, s11  }
0x12: {  	s11 =	sadd.s32 $0x10200, s13;
	s13 =	sshrl.u32 s15, $0x3;
	s15 =	simm.s32 $0x80  }
.LBB2_1:
0x13: {  	[spmem:s13], [sflag:s6] =	dma.local [hbm:s5], $0x2780  }
0x14: {  	_ =	swait.ge [sflag:s14], $0x2780  }
0x15: {  	[sflag:s14] =	ssyncset.done $0x0  }
0x16: {  	[sflag:s14] =	ssyncadd.s32 $0xFFFFD880  }
0x17: {  	[bflag:$0x0] =	sbarrier.arrive $0xFFFF  }
0x18: {  	[tilespmem:s4], [sflag:$0x3] =	stream.linear.gather [hbm4b:s7+s4], $0x1400, $0x38;
	[tilespmem:$0x1E400] =	vst v63  }
0x19: {  	_ =	swait.ge [sflag:s14], $0x1400  }
0x1a: {  	[sflag:s14] =	ssyncset.done $0x0  }
0x1b: {  	[sflag:s14] =	ssyncadd.s32 $0xFFFFEC00  }
0x1c: {  	[tilespmem:s16], [sflag:$0x1] =	stream.indirect.gather [hbm4b:s0+s15], $0x80, s4, s15, $0xb8;
	[tilespmem:$0x1E400] =	vst v63  }
0x1d: {  	_ = 	snop  }
0x1e: {  	[tilespmem:s17], [sflag:$0x2] =	stream.indirect.gather [hbm4b:s0+s15], $0x80, s15, s15, $0xb8;
	[tilespmem:$0x1E400] =	vst v63  }
0x1f: {  	_ = 	snop  }
0x20: {  	[tilespmem:s18], [sflag:$0x3] =	stream.linear.gather [hbm4b:s8+s4], $0x1400, $0x38;
	[tilespmem:$0x1E400] =	vst v63  }
0x21: {  	_ =	swait.ge [sflag:s14], $0x1400  }
0x22: {  	[sflag:s14] =	ssyncset.done $0x0  }
0x23: {  	[sflag:s14] =	ssyncadd.s32 $0xFFFFEC00  }
0x24: {  	_ =	swait.ge [sflag:s19], $0x4000  }
0x25: {  	[sflag:s19] =	ssyncset.done $0x0  }
0x26: {  	s24 =	simm.s32 $0x1400;
	[sflag:s19] =	ssyncadd.s32 $0xFFFFC000  }
0x27: {  	[spmem:s3] =	stream.indirect.scatter.add.f32 [tilespmem:s16], [sflag:$0x3], $0x80, s24, s15, $0xb8;
	[tilespmem:$0x1E400] =	vst v63  }
0x28: {  	_ =	swait.ge [sflag:s14], $0x4000  }
0x29: {  	[sflag:s14] =	ssyncset.done $0x0  }
0x2a: {  	s30 =	simm.s32 $0x100;
	[sflag:s14] =	ssyncadd.s32 $0xFFFFC000  }
0x2b: {  	[tilespmem:s16], [sflag:$0x1] =	stream.indirect.gather [hbm4b:s0+s15], $0x80, s30, s15, $0xb8;
	[tilespmem:$0x1E400] =	vst v63  }
0x2c: {  	_ =	swait.ge [sflag:s20], $0x4000  }
0x2d: {  	[sflag:s20] =	ssyncset.done $0x0  }
0x2e: {  	s31 =	simm.s32 $0x1480;
	[sflag:s20] =	ssyncadd.s32 $0xFFFFC000  }
0x2f: {  	[spmem:s3] =	stream.indirect.scatter.add.f32 [tilespmem:s17], [sflag:$0x3], $0x80, s31, s15, $0xb8;
	[tilespmem:$0x1E400] =	vst v63  }
0x30: {  	_ =	swait.ge [sflag:s14], $0x4000  }
0x31: {  	[sflag:s14] =	ssyncset.done $0x0  }
0x32: {  	s25 =	simm.s32 $0x180;
	s24 =	simm.s32 $0x400;
	[sflag:s14] =	ssyncadd.s32 $0xFFFFC000  }
.LBB2_2:
0x33: {  	[tilespmem:s17], [sflag:$0x2] =	stream.indirect.gather [hbm4b:s0+s15], $0x80, s25, s15, $0xb8;
	[tilespmem:$0x1E400] =	vst v63  }
0x34: {  	s25 =	smov.u32 s24  }
0x35: {  	p0 =	sne.s32 s24, $0x4800;
	s24 =	sadd.s32 $0x400, s24;
	_ =	swait.ge [sflag:s19], $0x4000  }
0x36: {  	s25 =	sshra.s32 s25, $0x2;
	[sflag:s19] =	ssyncset.done $0x0  }
0x37: {  	s26 =	sadd.s32 $0x1400, s25;
	[sflag:s19] =	ssyncadd.s32 $0xFFFFC000  }
0x38: {  	[spmem:s3] =	stream.indirect.scatter.add.f32 [tilespmem:s16], [sflag:$0x3], $0x80, s26, s15, $0xb8;
	[tilespmem:$0x1E400] =	vst v63  }
0x39: {  	_ =	swait.ge [sflag:s14], $0x4000  }
0x3a: {  	[sflag:s14] =	ssyncset.done $0x0  }
0x3b: {  	s26 =	sadd.s32 $0x100, s25;
	[sflag:s14] =	ssyncadd.s32 $0xFFFFC000  }
0x3c: {  	[tilespmem:s16], [sflag:$0x1] =	stream.indirect.gather [hbm4b:s0+s15], $0x80, s26, s15, $0xb8;
	[tilespmem:$0x1E400] =	vst v63  }
0x3d: {  	_ =	swait.ge [sflag:s20], $0x4000  }
0x3e: {  	[sflag:s20] =	ssyncset.done $0x0  }
.Ltmp0:
0x3f: {  	s26 =	sadd.s32 $0x1480, s25;
	[sflag:s20] =	ssyncadd.s32 $0xFFFFC000;
	(pc) =	sbr.rel @p0 .LBB2_2-.Ltmp0, $4  }
0x40: {  	[spmem:s3] =	stream.indirect.scatter.add.f32 [tilespmem:s17], [sflag:$0x3], $0x80, s26, s15, $0xb8;
	[tilespmem:$0x1E400] =	vst v63  }
0x41: {  	_ =	swait.ge [sflag:s14], $0x4000  }
0x42: {  	[sflag:s14] =	ssyncset.done $0x0  }
0x43: {  	s25 =	sadd.s32 $0x180, s25;
	[sflag:s14] =	ssyncadd.s32 $0xFFFFC000  }
0x44: {  	[tilespmem:s17], [sflag:$0x2] =	stream.indirect.gather [hbm4b:s0+s15], $0x80, s25, s15, $0xb8;
	[tilespmem:$0x1E400] =	vst v63  }
0x45: {  	_ =	swait.ge [sflag:s19], $0x4000  }
0x46: {  	[sflag:s19] =	ssyncset.done $0x0  }
0x47: {  	[sflag:s19] =	ssyncadd.s32 $0xFFFFC000  }
0x48: {  	[spmem:s3] =	stream.indirect.scatter.add.f32 [tilespmem:s16], [sflag:$0x3], $0x80, s21, s15, $0xb8;
	[tilespmem:$0x1E400] =	vst v63  }
0x49: {  	_ =	swait.ge [sflag:s14], $0x4000  }
0x4a: {  	[sflag:s14] =	ssyncset.done $0x0  }
0x4b: {  	[sflag:s14] =	ssyncadd.s32 $0xFFFFC000  }
0x4c: {  	_ =	swait.ge [sflag:s20], $0x4000  }
0x4d: {  	[sflag:s20] =	ssyncset.done $0x0  }
0x4e: {  	[sflag:s20] =	ssyncadd.s32 $0xFFFFC000  }
0x4f: {  	[spmem:s3] =	stream.indirect.scatter.add.f32 [tilespmem:s17], [sflag:$0x3], $0x80, s22, s15, $0xb8;
	[tilespmem:$0x1E400] =	vst v63  }
0x50: {  	_ =	swait.ge [sflag:s14], $0x4000  }
0x51: {  	[sflag:s14] =	ssyncset.done $0x0  }
0x52: {  	s24 =	simm.s32 $0x0;
	[sflag:s14] =	ssyncadd.s32 $0xFFFFC000  }
0x53: {  	[tilespmem:s24], [sflag:$0x3] =	stream.linear.gather [hbm4b:s9+s24], $0x1400, $0x38;
	[tilespmem:$0x1E400] =	vst v63  }
0x54: {  	_ =	swait.ge [sflag:s14], $0x1400  }
0x55: {  	[sflag:s14] =	ssyncset.done $0x0  }
0x56: {  	[sflag:s14] =	ssyncadd.s32 $0xFFFFEC00  }
0x57: {  	[tilespmem:s16], [sflag:$0x1] =	stream.indirect.gather [hbm4b:s0+s15], $0x80, s24, s15, $0xb8;
	[tilespmem:$0x1E400] =	vst v63  }
0x58: {  	_ = 	snop  }
0x59: {  	[tilespmem:s17], [sflag:$0x2] =	stream.indirect.gather [hbm4b:s0+s15], $0x80, s15, s15, $0xb8;
	[tilespmem:$0x1E400] =	vst v63  }
0x5a: {  	_ = 	snop  }
0x5b: {  	[tilespmem:s18], [sflag:$0x3] =	stream.linear.gather [hbm4b:s10+s24], $0x1400, $0x38;
	[tilespmem:$0x1E400] =	vst v63  }
0x5c: {  	_ =	swait.ge [sflag:s14], $0x1400  }
0x5d: {  	[sflag:s14] =	ssyncset.done $0x0  }
0x5e: {  	[sflag:s14] =	ssyncadd.s32 $0xFFFFEC00  }
0x5f: {  	_ =	swait.ge [sflag:s19], $0x4000  }
0x60: {  	[sflag:s19] =	ssyncset.done $0x0  }
0x61: {  	s29 =	simm.s32 $0x1400;
	[sflag:s19] =	ssyncadd.s32 $0xFFFFC000  }
0x62: {  	[spmem:s3] =	stream.indirect.scatter.add.f32 [tilespmem:s16], [sflag:$0x3], $0x80, s29, s15, $0xb8;
	[tilespmem:$0x1E400] =	vst v63  }
0x63: {  	_ =	swait.ge [sflag:s14], $0x4000  }
0x64: {  	[sflag:s14] =	ssyncset.done $0x0  }
0x65: {  	s30 =	simm.s32 $0x100;
	[sflag:s14] =	ssyncadd.s32 $0xFFFFC000  }
0x66: {  	[tilespmem:s16], [sflag:$0x1] =	stream.indirect.gather [hbm4b:s0+s15], $0x80, s30, s15, $0xb8;
	[tilespmem:$0x1E400] =	vst v63  }
0x67: {  	_ =	swait.ge [sflag:s20], $0x4000  }
0x68: {  	[sflag:s20] =	ssyncset.done $0x0  }
0x69: {  	s31 =	simm.s32 $0x1480;
	[sflag:s20] =	ssyncadd.s32 $0xFFFFC000  }
0x6a: {  	[spmem:s3] =	stream.indirect.scatter.add.f32 [tilespmem:s17], [sflag:$0x3], $0x80, s31, s15, $0xb8;
	[tilespmem:$0x1E400] =	vst v63  }
0x6b: {  	_ =	swait.ge [sflag:s14], $0x4000  }
0x6c: {  	[sflag:s14] =	ssyncset.done $0x0  }
0x6d: {  	s25 =	simm.s32 $0x180;
	s24 =	simm.s32 $0x400;
	[sflag:s14] =	ssyncadd.s32 $0xFFFFC000  }
.LBB2_4:
0x6e: {  	[tilespmem:s17], [sflag:$0x2] =	stream.indirect.gather [hbm4b:s0+s15], $0x80, s25, s15, $0xb8;
	[tilespmem:$0x1E400] =	vst v63  }
0x6f: {  	s25 =	smov.u32 s24  }
0x70: {  	p0 =	sne.s32 s24, $0x4800;
	s24 =	sadd.s32 $0x400, s24;
	_ =	swait.ge [sflag:s19], $0x4000  }
0x71: {  	s25 =	sshra.s32 s25, $0x2;
	[sflag:s19] =	ssyncset.done $0x0  }
0x72: {  	s26 =	sadd.s32 $0x1400, s25;
	[sflag:s19] =	ssyncadd.s32 $0xFFFFC000  }
0x73: {  	[spmem:s3] =	stream.indirect.scatter.add.f32 [tilespmem:s16], [sflag:$0x3], $0x80, s26, s15, $0xb8;
	[tilespmem:$0x1E400] =	vst v63  }
0x74: {  	_ =	swait.ge [sflag:s14], $0x4000  }
0x75: {  	[sflag:s14] =	ssyncset.done $0x0  }
0x76: {  	s26 =	sadd.s32 $0x100, s25;
	[sflag:s14] =	ssyncadd.s32 $0xFFFFC000  }
0x77: {  	[tilespmem:s16], [sflag:$0x1] =	stream.indirect.gather [hbm4b:s0+s15], $0x80, s26, s15, $0xb8;
	[tilespmem:$0x1E400] =	vst v63  }
0x78: {  	_ =	swait.ge [sflag:s20], $0x4000  }
0x79: {  	[sflag:s20] =	ssyncset.done $0x0  }
.Ltmp1:
0x7a: {  	s26 =	sadd.s32 $0x1480, s25;
	[sflag:s20] =	ssyncadd.s32 $0xFFFFC000;
	(pc) =	sbr.rel @p0 .LBB2_4-.Ltmp1, $4  }
0x7b: {  	[spmem:s3] =	stream.indirect.scatter.add.f32 [tilespmem:s17], [sflag:$0x3], $0x80, s26, s15, $0xb8;
	[tilespmem:$0x1E400] =	vst v63  }
0x7c: {  	_ =	swait.ge [sflag:s14], $0x4000  }
0x7d: {  	[sflag:s14] =	ssyncset.done $0x0  }
0x7e: {  	s25 =	sadd.s32 $0x180, s25;
	[sflag:s14] =	ssyncadd.s32 $0xFFFFC000  }
0x7f: {  	[tilespmem:s17], [sflag:$0x2] =	stream.indirect.gather [hbm4b:s0+s15], $0x80, s25, s15, $0xb8;
	[tilespmem:$0x1E400] =	vst v63  }
0x80: {  	_ =	swait.ge [sflag:s19], $0x4000  }
0x81: {  	[sflag:s19] =	ssyncset.done $0x0  }
0x82: {  	[sflag:s19] =	ssyncadd.s32 $0xFFFFC000  }
0x83: {  	[spmem:s3] =	stream.indirect.scatter.add.f32 [tilespmem:s16], [sflag:$0x3], $0x80, s21, s15, $0xb8;
	[tilespmem:$0x1E400] =	vst v63  }
0x84: {  	_ =	swait.ge [sflag:s14], $0x4000  }
0x85: {  	[sflag:s14] =	ssyncset.done $0x0  }
0x86: {  	[sflag:s14] =	ssyncadd.s32 $0xFFFFC000  }
0x87: {  	_ =	swait.ge [sflag:s20], $0x4000  }
0x88: {  	[sflag:s20] =	ssyncset.done $0x0  }
0x89: {  	[sflag:s20] =	ssyncadd.s32 $0xFFFFC000  }
0x8a: {  	[spmem:s3] =	stream.indirect.scatter.add.f32 [tilespmem:s17], [sflag:$0x3], $0x80, s22, s15, $0xb8;
	[tilespmem:$0x1E400] =	vst v63  }
0x8b: {  	_ =	swait.ge [sflag:s14], $0x4000  }
0x8c: {  	s23 =	sadd.s32 $0x1, s23;
	[sflag:s14] =	ssyncset.done $0x0  }
0x8d: {  	p0 =	sne.s32 s23, s12;
	[sflag:s14] =	ssyncadd.s32 $0xFFFFC000  }
.Ltmp2:
0x8e: {  	[bflag:$0x0] =	sbarrier.arrive $0xFFFF;
	(pc) =	sbr.rel @p0 .LBB2_1-.Ltmp2, $4  }
0x8f: {  	[hbm:s11], [sflag:s6] =	dma.local [spmem:s13], $0x2780  }
0x90: {  	_ =	swait.ge [sflag:s14], $0x2780  }
0x91: {  	[sflag:s14] =	ssyncset.done $0x0  }
0x92: {  	[sflag:s14] =	ssyncadd.s32 $0xFFFFD880  }
0x93: {  	_ =	sfence.sel $0x180000  }
0x94: {  	[bflag:$0x0] =	sbarrier.arrive $0xFFFF  }
0x95: {  	p0 =	sne.s32 s2, $0x0;
	_ =	strace $0x9000004D  }
0x96: {  	s0 =	sadd.s32 @!p0 $0x100000, s1;
	[bflag:$0x2] =	sbarrier.arrive $0xFFFF  }
0x97: {  	[sflag:s0] =	ssyncadd.tile.s32 @!p0 $0x1;
	_ =	shalt  }
.Lfunc_end2:
_tile_overlayer_lowered:
.L_overlay_start_2:
0x98: {  	(tag) =	ssettag $0x2  }
0x99: {  	s0 =	rddreg [dreg:$0x0];
	s2 =	stileid.u32  }
0x9a: {  	s1 =	rddreg [dreg:$0x1];
	p0 =	sne.s32 s2, $0x0  }
0x9b: {  	s3 =	rddreg [dreg:$0x2];
	[bflag:$0x3] =	sbarrier.arrive $0xFFFF;
	s2 =	simm.s32 @!p0 $0x1C03  }
0x9c: {  	[timem:s3], [sflag:s2] =	dma.local @!p0 [hbm:s0], s1  }
0x9d: {  	s0 =	simm.s32 @!p0 $0x3  }
0x9e: {  	_ =	swait.ge @!p0 [sflag:s0], s1  }
0x9f: {  	s1 =	ssub.s32 @!p0 $0x0, s1;
	[sflag:s0] =	ssyncset.done @!p0 $0x0  }
0xa0: {  	[sflag:s0] =	ssyncadd.s32 @!p0 s1  }
0xa1: {  	[bflag:$0x3] =	sbarrier.arrive $0xFFFF  }
0xa2: {  	_ =	shalt  }

// kernel: kernel.19.cloned.1.call-start
scs
__scs_entry_jumppad:
0x0: {  	(pc) =	sbr.rel $0x88, $3  }
0x1: {  	(tag) =	ssettag $0x0;
	lr =	simm.s32 $0x1  }
0x2: {  	[smem:$0x3F9B] =	sst lr;
	_ =	strace $0xD0000000  }
0x3: {  	_ = 	snop  }
0x4: {  	_ = 	snop  }
0x5: {  	_ = 	snop  }
0x6: {  	_ = 	snop  }
0x7: {  	_ = 	snop  }
__scs_overlays_trampoline_lowered:
0x8: {  	[smem:$0x3FAA] =	sst s0  }
0x9: {  	[smem:$0x3FAB] =	sst s1  }
0xa: {  	[smem:$0x3FAC] =	sst s2  }
0xb: {  	[smem:$0x3FAD] =	sst s3  }
0xc: {  	[smem:$0x3FAE] =	sst s4  }
0xd: {  	[smem:$0x3FAF] =	sst s5  }
0xe: {  	[smem:$0x3FB0] =	sst s6  }
0xf: {  	[smem:$0x3FB1] =	sst s7  }
0x10: {  	[smem:$0x3FB2] =	sst s8  }
0x11: {  	[smem:$0x3FB3] =	sst s9;
	s0 =	simm.s32 @!p0 $0x0  }
0x12: {  	s1 =	sld [smem:$0x3F99];
	s0 =	simm.s32 @p0 $0x1  }
0x13: {  	[smem:$0x3FB4] =	sst s0;
	s0 =	simm.s32 @!p1 $0x0  }
0x14: {  	s2 =	sld [smem:$0x3F98];
	s0 =	simm.s32 @p1 $0x1  }
0x15: {  	[smem:$0x3FB5] =	sst s0;
	s0 =	simm.s32 @!p2 $0x0  }
0x16: {  	s3 =	sld [smem:$0x3FDB];
	s0 =	simm.s32 @p2 $0x1  }
0x17: {  	s4 =	simm.s32 $0x1BF5;
	[smem:$0x3FB7] =	sst s0  }
0x18: {  	s0 =	sld [smem:$0x3F9A];
	_ =	swait.ge [sflag:s4], $0x0  }
0x19: {  	s7 =	sld [smem:$0x3F9B]  }
0x1a: {  	s8 =	sadd.s32 $0xFFFFE003, lr  }
0x1b: {  	s9 =	sadd.s32 $0xFFFFFEF7, lr;
	s5 =	simm.s32 $0xFFFFFFFF;
	p2 =	slt.u32 s8, $0xFFFFF086  }
0x1c: {  	p1 =	slt.u32 s9, $0xF7A;
	s5 =	simm.s32 @!p2 $0x0  }
0x1d: {  	s5 =	simm.s32 @p1 $0x1;
	p0 =	seq.s32 s7, s2  }
0x1e: {  	s7 =	smul.u32 @!p0 $0xF7A, s2;
	p2 =	seq.s32 @!p0 s5, $0x0  }
0x1f: {  	s9 =	smul.u32 $0xF7A, s1;
	s8 =	simm.s32 @!p0 $0x1BF5;
	p2 =	por !p2, p0  }
0x20: {  	[sflag:s8] =	ssyncset.s32 @!p0 $0xFFFFF086;
	s6 =	sadd.s32 @!p0 s3, s7;
	s7 =	simm.s32 @!p0 $0x108  }
0x21: {  	s3 =	sadd.s32 s3, s9;
	s6 =	sadd.s32 @!p0 $0x88, s6;
	s7 =	simm.s32 @p2 $0x1082  }
0x22: {  	[simem:s7], [sflag:s8] =	dma.local @!p0 [hbm:s6], $0xF7A  }
0x23: {  	s9 =	sor.u32 $0xD0000000, s2;
	s6 =	simm.s32 $0x108;
	_ =	swait.ge @!p0 [sflag:s8], $0x0  }
0x24: {  	s3 =	sadd.s32 $0x88, s3;
	s6 =	simm.s32 @!p1 $0x1082;
	[sflag:s4] =	ssyncset.s32 $0xFFFFF086  }
0x25: {  	[simem:s6], [sflag:s4] =	dma.local [hbm:s3], $0xF7A  }
0x26: {  	[smem:$0x3F9B] =	sst s1;
	(tag) =	ssettag s2;
	_ =	strace s9  }
0x27: {  	s1 =	sld [smem:$0x3FAB]  }
0x28: {  	s2 =	sld [smem:$0x3FAC]  }
0x29: {  	s4 =	sld [smem:$0x3FAE]  }
0x2a: {  	p0 =	seq.s32 s5, $0x0;
	s5 =	sld [smem:$0x3FAF]  }
0x2b: {  	s6 =	sld [smem:$0x3FB0]  }
0x2c: {  	s7 =	sld [smem:$0x3FB1]  }
0x2d: {  	s3 =	simm.s32 $0x108;
	s8 =	sld [smem:$0x3FB2]  }
0x2e: {  	s3 =	simm.s32 @!p0 $0x1082;
	s9 =	sld [smem:$0x3FB3]  }
0x2f: {  	lr =	sadd.s32 s0, s3;
	s0 =	sld [smem:$0x3FAA]  }
0x30: {  	s3 =	sld [smem:$0x3FAD]  }
0x31: {  	[smem:$0x3FB6] =	sst s10  }
0x32: {  	s10 =	sld [smem:$0x3FB4];
	_ =	sdelay $0x3  }
0x33: {  	p0 =	seq.s32 s10, $0x1;
	s10 =	sld [smem:$0x3FB6];
	_ =	sdelay $0x3  }
0x34: {  	[smem:$0x3FB6] =	sst s10  }
0x35: {  	s10 =	sld [smem:$0x3FB5];
	_ =	sdelay $0x3  }
0x36: {  	p1 =	seq.s32 s10, $0x1;
	s10 =	sld [smem:$0x3FB6];
	_ =	sdelay $0x3  }
0x37: {  	[smem:$0x3FB6] =	sst s10  }
0x38: {  	s10 =	sld [smem:$0x3FB7]  }
0x39: {  	_ = 	snop;
	(pc) =	sbr.ind lr, $3  }
0x3a: {  	_ = 	snop  }
0x3b: {  	_ = 	snop  }
0x3c: {  	p2 =	seq.s32 s10, $0x1;
	s10 =	sld [smem:$0x3FB6]  }
0x3d: {  	_ =	shalt  }
0x3e: {  	_ =	shalt  }
0x3f: {  	_ =	shalt  }
0x40: {  	_ =	shalt  }
0x41: {  	_ =	shalt  }
0x42: {  	_ =	shalt  }
0x43: {  	_ =	shalt  }
0x44: {  	_ =	shalt  }
0x45: {  	_ =	shalt  }
0x46: {  	_ =	shalt  }
0x47: {  	_ =	shalt  }
0x48: {  	_ =	shalt  }
0x49: {  	_ =	shalt  }
0x4a: {  	_ =	shalt  }
0x4b: {  	_ =	shalt  }
0x4c: {  	_ =	shalt  }
0x4d: {  	_ =	shalt  }
0x4e: {  	_ =	shalt  }
0x4f: {  	_ =	shalt  }
0x50: {  	_ =	shalt  }
0x51: {  	_ =	shalt  }
0x52: {  	_ =	shalt  }
0x53: {  	_ =	shalt  }
0x54: {  	_ =	shalt  }
0x55: {  	_ =	shalt  }
0x56: {  	_ =	shalt  }
0x57: {  	_ =	shalt  }
0x58: {  	_ =	shalt  }
0x59: {  	_ =	shalt  }
0x5a: {  	_ =	shalt  }
0x5b: {  	_ =	shalt  }
0x5c: {  	_ =	shalt  }
0x5d: {  	_ =	shalt  }
0x5e: {  	_ =	shalt  }
0x5f: {  	_ =	shalt  }
0x60: {  	_ =	shalt  }
0x61: {  	_ =	shalt  }
0x62: {  	_ =	shalt  }
0x63: {  	_ =	shalt  }
0x64: {  	_ =	shalt  }
0x65: {  	_ =	shalt  }
0x66: {  	_ =	shalt  }
0x67: {  	_ =	shalt  }
0x68: {  	_ =	shalt  }
0x69: {  	_ =	shalt  }
0x6a: {  	_ =	shalt  }
0x6b: {  	_ =	shalt  }
0x6c: {  	_ =	shalt  }
0x6d: {  	_ =	shalt  }
0x6e: {  	_ =	shalt  }
0x6f: {  	_ =	shalt  }
0x70: {  	_ =	shalt  }
0x71: {  	_ =	shalt  }
0x72: {  	_ =	shalt  }
0x73: {  	_ =	shalt  }
0x74: {  	_ =	shalt  }
0x75: {  	_ =	shalt  }
0x76: {  	_ =	shalt  }
0x77: {  	_ =	shalt  }
0x78: {  	_ =	shalt  }
0x79: {  	_ =	shalt  }
0x7a: {  	_ =	shalt  }
0x7b: {  	_ =	shalt  }
0x7c: {  	_ =	shalt  }
0x7d: {  	_ =	shalt  }
0x7e: {  	_ =	shalt  }
0x7f: {  	_ =	shalt  }
0x80: {  	_ =	shalt  }
0x81: {  	_ =	shalt  }
0x82: {  	_ =	shalt  }
0x83: {  	_ =	shalt  }
0x84: {  	_ =	shalt  }
0x85: {  	_ =	shalt  }
0x86: {  	_ =	shalt  }
0x87: {  	_ =	shalt  }
.Lfunc_end0:
.L_simem_size_0:
called_computation.3_lowered:
.L_overlay_start_0:
0x88: {  	s2 =	sld [smem:$0x3FD9]  }
0x89: {  	s3 =	sld [smem:$0x3FFE];
	_ =	sdelay $0x1  }
0x8a: {  	s1 =	srdreg.scid  }
0x8b: {  	s0 =	sand.u32 $0x1, s1  }
0x8c: {  	s14 =	sshll.u32 s0, $0xA;
	s2 =	sadd.s32 s3, s2  }
0x8d: {  	s2 =	sadd.s32 s2, s14  }
0x8e: {  	[smem:$0x3FC2] =	sst s2  }
0x8f: {  	_ = 	snop  }
0x90: {  	s2 =	sld [smem:$0x3FD0];
	_ =	sdelay $0x2  }
0x91: {  	s15 =	simm.s32 $0xA;
	s4 =	simm.s32 $0x10  }
0x92: {  	[smem:s4], [sflag:s15] =	dma.local [hbm:s2], $0x1  }
0x93: {  	_ =	swait.eq [sflag:s15], $0x1  }
0x94: {  	[sflag:s15] =	ssyncset.done $0x0  }
0x95: {  	s16 =	sld [smem:$0x10];
	[sflag:s15] =	ssyncadd.s32 $0xFFFFFFFF  }
0x96: {  	s17 =	sld [smem:$0x11];
	(tm) =	ssettm $0x1  }
0x97: {  	s18 =	sld [smem:$0x3FFB];
	_ =	sdelay $0x3  }
0x98: {  	_ =	strace s18  }
0x99: {  	s4 =	sld [smem:$0x3FFC];
	_ =	sdelay $0x3  }
0x9a: {  	_ =	strace s4  }
0x9b: {  	s4 =	sld [smem:$0x3FFD];
	_ =	sdelay $0x3  }
0x9c: {  	_ =	strace s4  }
0x9d: {  	_ =	strace $0x8FFFFFFF  }
0x9e: {  	s19 =	sld [smem:$0x3FDB];
	_ =	sdelay $0x1  }
0x9f: {  	s5 =	simm.s32 $_scs_section_size  }
0xa0: {  	s6 =	simm.s32 $_size__tile_overlayer_lowered;
	s7 =	simm.s32 $_tile_overlayer_lowered  }
0xa1: {  	s22 =	simm.s32 $0x1BFF;
	s21 =	sshll.u32 s7, $0x1;
	s4 =	sadd.s32 s5, s19  }
0xa2: {  	s8 =	simm.s32 $0x0;
	s20 =	sshll.u32 s6, $0x1;
	s6 =	sadd.s32 s21, s4  }
0xa3: {  	[timem:s8], [sflag:s22] =	dma.local [hbm:s6], s20  }
0xa4: {  	_ =	swait.ge [sflag:s22], s20  }
0xa5: {  	s5 =	ssub.s32 $0x0, s20;
	[sflag:s22] =	ssyncset.done $0x0  }
0xa6: {  	[sflag:s22] =	ssyncadd.s32 s5;
	_ =	sdelay $0x1  }
0xa7: {  	s23 =	simm.s32 $0x1B8B  }
0xa8: {  	_ =	swait.ge [sflag:s23], $0x1  }
0xa9: {  	[sflag:s23] =	ssyncset.done $0x0  }
0xaa: {  	s25 =	simm.s32 $0x1B8E;
	s24 =	sld [smem:$0x3FFE];
	[sflag:s23] =	ssyncadd.s32 $0xFFFFFFFF  }
0xab: {  	s26 =	simm.s32 $execute0_lowered;
	[smem:$0x3FD2] =	sst s25  }
0xac: {  	s6 =	sshll.u32 s26, $0x1;
	_ =	strace $0x8000004F;
	[dreg:$0x1] =	wrdreg $0xFFFFFFFF  }
0xad: {  	s28 =	simm.s32 $_size_execute0_lowered;
	s4 =	sadd.s32 s4, s6;
	[dreg:$0x0] =	wrdreg $0x0  }
0xae: {  	s6 =	sshll.u32 s28, $0x1;
	[dreg:$0x2] =	wrdreg s4  }
0xaf: {  	[dreg:$0x3] =	wrdreg s6  }
0xb0: {  	[dreg:$0x4] =	wrdreg $0xC0  }
0xb1: {  	_ =	task [dreg:s8], $0x5FFFF  }
0xb2: {  	[dreg:$0x1] =	wrdreg $0xFFFFFFFF  }
0xb3: {  	[dreg:$0x0] =	wrdreg $0x60  }
0xb4: {  	[dreg:$0x2] =	wrdreg s16  }
0xb5: {  	[dreg:$0x3] =	wrdreg s17  }
0xb6: {  	[dreg:$0x4] =	wrdreg s24  }
0xb7: {  	[dreg:$0x5] =	wrdreg $0xA8000  }
0xb8: {  	[dreg:$0x6] =	wrdreg $0x9  }
0xb9: {  	_ =	task.clear_ibuf [dreg:s8], $0x7FFFF;
	_ =	strace $0x9000004F  }
0xba: {  	s29 =	simm.s32 $0x9;
	_ =	strace $0x80000051  }
0xbb: {  	_ =	swait.ge [sflag:s29], $0x1  }
0xbc: {  	[sflag:s29] =	ssyncadd.s32 $0xFFFFFFFF  }
0xbd: {  	_ =	strace $0x90000051  }
0xbe: {  	_ =	sfence  }
0xbf: {  	s30 =	sld [smem:$0x0];
	_ =	sdelay $0x2  }
0xc0: {  	s31 =	sshll.u32 s1, $0xD;
	s1 =	sshrl.u32 s1, $0x2  }
0xc1: {  	s3 =	sand.u32 $0x4000, s31;
	s1 =	sadd.s32 s1, s30  }
0xc2: {  	s0 =	sor.u32 s3, s0;
	s1 =	sshll.u32 s1, $0x11  }
0xc3: {  	s0 =	sor.u32 s1, s0  }
0xc4: {  	s0 =	sadd.s32 $0x8F2B, s0  }
0xc5: {  	[sflag:s0] =	ssyncadd.remote.s32 $0x1  }
0xc6: {  	_ =	sfence.sel $0xFFFF  }
0xc7: {  	[dreg:$0x0] =	wrdreg $0xFFFFFFFF;
	(pc) =	sbr.abs _section_cstart, $3  }
0xc8: {  	[dreg:$0x1] =	wrdreg $0xFFFFFFFF  }
0xc9: {  	_ =	task.clear_ibuf [dreg:s8], $0x2FFFF;
	_ =	strace $0x9FFFFFFF  }
0xca: {  	(tm) =	ssettm $0x7FFFFFFF  }
0xcb: {  	_ =	shalt  }
tec
execute0_lowered:
.L_overlay_start_1:
0x0: {  	(tag) =	ssettag $0x1  }
0x1: {  	s0 =	rddreg [dreg:$0x0]  }
0x2: {  	s9 =	rddreg [dreg:$0x1]  }
0x3: {  	s6 =	rddreg [dreg:$0x2];
	s1 =	srdreg.scid  }
0x4: {  	s3 =	rddreg [dreg:$0x3];
	s2 =	stileid.u32  }
0x5: {  	s4 =	simm.s32 $0x0;
	s16 =	simm.s32 $0x2800;
	s17 =	simm.s32 $0x6800  }
0x6: {  	s18 =	simm.s32 $0x1400;
	s19 =	simm.s32 $0x1;
	s20 =	simm.s32 $0x2  }
0x7: {  	s21 =	simm.s32 $0x2700;
	s22 =	simm.s32 $0x2780;
	s23 =	simm.s32 $0x0  }
0x8: {  	s7 =	sand.u32 $0x1, s1;
	s1 =	rddreg [dreg:$0x4];
	s8 =	smul.u32 $0x13C00, s2  }
0x9: {  	[smem:$0x7FF] =	sst s4;
	s10 =	sadd.s32 $0x3A00, s6;
	s12 =	smul.u32 $0x4F000, s2  }
0xa: {  	s31 =	sshll.u32 s2, $0x6;
	s5 =	smul.u32 $0x13C000, s7;
	s11 =	sshll.u32 s7, $0x4  }
0xb: {  	_ =	strace $0x80000050;
	s7 =	ssub.s32 $0x2, s7;
	s11 =	sor.u32 s2, s11  }
0xc: {  	s28 =	sshrl.u32 s7, $0x1;
	s30 =	sshrl.u32 s12, $0x2;
	s8 =	sadd.s32 s8, s5  }
0xd: {  	s5 =	sadd.s32 $0xDA00, s6;
	s29 =	smul.u32 $0x2800, s11;
	s14 =	ssub.s32 s7, s28  }
0xe: {  	s15 =	sadd.s32 s30, s3;
	s8 =	sshrl.u32 s8, $0x3;
	s12 =	smax.u32 s14, $0x1  }
0xf: {  	s14 =	simm.s32 $0x3;
	s13 =	sadd.s32 s8, s6;
	s11 =	sshrl.u32 s29, $0x3  }
0x10: {  	s7 =	sadd.s32 s9, s11;
	s8 =	sadd.s32 s10, s11;
	s11 =	sadd.s32 $0x280, s11  }
0x11: {  	s6 =	sor.u32 $0x1C03, s31;
	s9 =	sadd.s32 s9, s11;
	s10 =	sadd.s32 s10, s11  }
0x12: {  	s11 =	sadd.s32 $0x10200, s13;
	s13 =	sshrl.u32 s15, $0x3;
	s15 =	simm.s32 $0x80  }
.LBB2_1:
0x13: {  	[spmem:s13], [sflag:s6] =	dma.local [hbm:s5], $0x2780  }
0x14: {  	_ =	swait.ge [sflag:s14], $0x2780  }
0x15: {  	[sflag:s14] =	ssyncset.done $0x0  }
0x16: {  	[sflag:s14] =	ssyncadd.s32 $0xFFFFD880  }
0x17: {  	[bflag:$0x0] =	sbarrier.arrive $0xFFFF  }
0x18: {  	[tilespmem:s4], [sflag:$0x3] =	stream.linear.gather [hbm4b:s7+s4], $0x1400, $0x38;
	[tilespmem:$0x1E400] =	vst v63  }
0x19: {  	_ =	swait.ge [sflag:s14], $0x1400  }
0x1a: {  	[sflag:s14] =	ssyncset.done $0x0  }
0x1b: {  	[sflag:s14] =	ssyncadd.s32 $0xFFFFEC00  }
0x1c: {  	[tilespmem:s16], [sflag:$0x1] =	stream.indirect.gather [hbm4b:s0+s15], $0x80, s4, s15, $0xb8;
	[tilespmem:$0x1E400] =	vst v63  }
0x1d: {  	_ = 	snop  }
0x1e: {  	[tilespmem:s17], [sflag:$0x2] =	stream.indirect.gather [hbm4b:s0+s15], $0x80, s15, s15, $0xb8;
	[tilespmem:$0x1E400] =	vst v63  }
0x1f: {  	_ = 	snop  }
0x20: {  	[tilespmem:s18], [sflag:$0x3] =	stream.linear.gather [hbm4b:s8+s4], $0x1400, $0x38;
	[tilespmem:$0x1E400] =	vst v63  }
0x21: {  	_ =	swait.ge [sflag:s14], $0x1400  }
0x22: {  	[sflag:s14] =	ssyncset.done $0x0  }
0x23: {  	[sflag:s14] =	ssyncadd.s32 $0xFFFFEC00  }
0x24: {  	_ =	swait.ge [sflag:s19], $0x4000  }
0x25: {  	[sflag:s19] =	ssyncset.done $0x0  }
0x26: {  	s24 =	simm.s32 $0x1400;
	[sflag:s19] =	ssyncadd.s32 $0xFFFFC000  }
0x27: {  	[spmem:s3] =	stream.indirect.scatter.add.f32 [tilespmem:s16], [sflag:$0x3], $0x80, s24, s15, $0xb8;
	[tilespmem:$0x1E400] =	vst v63  }
0x28: {  	_ =	swait.ge [sflag:s14], $0x4000  }
0x29: {  	[sflag:s14] =	ssyncset.done $0x0  }
0x2a: {  	s30 =	simm.s32 $0x100;
	[sflag:s14] =	ssyncadd.s32 $0xFFFFC000  }
0x2b: {  	[tilespmem:s16], [sflag:$0x1] =	stream.indirect.gather [hbm4b:s0+s15], $0x80, s30, s15, $0xb8;
	[tilespmem:$0x1E400] =	vst v63  }
0x2c: {  	_ =	swait.ge [sflag:s20], $0x4000  }
0x2d: {  	[sflag:s20] =	ssyncset.done $0x0  }
0x2e: {  	s31 =	simm.s32 $0x1480;
	[sflag:s20] =	ssyncadd.s32 $0xFFFFC000  }
0x2f: {  	[spmem:s3] =	stream.indirect.scatter.add.f32 [tilespmem:s17], [sflag:$0x3], $0x80, s31, s15, $0xb8;
	[tilespmem:$0x1E400] =	vst v63  }
0x30: {  	_ =	swait.ge [sflag:s14], $0x4000  }
0x31: {  	[sflag:s14] =	ssyncset.done $0x0  }
0x32: {  	s25 =	simm.s32 $0x180;
	s24 =	simm.s32 $0x400;
	[sflag:s14] =	ssyncadd.s32 $0xFFFFC000  }
.LBB2_2:
0x33: {  	[tilespmem:s17], [sflag:$0x2] =	stream.indirect.gather [hbm4b:s0+s15], $0x80, s25, s15, $0xb8;
	[tilespmem:$0x1E400] =	vst v63  }
0x34: {  	s25 =	smov.u32 s24  }
0x35: {  	p0 =	sne.s32 s24, $0x4800;
	s24 =	sadd.s32 $0x400, s24;
	_ =	swait.ge [sflag:s19], $0x4000  }
0x36: {  	s25 =	sshra.s32 s25, $0x2;
	[sflag:s19] =	ssyncset.done $0x0  }
0x37: {  	s26 =	sadd.s32 $0x1400, s25;
	[sflag:s19] =	ssyncadd.s32 $0xFFFFC000  }
0x38: {  	[spmem:s3] =	stream.indirect.scatter.add.f32 [tilespmem:s16], [sflag:$0x3], $0x80, s26, s15, $0xb8;
	[tilespmem:$0x1E400] =	vst v63  }
0x39: {  	_ =	swait.ge [sflag:s14], $0x4000  }
0x3a: {  	[sflag:s14] =	ssyncset.done $0x0  }
0x3b: {  	s26 =	sadd.s32 $0x100, s25;
	[sflag:s14] =	ssyncadd.s32 $0xFFFFC000  }
0x3c: {  	[tilespmem:s16], [sflag:$0x1] =	stream.indirect.gather [hbm4b:s0+s15], $0x80, s26, s15, $0xb8;
	[tilespmem:$0x1E400] =	vst v63  }
0x3d: {  	_ =	swait.ge [sflag:s20], $0x4000  }
0x3e: {  	[sflag:s20] =	ssyncset.done $0x0  }
.Ltmp0:
0x3f: {  	s26 =	sadd.s32 $0x1480, s25;
	[sflag:s20] =	ssyncadd.s32 $0xFFFFC000;
	(pc) =	sbr.rel @p0 .LBB2_2-.Ltmp0, $4  }
0x40: {  	[spmem:s3] =	stream.indirect.scatter.add.f32 [tilespmem:s17], [sflag:$0x3], $0x80, s26, s15, $0xb8;
	[tilespmem:$0x1E400] =	vst v63  }
0x41: {  	_ =	swait.ge [sflag:s14], $0x4000  }
0x42: {  	[sflag:s14] =	ssyncset.done $0x0  }
0x43: {  	s25 =	sadd.s32 $0x180, s25;
	[sflag:s14] =	ssyncadd.s32 $0xFFFFC000  }
0x44: {  	[tilespmem:s17], [sflag:$0x2] =	stream.indirect.gather [hbm4b:s0+s15], $0x80, s25, s15, $0xb8;
	[tilespmem:$0x1E400] =	vst v63  }
0x45: {  	_ =	swait.ge [sflag:s19], $0x4000  }
0x46: {  	[sflag:s19] =	ssyncset.done $0x0  }
0x47: {  	[sflag:s19] =	ssyncadd.s32 $0xFFFFC000  }
0x48: {  	[spmem:s3] =	stream.indirect.scatter.add.f32 [tilespmem:s16], [sflag:$0x3], $0x80, s21, s15, $0xb8;
	[tilespmem:$0x1E400] =	vst v63  }
0x49: {  	_ =	swait.ge [sflag:s14], $0x4000  }
0x4a: {  	[sflag:s14] =	ssyncset.done $0x0  }
0x4b: {  	[sflag:s14] =	ssyncadd.s32 $0xFFFFC000  }
0x4c: {  	_ =	swait.ge [sflag:s20], $0x4000  }
0x4d: {  	[sflag:s20] =	ssyncset.done $0x0  }
0x4e: {  	[sflag:s20] =	ssyncadd.s32 $0xFFFFC000  }
0x4f: {  	[spmem:s3] =	stream.indirect.scatter.add.f32 [tilespmem:s17], [sflag:$0x3], $0x80, s22, s15, $0xb8;
	[tilespmem:$0x1E400] =	vst v63  }
0x50: {  	_ =	swait.ge [sflag:s14], $0x4000  }
0x51: {  	[sflag:s14] =	ssyncset.done $0x0  }
0x52: {  	s24 =	simm.s32 $0x0;
	[sflag:s14] =	ssyncadd.s32 $0xFFFFC000  }
0x53: {  	[tilespmem:s24], [sflag:$0x3] =	stream.linear.gather [hbm4b:s9+s24], $0x1400, $0x38;
	[tilespmem:$0x1E400] =	vst v63  }
0x54: {  	_ =	swait.ge [sflag:s14], $0x1400  }
0x55: {  	[sflag:s14] =	ssyncset.done $0x0  }
0x56: {  	[sflag:s14] =	ssyncadd.s32 $0xFFFFEC00  }
0x57: {  	[tilespmem:s16], [sflag:$0x1] =	stream.indirect.gather [hbm4b:s0+s15], $0x80, s24, s15, $0xb8;
	[tilespmem:$0x1E400] =	vst v63  }
0x58: {  	_ = 	snop  }
0x59: {  	[tilespmem:s17], [sflag:$0x2] =	stream.indirect.gather [hbm4b:s0+s15], $0x80, s15, s15, $0xb8;
	[tilespmem:$0x1E400] =	vst v63  }
0x5a: {  	_ = 	snop  }
0x5b: {  	[tilespmem:s18], [sflag:$0x3] =	stream.linear.gather [hbm4b:s10+s24], $0x1400, $0x38;
	[tilespmem:$0x1E400] =	vst v63  }
0x5c: {  	_ =	swait.ge [sflag:s14], $0x1400  }
0x5d: {  	[sflag:s14] =	ssyncset.done $0x0  }
0x5e: {  	[sflag:s14] =	ssyncadd.s32 $0xFFFFEC00  }
0x5f: {  	_ =	swait.ge [sflag:s19], $0x4000  }
0x60: {  	[sflag:s19] =	ssyncset.done $0x0  }
0x61: {  	s29 =	simm.s32 $0x1400;
	[sflag:s19] =	ssyncadd.s32 $0xFFFFC000  }
0x62: {  	[spmem:s3] =	stream.indirect.scatter.add.f32 [tilespmem:s16], [sflag:$0x3], $0x80, s29, s15, $0xb8;
	[tilespmem:$0x1E400] =	vst v63  }
0x63: {  	_ =	swait.ge [sflag:s14], $0x4000  }
0x64: {  	[sflag:s14] =	ssyncset.done $0x0  }
0x65: {  	s30 =	simm.s32 $0x100;
	[sflag:s14] =	ssyncadd.s32 $0xFFFFC000  }
0x66: {  	[tilespmem:s16], [sflag:$0x1] =	stream.indirect.gather [hbm4b:s0+s15], $0x80, s30, s15, $0xb8;
	[tilespmem:$0x1E400] =	vst v63  }
0x67: {  	_ =	swait.ge [sflag:s20], $0x4000  }
0x68: {  	[sflag:s20] =	ssyncset.done $0x0  }
0x69: {  	s31 =	simm.s32 $0x1480;
	[sflag:s20] =	ssyncadd.s32 $0xFFFFC000  }
0x6a: {  	[spmem:s3] =	stream.indirect.scatter.add.f32 [tilespmem:s17], [sflag:$0x3], $0x80, s31, s15, $0xb8;
	[tilespmem:$0x1E400] =	vst v63  }
0x6b: {  	_ =	swait.ge [sflag:s14], $0x4000  }
0x6c: {  	[sflag:s14] =	ssyncset.done $0x0  }
0x6d: {  	s25 =	simm.s32 $0x180;
	s24 =	simm.s32 $0x400;
	[sflag:s14] =	ssyncadd.s32 $0xFFFFC000  }
.LBB2_4:
0x6e: {  	[tilespmem:s17], [sflag:$0x2] =	stream.indirect.gather [hbm4b:s0+s15], $0x80, s25, s15, $0xb8;
	[tilespmem:$0x1E400] =	vst v63  }
0x6f: {  	s25 =	smov.u32 s24  }
0x70: {  	p0 =	sne.s32 s24, $0x4800;
	s24 =	sadd.s32 $0x400, s24;
	_ =	swait.ge [sflag:s19], $0x4000  }
0x71: {  	s25 =	sshra.s32 s25, $0x2;
	[sflag:s19] =	ssyncset.done $0x0  }
0x72: {  	s26 =	sadd.s32 $0x1400, s25;
	[sflag:s19] =	ssyncadd.s32 $0xFFFFC000  }
0x73: {  	[spmem:s3] =	stream.indirect.scatter.add.f32 [tilespmem:s16], [sflag:$0x3], $0x80, s26, s15, $0xb8;
	[tilespmem:$0x1E400] =	vst v63  }
0x74: {  	_ =	swait.ge [sflag:s14], $0x4000  }
0x75: {  	[sflag:s14] =	ssyncset.done $0x0  }
0x76: {  	s26 =	sadd.s32 $0x100, s25;
	[sflag:s14] =	ssyncadd.s32 $0xFFFFC000  }
0x77: {  	[tilespmem:s16], [sflag:$0x1] =	stream.indirect.gather [hbm4b:s0+s15], $0x80, s26, s15, $0xb8;
	[tilespmem:$0x1E400] =	vst v63  }
0x78: {  	_ =	swait.ge [sflag:s20], $0x4000  }
0x79: {  	[sflag:s20] =	ssyncset.done $0x0  }
.Ltmp1:
0x7a: {  	s26 =	sadd.s32 $0x1480, s25;
	[sflag:s20] =	ssyncadd.s32 $0xFFFFC000;
	(pc) =	sbr.rel @p0 .LBB2_4-.Ltmp1, $4  }
0x7b: {  	[spmem:s3] =	stream.indirect.scatter.add.f32 [tilespmem:s17], [sflag:$0x3], $0x80, s26, s15, $0xb8;
	[tilespmem:$0x1E400] =	vst v63  }
0x7c: {  	_ =	swait.ge [sflag:s14], $0x4000  }
0x7d: {  	[sflag:s14] =	ssyncset.done $0x0  }
0x7e: {  	s25 =	sadd.s32 $0x180, s25;
	[sflag:s14] =	ssyncadd.s32 $0xFFFFC000  }
0x7f: {  	[tilespmem:s17], [sflag:$0x2] =	stream.indirect.gather [hbm4b:s0+s15], $0x80, s25, s15, $0xb8;
	[tilespmem:$0x1E400] =	vst v63  }
0x80: {  	_ =	swait.ge [sflag:s19], $0x4000  }
0x81: {  	[sflag:s19] =	ssyncset.done $0x0  }
0x82: {  	[sflag:s19] =	ssyncadd.s32 $0xFFFFC000  }
0x83: {  	[spmem:s3] =	stream.indirect.scatter.add.f32 [tilespmem:s16], [sflag:$0x3], $0x80, s21, s15, $0xb8;
	[tilespmem:$0x1E400] =	vst v63  }
0x84: {  	_ =	swait.ge [sflag:s14], $0x4000  }
0x85: {  	[sflag:s14] =	ssyncset.done $0x0  }
0x86: {  	[sflag:s14] =	ssyncadd.s32 $0xFFFFC000  }
0x87: {  	_ =	swait.ge [sflag:s20], $0x4000  }
0x88: {  	[sflag:s20] =	ssyncset.done $0x0  }
0x89: {  	[sflag:s20] =	ssyncadd.s32 $0xFFFFC000  }
0x8a: {  	[spmem:s3] =	stream.indirect.scatter.add.f32 [tilespmem:s17], [sflag:$0x3], $0x80, s22, s15, $0xb8;
	[tilespmem:$0x1E400] =	vst v63  }
0x8b: {  	_ =	swait.ge [sflag:s14], $0x4000  }
0x8c: {  	s23 =	sadd.s32 $0x1, s23;
	[sflag:s14] =	ssyncset.done $0x0  }
0x8d: {  	p0 =	sne.s32 s23, s12;
	[sflag:s14] =	ssyncadd.s32 $0xFFFFC000  }
.Ltmp2:
0x8e: {  	[bflag:$0x0] =	sbarrier.arrive $0xFFFF;
	(pc) =	sbr.rel @p0 .LBB2_1-.Ltmp2, $4  }
0x8f: {  	[hbm:s11], [sflag:s6] =	dma.local [spmem:s13], $0x2780  }
0x90: {  	_ =	swait.ge [sflag:s14], $0x2780  }
0x91: {  	[sflag:s14] =	ssyncset.done $0x0  }
0x92: {  	[sflag:s14] =	ssyncadd.s32 $0xFFFFD880  }
0x93: {  	_ =	sfence.sel $0x180000  }
0x94: {  	[bflag:$0x0] =	sbarrier.arrive $0xFFFF  }
0x95: {  	p0 =	sne.s32 s2, $0x0;
	_ =	strace $0x90000050  }
0x96: {  	s0 =	sadd.s32 @!p0 $0x100000, s1;
	[bflag:$0x2] =	sbarrier.arrive $0xFFFF  }
0x97: {  	[sflag:s0] =	ssyncadd.tile.s32 @!p0 $0x1;
	_ =	shalt  }
.Lfunc_end2:
_tile_overlayer_lowered:
.L_overlay_start_2:
0x98: {  	(tag) =	ssettag $0x2  }
0x99: {  	s0 =	rddreg [dreg:$0x0];
	s2 =	stileid.u32  }
0x9a: {  	s1 =	rddreg [dreg:$0x1];
	p0 =	sne.s32 s2, $0x0  }
0x9b: {  	s3 =	rddreg [dreg:$0x2];
	[bflag:$0x3] =	sbarrier.arrive $0xFFFF;
	s2 =	simm.s32 @!p0 $0x1C03  }
0x9c: {  	[timem:s3], [sflag:s2] =	dma.local @!p0 [hbm:s0], s1  }
0x9d: {  	s0 =	simm.s32 @!p0 $0x3  }
0x9e: {  	_ =	swait.ge @!p0 [sflag:s0], s1  }
0x9f: {  	s1 =	ssub.s32 @!p0 $0x0, s1;
	[sflag:s0] =	ssyncset.done @!p0 $0x0  }
0xa0: {  	[sflag:s0] =	ssyncadd.s32 @!p0 s1  }
0xa1: {  	[bflag:$0x3] =	sbarrier.arrive $0xFFFF  }
0xa2: {  	_ =	shalt  }

</sc_bundles>
